<compile_context>
chip_gen: v7x
topology: tpu7x:2x2x1
jax: 0.10.2.dev20260603
libtpu: 0.0.44.dev20260713+nightly
codegen_flags: <defaults>
</compile_context>

<pallas_src>
import functools

import jax
import jax.numpy as jnp
from jax import lax
from jax.experimental import pallas as pl
from jax.experimental.pallas import tpu as pltpu
from jax.experimental.pallas import tpu_sc as plsc

_C = 128
_P = 8
_D = 256
_STRIDE = 8
_COEF = 0.999
_LOSS_W = 0.1
_EPS = 1e-12

_B = 2
_HW0 = 8
_HW1 = 18432
_N1 = 11264
_SEG_CB = 16

_NC = 2
_NS = 16
_L = 16
_NW = _NC * _NS
_NPROTO = _C * _P
_PP = _NPROTO // _NW
_ROWS = 64
_DG = _D // _L

_SC_W1 = _HW1 - _N1
_CPR = _NW // _HW0
_PX = _SC_W1 // _CPR
_GV = _PX // _L
_CR = 8
_NSLAB = _C // _CR


def _bank_sc_part(mb_hbm, bank_out, buf0, buf1, stage, sem0, sem1, wid):
    base = wid * _PP
    bufs = (buf0, buf1)
    sems = (sem0, sem1)
    pltpu.async_copy(mb_hbm.at[base], buf0, sem0)

    @pl.loop(0, _PP, step=2)
    def _outer(k):
        for par in range(2):
            p = k + par
            nxt = p + 1

            @pl.when(nxt < _PP)
            def _():
                pltpu.async_copy(mb_hbm.at[base + nxt], bufs[1 - par],
                                 sems[1 - par])

            buf = bufs[par]
            pltpu.make_async_copy(mb_hbm.at[base + p], buf, sems[par]).wait()

            def row_body(r, carry):
                return tuple(carry[g] + buf[r, pl.ds(g * _L, _L)]
                             for g in range(_DG))

            init = tuple(jnp.zeros((_L,), jnp.float32) for _ in range(_DG))
            sums = lax.fori_loop(0, _ROWS, row_body, init)
            for g in range(_DG):
                stage[p, pl.ds(g * _L, _L)] = sums[g]

    pltpu.sync_copy(stage, bank_out.at[pl.ds(base, _PP)])


def _seg_sc_part(logits_hbm, target_hbm, m_out, s_out, g_out,
                 sbuf0, sbuf1, t_buf, m_buf, s_buf, g_buf,
                 ssem0, ssem1, wid):
    row = wid // _CPR
    col0 = _N1 + (wid % _CPR) * _PX
    ocol0 = (wid % _CPR) * _PX
    bufs = (sbuf0, sbuf1)
    sems = (ssem0, ssem1)

    for bi in range(_B):
        pltpu.sync_copy(target_hbm.at[bi, row, pl.ds(col0, _PX)], t_buf)

        @pl.loop(0, _GV)
        def _init(g):
            off = g * _L
            m_buf[pl.ds(off, _L)] = jnp.full((_L,), -jnp.inf, jnp.float32)
            s_buf[pl.ds(off, _L)] = jnp.zeros((_L,), jnp.float32)
            g_buf[pl.ds(off, _L)] = jnp.zeros((_L,), jnp.float32)

        pltpu.async_copy(
            logits_hbm.at[bi, pl.ds(0, _CR), row, pl.ds(col0, _PX)],
            sbuf0, ssem0)

        @pl.loop(0, _NSLAB, step=2)
        def _slabs(sl):
            for par in range(2):
                s_idx = sl + par
                nxt = s_idx + 1

                @pl.when(nxt < _NSLAB)
                def _():
                    pltpu.async_copy(
                        logits_hbm.at[bi, pl.ds(nxt * _CR, _CR), row,
                                      pl.ds(col0, _PX)],
                        bufs[1 - par], sems[1 - par])

                buf = bufs[par]
                pltpu.make_async_copy(
                    logits_hbm.at[bi, pl.ds(s_idx * _CR, _CR), row,
                                  pl.ds(col0, _PX)],
                    buf, sems[par]).wait()
                cbase = s_idx * _CR

                @pl.loop(0, _GV)
                def _grp(g):
                    off = g * _L
                    xs = [buf[r, pl.ds(off, _L)] for r in range(_CR)]
                    sm = xs[0]
                    for r in range(1, _CR):
                        sm = jnp.maximum(sm, xs[r])
                    m_old = m_buf[pl.ds(off, _L)]
                    m_new = jnp.maximum(m_old, sm)
                    s_val = s_buf[pl.ds(off, _L)] * jnp.exp(m_old - m_new)
                    tv = t_buf[pl.ds(off, _L)]
                    g_val = g_buf[pl.ds(off, _L)]
                    for r in range(_CR):
                        s_val = s_val + jnp.exp(xs[r] - m_new)
                        g_val = g_val + jnp.where(tv == cbase + r, xs[r], 0.0)
                    m_buf[pl.ds(off, _L)] = m_new
                    s_buf[pl.ds(off, _L)] = s_val
                    g_buf[pl.ds(off, _L)] = g_val

        pltpu.sync_copy(m_buf, m_out.at[bi, row, pl.ds(ocol0, _PX)])
        pltpu.sync_copy(s_buf, s_out.at[bi, row, pl.ds(ocol0, _PX)])
        pltpu.sync_copy(g_buf, g_out.at[bi, row, pl.ds(ocol0, _PX)])


@functools.partial(
    pl.kernel,
    out_type=(
        jax.ShapeDtypeStruct((_NPROTO, _D), jnp.float32),
        jax.ShapeDtypeStruct((_B, _HW0, _SC_W1), jnp.float32),
        jax.ShapeDtypeStruct((_B, _HW0, _SC_W1), jnp.float32),
        jax.ShapeDtypeStruct((_B, _HW0, _SC_W1), jnp.float32),
    ),
    mesh=plsc.VectorSubcoreMesh(core_axis_name="c", subcore_axis_name="s"),
    scratch_types=[
        pltpu.VMEM((_ROWS, _D), jnp.float32),
        pltpu.VMEM((_ROWS, _D), jnp.float32),
        pltpu.VMEM((_PP, _D), jnp.float32),
        pltpu.VMEM((_CR, _PX), jnp.float32),
        pltpu.VMEM((_CR, _PX), jnp.float32),
        pltpu.VMEM((_PX,), jnp.int32),
        pltpu.VMEM((_PX,), jnp.float32),
        pltpu.VMEM((_PX,), jnp.float32),
        pltpu.VMEM((_PX,), jnp.float32),
        pltpu.SemaphoreType.DMA,
        pltpu.SemaphoreType.DMA,
        pltpu.SemaphoreType.DMA,
        pltpu.SemaphoreType.DMA,
    ],
)
def _sc_kernel(mb_hbm, logits_hbm, target_hbm,
               bank_out, m_out, s_out, g_out,
               buf0, buf1, stage, sbuf0, sbuf1, t_buf, m_buf, s_buf, g_buf,
               sem0, sem1, ssem0, ssem1):
    wid = lax.axis_index("s") * _NC + lax.axis_index("c")
    _bank_sc_part(mb_hbm, bank_out, buf0, buf1, stage, sem0, sem1, wid)
    _seg_sc_part(logits_hbm, target_hbm, m_out, s_out, g_out,
                 sbuf0, sbuf1, t_buf, m_buf, s_buf, g_buf,
                 ssem0, ssem1, wid)


def _seg_ce_kernel(x_ref, t_ref, acc_ref, m_acc, s_acc, g_acc):
    i = pl.program_id(0)
    cb = pl.program_id(1)
    ncb = pl.num_programs(1)
    x = x_ref[0]
    t = t_ref[0]

    @pl.when(cb == 0)
    def _():
        m_acc[...] = jnp.full((_HW0, _N1), -jnp.inf, jnp.float32)
        s_acc[...] = jnp.zeros((_HW0, _N1), jnp.float32)
        g_acc[...] = jnp.zeros((_HW0, _N1), jnp.float32)

    cls = cb * _SEG_CB + jax.lax.broadcasted_iota(jnp.int32, x.shape, 0)
    m_old = m_acc[...]
    m_new = jnp.maximum(m_old, jnp.max(x, axis=0))
    s_acc[...] = (s_acc[...] * jnp.exp(m_old - m_new)
                  + jnp.sum(jnp.exp(x - m_new[None]), axis=0))
    m_acc[...] = m_new
    g_acc[...] += jnp.sum(jnp.where(cls == t[None], x, 0.0), axis=0)

    @pl.when(jnp.logical_and(i == 0, cb == 0))
    def _():
        acc_ref[0, 0] = 0.0

    @pl.when(cb == ncb - 1)
    def _():
        acc_ref[0, 0] += jnp.sum(m_acc[...] + jnp.log(s_acc[...]) - g_acc[...])


def _finisher_kernel(m_ref, s_ref, g_ref, acc_ref):
    acc_ref[0, 0] = jnp.sum(m_ref[...] + jnp.log(s_ref[...]) - g_ref[...])


def _blend_kernel(sums_ref, proto_ref, out_ref):
    mean = sums_ref[...] * (1.0 / _ROWS)
    n1 = jnp.sqrt(jnp.sum(mean * mean, axis=-1, keepdims=True))
    nm = mean / jnp.maximum(n1, _EPS)
    blended = nm * (1.0 - _COEF) + proto_ref[...] * _COEF
    n2 = jnp.sqrt(jnp.sum(blended * blended, axis=-1, keepdims=True))
    out_ref[...] = blended / jnp.maximum(n2, _EPS)


def _contrast_kernel(emb_ref, protos_ref, lb_ref, acc_ref):
    i = pl.program_id(0)
    logits = jax.lax.dot_general(
        emb_ref[...], protos_ref[...],
        dimension_numbers=(((1,), (1,)), ((), ())),
        preferred_element_type=jnp.float32)
    lb = lb_ref[0, 0]
    m = jnp.max(logits, axis=1)
    s = jnp.sum(jnp.exp(logits - m[:, None]), axis=1)
    lse = m + jnp.log(s)
    col = jax.lax.broadcasted_iota(jnp.int32, logits.shape, 1)
    lo = (lb * _P)[:, None]
    mask = jnp.logical_and(col >= lo, col < lo + _P)
    clsmax = jnp.max(jnp.where(mask, logits, -jnp.inf), axis=1)
    partial = jnp.sum(lse - clsmax)

    @pl.when(i == 0)
    def _():
        acc_ref[0, 0] = 0.0

    acc_ref[0, 0] += partial


def kernel(logits, embedding, memory_bank, prototypes, target, dataset_ids):
    b, c, h, w = logits.shape
    hw = h * w
    n_seg = b * hw

    logits_sc = logits.reshape(b, c, _HW0, _HW1)
    target_sc = target.reshape(b, _HW0, _HW1)

    bank_sums, m_sc, s_sc, g_sc = _sc_kernel(memory_bank, logits_sc, target_sc)

    seg_sum = pl.pallas_call(
        _seg_ce_kernel,
        grid=(b, c // _SEG_CB),
        in_specs=[
            pl.BlockSpec((1, _SEG_CB, _HW0, _N1), lambda i, cb: (i, cb, 0, 0)),
            pl.BlockSpec((1, _HW0, _N1), lambda i, cb: (i, 0, 0)),
        ],
        out_specs=pl.BlockSpec(memory_space=pltpu.SMEM),
        out_shape=jax.ShapeDtypeStruct((1, 1), jnp.float32),
        scratch_shapes=[
            pltpu.VMEM((_HW0, _N1), jnp.float32),
            pltpu.VMEM((_HW0, _N1), jnp.float32),
            pltpu.VMEM((_HW0, _N1), jnp.float32),
        ],
    )(logits_sc, target_sc)

    fin_sum = pl.pallas_call(
        _finisher_kernel,
        in_specs=[
            pl.BlockSpec((_B, _HW0, _SC_W1), lambda: (0, 0, 0)),
            pl.BlockSpec((_B, _HW0, _SC_W1), lambda: (0, 0, 0)),
            pl.BlockSpec((_B, _HW0, _SC_W1), lambda: (0, 0, 0)),
        ],
        out_specs=pl.BlockSpec(memory_space=pltpu.SMEM),
        out_shape=jax.ShapeDtypeStruct((1, 1), jnp.float32),
    )(m_sc, s_sc, g_sc)

    protos = pl.pallas_call(
        _blend_kernel,
        in_specs=[
            pl.BlockSpec((_NPROTO, _D), lambda: (0, 0)),
            pl.BlockSpec((_NPROTO, _D), lambda: (0, 0)),
        ],
        out_specs=pl.BlockSpec((_NPROTO, _D), lambda: (0, 0)),
        out_shape=jax.ShapeDtypeStruct((_NPROTO, _D), jnp.float32),
    )(bank_sums, prototypes)

    rearr_emb = jnp.transpose(embedding, (0, 2, 3, 1)).reshape(-1, _D)
    n_ctr = rearr_emb.shape[0]
    contrast_lb = target[:, ::_STRIDE, ::_STRIDE].reshape(-1)
    _R = 512
    nr = n_ctr // _R
    lb_r = contrast_lb.reshape(nr, 1, _R)

    ctr_sum = pl.pallas_call(
        _contrast_kernel,
        grid=(nr,),
        in_specs=[
            pl.BlockSpec((_R, _D), lambda i: (i, 0)),
            pl.BlockSpec((_NPROTO, _D), lambda i: (0, 0)),
            pl.BlockSpec((1, 1, _R), lambda i: (i, 0, 0)),
        ],
        out_specs=pl.BlockSpec(memory_space=pltpu.SMEM),
        out_shape=jax.ShapeDtypeStruct((1, 1), jnp.float32),
    )(rearr_emb, protos, lb_r)

    loss_seg = (seg_sum[0, 0] + fin_sum[0, 0]) / n_seg
    loss_contrast = ctr_sum[0, 0] / n_ctr
    loss = loss_seg + _LOSS_W * loss_contrast
    return (loss, loss_seg, loss_contrast, protos)

# --- scband reference (transcript-rebuilt; emitter-appended) ---
"""Pipeline reference for scband-cross-datasets-celoss-kmeans-25082609009063 (READ-ONLY COPY).

The authoritative reference and input builder live on the scoring server;
editing this copy changes nothing except your own understanding.
"""

import jax, jax.numpy as jnp
import numpy as np

C = 128        # num_unify_classes
P = 8          # num_prototype
D = 256        # embed dim
STRIDE = 8     # network stride
COEF = 0.999   # prototype EMA coefficient
LOSS_W = 0.1   # contrast loss weight

def _l2norm(x, axis=-1, eps=1e-12):
    n = jnp.sqrt(jnp.sum(x * x, axis=axis, keepdims=True))
    return x / jnp.maximum(n, eps)

def setup_inputs(seed: int = 0) -> dict:
    key = jax.random.key(seed)
    ks = jax.random.split(key, 6)
    logits = jax.random.normal(ks[0], (2, 128, 384, 384), dtype=jnp.float32)
    embedding = jax.random.normal(ks[1], (2, 256, 48, 48), dtype=jnp.float32)
    memory_bank = jax.random.normal(ks[2], (1024, 64, 256), dtype=jnp.float32)
    prototypes = _l2norm(jax.random.normal(ks[3], (1024, 256), dtype=jnp.float32))
    target = jax.random.randint(ks[4], (2, 384, 384), 0, 128)
    dataset_ids = jax.random.randint(ks[5], (2,), 0, 3)
    return {"logits": logits, "embedding": embedding, "memory_bank": memory_bank,
            "prototypes": prototypes, "target": target, "dataset_ids": dataset_ids}

def reference(logits, embedding, memory_bank, prototypes, target, dataset_ids):
    b, c, h, w = logits.shape
    # rearrange(embedding, 'b c h w -> (b h w) c')
    rearr_emb = jnp.transpose(embedding, (0, 2, 3, 1)).reshape(-1, embedding.shape[1])
    # prototype EMA update from memory bank (codebook update)
    new_proto_mean = _l2norm(jnp.mean(memory_bank, axis=1))
    protos = _l2norm(new_proto_mean * (1.0 - COEF) + prototypes * COEF)
    # proto_logits = rearr_emb @ prototypes.view(-1, d).T   (codebook lookup distances)
    proto_logits = rearr_emb @ protos.T  # [N, C*P]
    # contrast labels at network stride
    contrast_lb = target[:, ::STRIDE, ::STRIDE].reshape(-1)  # [N], unify-class ids
    # hard multi-prototype remapping: within the pixel's class, pick argmax prototype (detached logits)
    pl = jax.lax.stop_gradient(proto_logits).reshape(-1, C, P)
    cls_logits = jnp.take_along_axis(pl, contrast_lb[:, None, None], axis=1)[:, 0, :]  # [N, P]
    proto_idx = jnp.argmax(cls_logits, axis=-1)
    hard_target = contrast_lb * P + proto_idx  # [N] in [0, C*P)
    # hard-label prototype contrast CE
    logp = jax.nn.log_softmax(proto_logits, axis=-1)
    loss_contrast = -jnp.mean(jnp.take_along_axis(logp, hard_target[:, None], axis=1))
    # segmentation CE on full-resolution logits vs unify-class target
    seg_logp = jax.nn.log_softmax(logits, axis=1)
    seg_logp = jnp.transpose(seg_logp, (0, 2, 3, 1)).reshape(-1, c)
    tflat = target.reshape(-1)
    loss_seg = -jnp.mean(jnp.take_along_axis(seg_logp, tflat[:, None], axis=1))
    loss = loss_seg + LOSS_W * loss_contrast
    return (loss, loss_seg, loss_contrast, protos)

if __name__ == "__main__":
    import jax
    _d = setup_inputs()
    print(jax.jit(kernel)(*tuple(_d.values())))

</pallas_src>

<mosaic_0001>
#map = affine_map<(d0, d1) -> (0, 0, 0)>
#map1 = affine_map<(d0, d1) -> (0, 0, 0, 0)>
#map2 = affine_map<(d0, d1) -> (0, 0)>
module attributes {stable_mosaic.version = 14 : i64} {
  func.func @_sc_kernel(%arg0: i32, %arg1: i32, %arg2: memref<1024x64x256xf32, #tpu.memory_space<hbm>>, %arg3: memref<2x128x8x18432xf32, #tpu.memory_space<hbm>>, %arg4: memref<2x8x18432xi32, #tpu.memory_space<hbm>>, %arg5: memref<1024x256xf32, #tpu.memory_space<hbm>>, %arg6: memref<2x8x7168xf32, #tpu.memory_space<hbm>>, %arg7: memref<2x8x7168xf32, #tpu.memory_space<hbm>>, %arg8: memref<2x8x7168xf32, #tpu.memory_space<hbm>>, %arg9: memref<64x256xf32, #tpu.memory_space<vmem>>, %arg10: memref<64x256xf32, #tpu.memory_space<vmem>>, %arg11: memref<32x256xf32, #tpu.memory_space<vmem>>, %arg12: memref<8x1792xf32, #tpu.memory_space<vmem>>, %arg13: memref<8x1792xf32, #tpu.memory_space<vmem>>, %arg14: memref<1792xi32, #tpu.memory_space<vmem>>, %arg15: memref<1792xf32, #tpu.memory_space<vmem>>, %arg16: memref<1792xf32, #tpu.memory_space<vmem>>, %arg17: memref<1792xf32, #tpu.memory_space<vmem>>, %arg18: memref<!tpu.dma_semaphore, #tpu.memory_space<semaphore_mem>>, %arg19: memref<!tpu.dma_semaphore, #tpu.memory_space<semaphore_mem>>, %arg20: memref<!tpu.dma_semaphore, #tpu.memory_space<semaphore_mem>>, %arg21: memref<!tpu.dma_semaphore, #tpu.memory_space<semaphore_mem>>) attributes {dimension_semantics = [#tpu.dimension_semantics<core_parallel>, #tpu.dimension_semantics<subcore_parallel>], iteration_bounds = array<i64: 2, 16>, scalar_prefetch = 0 : i64, scratch_operands = 13 : i64, tpu.core_type = #tpu.core_type<sc_vector_subcore>, window_params = [{transform_indices = #map}, {transform_indices = #map1}, {transform_indices = #map}, {transform_indices = #map2}, {transform_indices = #map}, {transform_indices = #map}, {transform_indices = #map}]} {
    %mul3A = arith.constant 2 : i32
    %mul3A_0 = arith.muli %arg1, %mul3A : i32
    %add3A = arith.addi %mul3A_0, %arg0 : i32
    %mul3A_1 = arith.constant 32 : i32
    %mul3A_2 = arith.muli %add3A, %mul3A_1 : i32
    %dma_start3A = arith.constant 0 : i32
    %dma_start3A_3 = arith.constant 0 : i32
    %dma_start3A_4 = tpu.memref_slice %arg2[%mul3A_2, %dma_start3A, %dma_start3A_3] : memref<1024x64x256xf32, #tpu.memory_space<hbm>> -> memref<1x64x256xf32, #tpu.memory_space<hbm>>
    %dma_start3A_5 = tpu.memref_squeeze %dma_start3A_4 : memref<1x64x256xf32, #tpu.memory_space<hbm>> -> memref<64x256xf32, #tpu.memory_space<hbm>>
    %dma_start3A_6 = arith.constant 0 : i32
    %dma_start3A_7 = arith.constant 0 : i32
    %dma_start3A_8 = tpu.memref_slice %arg2[%mul3A_2, %dma_start3A_6, %dma_start3A_7] : memref<1024x64x256xf32, #tpu.memory_space<hbm>> -> memref<1x64x256xf32, #tpu.memory_space<hbm>>
    %dma_start3A_9 = tpu.memref_squeeze %dma_start3A_8 : memref<1x64x256xf32, #tpu.memory_space<hbm>> -> memref<64x256xf32, #tpu.memory_space<hbm>>
    tpu.enqueue_dma source(%dma_start3A_9 : memref<64x256xf32, #tpu.memory_space<hbm>>) target(%arg9 : memref<64x256xf32, #tpu.memory_space<vmem>>) target_semaphore(%arg18 : memref<!tpu.dma_semaphore, #tpu.memory_space<semaphore_mem>>)
    %scan3A = arith.constant 0 : i32
    %scan3A_10 = arith.constant 16 : i32
    %scan3A_11 = arith.addi %scan3A, %scan3A_10 : i32
    %scan3A_12 = arith.constant 1 : i32
    scf.for %scan3A_107 = %scan3A to %scan3A_11 step %scan3A_12  : i32 {
      %mul3A_108 = arith.constant 2 : i32
      %mul3A_109 = arith.muli %scan3A_107, %mul3A_108 : i32
      %add3A_110 = arith.constant 0 : i32
      %add3A_111 = arith.addi %add3A_110, %mul3A_109 : i32
      %add3A_112 = arith.constant 0 : i32
      %add3A_113 = arith.addi %add3A_111, %add3A_112 : i32
      %add3A_114 = arith.constant 1 : i32
      %add3A_115 = arith.addi %add3A_113, %add3A_114 : i32
      %lt3A_116 = arith.constant 32 : i32
      %lt3A_117 = arith.cmpi slt, %add3A_115, %lt3A_116 : i32
      %convert_element_type3A = arith.extui %lt3A_117 : i1 to i32
      %cond3A = arith.constant 0 : i32
      %cond3A_118 = arith.cmpi ne, %convert_element_type3A, %cond3A : i32
      scf.if %cond3A_118 {
        %add3A_379 = arith.addi %mul3A_2, %add3A_115 : i32
        %dma_start3A_380 = arith.constant 0 : i32
        %dma_start3A_381 = arith.constant 0 : i32
        %dma_start3A_382 = tpu.memref_slice %arg2[%add3A_379, %dma_start3A_380, %dma_start3A_381] : memref<1024x64x256xf32, #tpu.memory_space<hbm>> -> memref<1x64x256xf32, #tpu.memory_space<hbm>>
        %dma_start3A_383 = tpu.memref_squeeze %dma_start3A_382 : memref<1x64x256xf32, #tpu.memory_space<hbm>> -> memref<64x256xf32, #tpu.memory_space<hbm>>
        %dma_start3A_384 = arith.constant 0 : i32
        %dma_start3A_385 = arith.constant 0 : i32
        %dma_start3A_386 = tpu.memref_slice %arg2[%add3A_379, %dma_start3A_384, %dma_start3A_385] : memref<1024x64x256xf32, #tpu.memory_space<hbm>> -> memref<1x64x256xf32, #tpu.memory_space<hbm>>
        %dma_start3A_387 = tpu.memref_squeeze %dma_start3A_386 : memref<1x64x256xf32, #tpu.memory_space<hbm>> -> memref<64x256xf32, #tpu.memory_space<hbm>>
        tpu.enqueue_dma source(%dma_start3A_387 : memref<64x256xf32, #tpu.memory_space<hbm>>) target(%arg10 : memref<64x256xf32, #tpu.memory_space<vmem>>) target_semaphore(%arg19 : memref<!tpu.dma_semaphore, #tpu.memory_space<semaphore_mem>>)
      } else {
      }
      %add3A_119 = arith.addi %mul3A_2, %add3A_113 : i32
      %dma_wait3A = arith.constant 0 : i32
      %dma_wait3A_120 = arith.constant 0 : i32
      %dma_wait3A_121 = tpu.memref_slice %arg2[%add3A_119, %dma_wait3A, %dma_wait3A_120] : memref<1024x64x256xf32, #tpu.memory_space<hbm>> -> memref<1x64x256xf32, #tpu.memory_space<hbm>>
      %dma_wait3A_122 = tpu.memref_squeeze %dma_wait3A_121 : memref<1x64x256xf32, #tpu.memory_space<hbm>> -> memref<64x256xf32, #tpu.memory_space<hbm>>
      %dma_wait3A_123 = arith.constant 0 : i32
      %dma_wait3A_124 = arith.constant 0 : i32
      %dma_wait3A_125 = tpu.memref_slice %arg2[%add3A_119, %dma_wait3A_123, %dma_wait3A_124] : memref<1024x64x256xf32, #tpu.memory_space<hbm>> -> memref<1x64x256xf32, #tpu.memory_space<hbm>>
      %dma_wait3A_126 = tpu.memref_squeeze %dma_wait3A_125 : memref<1x64x256xf32, #tpu.memory_space<hbm>> -> memref<64x256xf32, #tpu.memory_space<hbm>>
      tpu.wait_dma2 semaphore(%arg18 : memref<!tpu.dma_semaphore, #tpu.memory_space<semaphore_mem>>) src(%dma_wait3A_126 : memref<64x256xf32, #tpu.memory_space<hbm>>) dst(%arg9 : memref<64x256xf32, #tpu.memory_space<vmem>>)
      %broadcast_in_dim3A = arith.constant 0.000000e+00 : f32
      %broadcast_in_dim3A_127 = vector.broadcast %broadcast_in_dim3A : f32 to vector<16xf32>
      %broadcast_in_dim3A_128 = arith.constant 0.000000e+00 : f32
      %broadcast_in_dim3A_129 = vector.broadcast %broadcast_in_dim3A_128 : f32 to vector<16xf32>
      %broadcast_in_dim3A_130 = arith.constant 0.000000e+00 : f32
      %broadcast_in_dim3A_131 = vector.broadcast %broadcast_in_dim3A_130 : f32 to vector<16xf32>
      %broadcast_in_dim3A_132 = arith.constant 0.000000e+00 : f32
      %broadcast_in_dim3A_133 = vector.broadcast %broadcast_in_dim3A_132 : f32 to vector<16xf32>
      %broadcast_in_dim3A_134 = arith.constant 0.000000e+00 : f32
      %broadcast_in_dim3A_135 = vector.broadcast %broadcast_in_dim3A_134 : f32 to vector<16xf32>
      %broadcast_in_dim3A_136 = arith.constant 0.000000e+00 : f32
      %broadcast_in_dim3A_137 = vector.broadcast %broadcast_in_dim3A_136 : f32 to vector<16xf32>
      %broadcast_in_dim3A_138 = arith.constant 0.000000e+00 : f32
      %broadcast_in_dim3A_139 = vector.broadcast %broadcast_in_dim3A_138 : f32 to vector<16xf32>
      %broadcast_in_dim3A_140 = arith.constant 0.000000e+00 : f32
      %broadcast_in_dim3A_141 = vector.broadcast %broadcast_in_dim3A_140 : f32 to vector<16xf32>
      %broadcast_in_dim3A_142 = arith.constant 0.000000e+00 : f32
      %broadcast_in_dim3A_143 = vector.broadcast %broadcast_in_dim3A_142 : f32 to vector<16xf32>
      %broadcast_in_dim3A_144 = arith.constant 0.000000e+00 : f32
      %broadcast_in_dim3A_145 = vector.broadcast %broadcast_in_dim3A_144 : f32 to vector<16xf32>
      %broadcast_in_dim3A_146 = arith.constant 0.000000e+00 : f32
      %broadcast_in_dim3A_147 = vector.broadcast %broadcast_in_dim3A_146 : f32 to vector<16xf32>
      %broadcast_in_dim3A_148 = arith.constant 0.000000e+00 : f32
      %broadcast_in_dim3A_149 = vector.broadcast %broadcast_in_dim3A_148 : f32 to vector<16xf32>
      %broadcast_in_dim3A_150 = arith.constant 0.000000e+00 : f32
      %broadcast_in_dim3A_151 = vector.broadcast %broadcast_in_dim3A_150 : f32 to vector<16xf32>
      %broadcast_in_dim3A_152 = arith.constant 0.000000e+00 : f32
      %broadcast_in_dim3A_153 = vector.broadcast %broadcast_in_dim3A_152 : f32 to vector<16xf32>
      %broadcast_in_dim3A_154 = arith.constant 0.000000e+00 : f32
      %broadcast_in_dim3A_155 = vector.broadcast %broadcast_in_dim3A_154 : f32 to vector<16xf32>
      %broadcast_in_dim3A_156 = arith.constant 0.000000e+00 : f32
      %broadcast_in_dim3A_157 = vector.broadcast %broadcast_in_dim3A_156 : f32 to vector<16xf32>
      %scan3A_158 = arith.constant 0 : i32
      %scan3A_159 = arith.constant 64 : i32
      %scan3A_160 = arith.addi %scan3A_158, %scan3A_159 : i32
      %scan3A_161 = arith.constant 1 : i32
      %scan3A_162:16 = scf.for %scan3A_379 = %scan3A_158 to %scan3A_160 step %scan3A_161 iter_args(%scan3A_380 = %broadcast_in_dim3A_127, %scan3A_381 = %broadcast_in_dim3A_129, %scan3A_382 = %broadcast_in_dim3A_131, %scan3A_383 = %broadcast_in_dim3A_133, %scan3A_384 = %broadcast_in_dim3A_135, %scan3A_385 = %broadcast_in_dim3A_137, %scan3A_386 = %broadcast_in_dim3A_139, %scan3A_387 = %broadcast_in_dim3A_141, %scan3A_388 = %broadcast_in_dim3A_143, %scan3A_389 = %broadcast_in_dim3A_145, %scan3A_390 = %broadcast_in_dim3A_147, %scan3A_391 = %broadcast_in_dim3A_149, %scan3A_392 = %broadcast_in_dim3A_151, %scan3A_393 = %broadcast_in_dim3A_153, %scan3A_394 = %broadcast_in_dim3A_155, %scan3A_395 = %broadcast_in_dim3A_157) -> (vector<16xf32>, vector<16xf32>, vector<16xf32>, vector<16xf32>, vector<16xf32>, vector<16xf32>, vector<16xf32>, vector<16xf32>, vector<16xf32>, vector<16xf32>, vector<16xf32>, vector<16xf32>, vector<16xf32>, vector<16xf32>, vector<16xf32>, vector<16xf32>)  : i32 {
        %get3A = arith.index_cast %scan3A_379 : i32 to index
        %get3A_396 = arith.constant 0 : index
        %get3A_397 = tpu.vector_load %arg9[%get3A, %get3A_396] {strides = array<i32>} : memref<64x256xf32, #tpu.memory_space<vmem>>, vector<1x16xf32>,
        %get3A_398 = vector.shape_cast %get3A_397 : vector<1x16xf32> to vector<16xf32>
        %add3A_399 = arith.addf %scan3A_380, %get3A_398 : vector<16xf32>
        %get3A_400 = arith.index_cast %scan3A_379 : i32 to index
        %get3A_401 = arith.constant 16 : index
        %get3A_402 = tpu.vector_load %arg9[%get3A_400, %get3A_401] {strides = array<i32>} : memref<64x256xf32, #tpu.memory_space<vmem>>, vector<1x16xf32>,
        %get3A_403 = vector.shape_cast %get3A_402 : vector<1x16xf32> to vector<16xf32>
        %add3A_404 = arith.addf %scan3A_381, %get3A_403 : vector<16xf32>
        %get3A_405 = arith.index_cast %scan3A_379 : i32 to index
        %get3A_406 = arith.constant 32 : index
        %get3A_407 = tpu.vector_load %arg9[%get3A_405, %get3A_406] {strides = array<i32>} : memref<64x256xf32, #tpu.memory_space<vmem>>, vector<1x16xf32>,
        %get3A_408 = vector.shape_cast %get3A_407 : vector<1x16xf32> to vector<16xf32>
        %add3A_409 = arith.addf %scan3A_382, %get3A_408 : vector<16xf32>
        %get3A_410 = arith.index_cast %scan3A_379 : i32 to index
        %get3A_411 = arith.constant 48 : index
        %get3A_412 = tpu.vector_load %arg9[%get3A_410, %get3A_411] {strides = array<i32>} : memref<64x256xf32, #tpu.memory_space<vmem>>, vector<1x16xf32>,
        %get3A_413 = vector.shape_cast %get3A_412 : vector<1x16xf32> to vector<16xf32>
        %add3A_414 = arith.addf %scan3A_383, %get3A_413 : vector<16xf32>
        %get3A_415 = arith.index_cast %scan3A_379 : i32 to index
        %get3A_416 = arith.constant 64 : index
        %get3A_417 = tpu.vector_load %arg9[%get3A_415, %get3A_416] {strides = array<i32>} : memref<64x256xf32, #tpu.memory_space<vmem>>, vector<1x16xf32>,
        %get3A_418 = vector.shape_cast %get3A_417 : vector<1x16xf32> to vector<16xf32>
        %add3A_419 = arith.addf %scan3A_384, %get3A_418 : vector<16xf32>
        %get3A_420 = arith.index_cast %scan3A_379 : i32 to index
        %get3A_421 = arith.constant 80 : index
        %get3A_422 = tpu.vector_load %arg9[%get3A_420, %get3A_421] {strides = array<i32>} : memref<64x256xf32, #tpu.memory_space<vmem>>, vector<1x16xf32>,
        %get3A_423 = vector.shape_cast %get3A_422 : vector<1x16xf32> to vector<16xf32>
        %add3A_424 = arith.addf %scan3A_385, %get3A_423 : vector<16xf32>
        %get3A_425 = arith.index_cast %scan3A_379 : i32 to index
        %get3A_426 = arith.constant 96 : index
        %get3A_427 = tpu.vector_load %arg9[%get3A_425, %get3A_426] {strides = array<i32>} : memref<64x256xf32, #tpu.memory_space<vmem>>, vector<1x16xf32>,
        %get3A_428 = vector.shape_cast %get3A_427 : vector<1x16xf32> to vector<16xf32>
        %add3A_429 = arith.addf %scan3A_386, %get3A_428 : vector<16xf32>
        %get3A_430 = arith.index_cast %scan3A_379 : i32 to index
        %get3A_431 = arith.constant 112 : index
        %get3A_432 = tpu.vector_load %arg9[%get3A_430, %get3A_431] {strides = array<i32>} : memref<64x256xf32, #tpu.memory_space<vmem>>, vector<1x16xf32>,
        %get3A_433 = vector.shape_cast %get3A_432 : vector<1x16xf32> to vector<16xf32>
        %add3A_434 = arith.addf %scan3A_387, %get3A_433 : vector<16xf32>
        %get3A_435 = arith.index_cast %scan3A_379 : i32 to index
        %get3A_436 = arith.constant 128 : index
        %get3A_437 = tpu.vector_load %arg9[%get3A_435, %get3A_436] {strides = array<i32>} : memref<64x256xf32, #tpu.memory_space<vmem>>, vector<1x16xf32>,
        %get3A_438 = vector.shape_cast %get3A_437 : vector<1x16xf32> to vector<16xf32>
        %add3A_439 = arith.addf %scan3A_388, %get3A_438 : vector<16xf32>
        %get3A_440 = arith.index_cast %scan3A_379 : i32 to index
        %get3A_441 = arith.constant 144 : index
        %get3A_442 = tpu.vector_load %arg9[%get3A_440, %get3A_441] {strides = array<i32>} : memref<64x256xf32, #tpu.memory_space<vmem>>, vector<1x16xf32>,
        %get3A_443 = vector.shape_cast %get3A_442 : vector<1x16xf32> to vector<16xf32>
        %add3A_444 = arith.addf %scan3A_389, %get3A_443 : vector<16xf32>
        %get3A_445 = arith.index_cast %scan3A_379 : i32 to index
        %get3A_446 = arith.constant 160 : index
        %get3A_447 = tpu.vector_load %arg9[%get3A_445, %get3A_446] {strides = array<i32>} : memref<64x256xf32, #tpu.memory_space<vmem>>, vector<1x16xf32>,
        %get3A_448 = vector.shape_cast %get3A_447 : vector<1x16xf32> to vector<16xf32>
        %add3A_449 = arith.addf %scan3A_390, %get3A_448 : vector<16xf32>
        %get3A_450 = arith.index_cast %scan3A_379 : i32 to index
        %get3A_451 = arith.constant 176 : index
        %get3A_452 = tpu.vector_load %arg9[%get3A_450, %get3A_451] {strides = array<i32>} : memref<64x256xf32, #tpu.memory_space<vmem>>, vector<1x16xf32>,
        %get3A_453 = vector.shape_cast %get3A_452 : vector<1x16xf32> to vector<16xf32>
        %add3A_454 = arith.addf %scan3A_391, %get3A_453 : vector<16xf32>
        %get3A_455 = arith.index_cast %scan3A_379 : i32 to index
        %get3A_456 = arith.constant 192 : index
        %get3A_457 = tpu.vector_load %arg9[%get3A_455, %get3A_456] {strides = array<i32>} : memref<64x256xf32, #tpu.memory_space<vmem>>, vector<1x16xf32>,
        %get3A_458 = vector.shape_cast %get3A_457 : vector<1x16xf32> to vector<16xf32>
        %add3A_459 = arith.addf %scan3A_392, %get3A_458 : vector<16xf32>
        %get3A_460 = arith.index_cast %scan3A_379 : i32 to index
        %get3A_461 = arith.constant 208 : index
        %get3A_462 = tpu.vector_load %arg9[%get3A_460, %get3A_461] {strides = array<i32>} : memref<64x256xf32, #tpu.memory_space<vmem>>, vector<1x16xf32>,
        %get3A_463 = vector.shape_cast %get3A_462 : vector<1x16xf32> to vector<16xf32>
        %add3A_464 = arith.addf %scan3A_393, %get3A_463 : vector<16xf32>
        %get3A_465 = arith.index_cast %scan3A_379 : i32 to index
        %get3A_466 = arith.constant 224 : index
        %get3A_467 = tpu.vector_load %arg9[%get3A_465, %get3A_466] {strides = array<i32>} : memref<64x256xf32, #tpu.memory_space<vmem>>, vector<1x16xf32>,
        %get3A_468 = vector.shape_cast %get3A_467 : vector<1x16xf32> to vector<16xf32>
        %add3A_469 = arith.addf %scan3A_394, %get3A_468 : vector<16xf32>
        %get3A_470 = arith.index_cast %scan3A_379 : i32 to index
        %get3A_471 = arith.constant 240 : index
        %get3A_472 = tpu.vector_load %arg9[%get3A_470, %get3A_471] {strides = array<i32>} : memref<64x256xf32, #tpu.memory_space<vmem>>, vector<1x16xf32>,
        %get3A_473 = vector.shape_cast %get3A_472 : vector<1x16xf32> to vector<16xf32>
        %add3A_474 = arith.addf %scan3A_395, %get3A_473 : vector<16xf32>
        scf.yield %add3A_399, %add3A_404, %add3A_409, %add3A_414, %add3A_419, %add3A_424, %add3A_429, %add3A_434, %add3A_439, %add3A_444, %add3A_449, %add3A_454, %add3A_459, %add3A_464, %add3A_469, %add3A_474 : vector<16xf32>, vector<16xf32>, vector<16xf32>, vector<16xf32>, vector<16xf32>, vector<16xf32>, vector<16xf32>, vector<16xf32>, vector<16xf32>, vector<16xf32>, vector<16xf32>, vector<16xf32>, vector<16xf32>, vector<16xf32>, vector<16xf32>, vector<16xf32>
      }
      %scan3A_163 = arith.constant 64 : i32
      %swap3A = arith.index_cast %add3A_113 : i32 to index
      %swap3A_164 = arith.constant 0 : index
      %swap3A_165 = tpu.vector_load %arg11[%swap3A, %swap3A_164] {strides = array<i32>} : memref<32x256xf32, #tpu.memory_space<vmem>>, vector<1x16xf32>,
      %swap3A_166 = vector.shape_cast %swap3A_165 : vector<1x16xf32> to vector<16xf32>
      %swap3A_167 = vector.shape_cast %scan3A_162#0 : vector<16xf32> to vector<1x16xf32>
      tpu.vector_store %arg11[%swap3A, %swap3A_164], %swap3A_167 {strides = array<i32>} : memref<32x256xf32, #tpu.memory_space<vmem>>, vector<1x16xf32>,
      %swap3A_168 = arith.index_cast %add3A_113 : i32 to index
      %swap3A_169 = arith.constant 16 : index
      %swap3A_170 = tpu.vector_load %arg11[%swap3A_168, %swap3A_169] {strides = array<i32>} : memref<32x256xf32, #tpu.memory_space<vmem>>, vector<1x16xf32>,
      %swap3A_171 = vector.shape_cast %swap3A_170 : vector<1x16xf32> to vector<16xf32>
      %swap3A_172 = vector.shape_cast %scan3A_162#1 : vector<16xf32> to vector<1x16xf32>
      tpu.vector_store %arg11[%swap3A_168, %swap3A_169], %swap3A_172 {strides = array<i32>} : memref<32x256xf32, #tpu.memory_space<vmem>>, vector<1x16xf32>,
      %swap3A_173 = arith.index_cast %add3A_113 : i32 to index
      %swap3A_174 = arith.constant 32 : index
      %swap3A_175 = tpu.vector_load %arg11[%swap3A_173, %swap3A_174] {strides = array<i32>} : memref<32x256xf32, #tpu.memory_space<vmem>>, vector<1x16xf32>,
      %swap3A_176 = vector.shape_cast %swap3A_175 : vector<1x16xf32> to vector<16xf32>
      %swap3A_177 = vector.shape_cast %scan3A_162#2 : vector<16xf32> to vector<1x16xf32>
      tpu.vector_store %arg11[%swap3A_173, %swap3A_174], %swap3A_177 {strides = array<i32>} : memref<32x256xf32, #tpu.memory_space<vmem>>, vector<1x16xf32>,
      %swap3A_178 = arith.index_cast %add3A_113 : i32 to index
      %swap3A_179 = arith.constant 48 : index
      %swap3A_180 = tpu.vector_load %arg11[%swap3A_178, %swap3A_179] {strides = array<i32>} : memref<32x256xf32, #tpu.memory_space<vmem>>, vector<1x16xf32>,
      %swap3A_181 = vector.shape_cast %swap3A_180 : vector<1x16xf32> to vector<16xf32>
      %swap3A_182 = vector.shape_cast %scan3A_162#3 : vector<16xf32> to vector<1x16xf32>
      tpu.vector_store %arg11[%swap3A_178, %swap3A_179], %swap3A_182 {strides = array<i32>} : memref<32x256xf32, #tpu.memory_space<vmem>>, vector<1x16xf32>,
      %swap3A_183 = arith.index_cast %add3A_113 : i32 to index
      %swap3A_184 = arith.constant 64 : index
      %swap3A_185 = tpu.vector_load %arg11[%swap3A_183, %swap3A_184] {strides = array<i32>} : memref<32x256xf32, #tpu.memory_space<vmem>>, vector<1x16xf32>,
      %swap3A_186 = vector.shape_cast %swap3A_185 : vector<1x16xf32> to vector<16xf32>
      %swap3A_187 = vector.shape_cast %scan3A_162#4 : vector<16xf32> to vector<1x16xf32>
      tpu.vector_store %arg11[%swap3A_183, %swap3A_184], %swap3A_187 {strides = array<i32>} : memref<32x256xf32, #tpu.memory_space<vmem>>, vector<1x16xf32>,
      %swap3A_188 = arith.index_cast %add3A_113 : i32 to index
      %swap3A_189 = arith.constant 80 : index
      %swap3A_190 = tpu.vector_load %arg11[%swap3A_188, %swap3A_189] {strides = array<i32>} : memref<32x256xf32, #tpu.memory_space<vmem>>, vector<1x16xf32>,
      %swap3A_191 = vector.shape_cast %swap3A_190 : vector<1x16xf32> to vector<16xf32>
      %swap3A_192 = vector.shape_cast %scan3A_162#5 : vector<16xf32> to vector<1x16xf32>
      tpu.vector_store %arg11[%swap3A_188, %swap3A_189], %swap3A_192 {strides = array<i32>} : memref<32x256xf32, #tpu.memory_space<vmem>>, vector<1x16xf32>,
      %swap3A_193 = arith.index_cast %add3A_113 : i32 to index
      %swap3A_194 = arith.constant 96 : index
      %swap3A_195 = tpu.vector_load %arg11[%swap3A_193, %swap3A_194] {strides = array<i32>} : memref<32x256xf32, #tpu.memory_space<vmem>>, vector<1x16xf32>,
      %swap3A_196 = vector.shape_cast %swap3A_195 : vector<1x16xf32> to vector<16xf32>
      %swap3A_197 = vector.shape_cast %scan3A_162#6 : vector<16xf32> to vector<1x16xf32>
      tpu.vector_store %arg11[%swap3A_193, %swap3A_194], %swap3A_197 {strides = array<i32>} : memref<32x256xf32, #tpu.memory_space<vmem>>, vector<1x16xf32>,
      %swap3A_198 = arith.index_cast %add3A_113 : i32 to index
      %swap3A_199 = arith.constant 112 : index
      %swap3A_200 = tpu.vector_load %arg11[%swap3A_198, %swap3A_199] {strides = array<i32>} : memref<32x256xf32, #tpu.memory_space<vmem>>, vector<1x16xf32>,
      %swap3A_201 = vector.shape_cast %swap3A_200 : vector<1x16xf32> to vector<16xf32>
      %swap3A_202 = vector.shape_cast %scan3A_162#7 : vector<16xf32> to vector<1x16xf32>
      tpu.vector_store %arg11[%swap3A_198, %swap3A_199], %swap3A_202 {strides = array<i32>} : memref<32x256xf32, #tpu.memory_space<vmem>>, vector<1x16xf32>,
      %swap3A_203 = arith.index_cast %add3A_113 : i32 to index
      %swap3A_204 = arith.constant 128 : index
      %swap3A_205 = tpu.vector_load %arg11[%swap3A_203, %swap3A_204] {strides = array<i32>} : memref<32x256xf32, #tpu.memory_space<vmem>>, vector<1x16xf32>,
      %swap3A_206 = vector.shape_cast %swap3A_205 : vector<1x16xf32> to vector<16xf32>
      %swap3A_207 = vector.shape_cast %scan3A_162#8 : vector<16xf32> to vector<1x16xf32>
      tpu.vector_store %arg11[%swap3A_203, %swap3A_204], %swap3A_207 {strides = array<i32>} : memref<32x256xf32, #tpu.memory_space<vmem>>, vector<1x16xf32>,
      %swap3A_208 = arith.index_cast %add3A_113 : i32 to index
      %swap3A_209 = arith.constant 144 : index
      %swap3A_210 = tpu.vector_load %arg11[%swap3A_208, %swap3A_209] {strides = array<i32>} : memref<32x256xf32, #tpu.memory_space<vmem>>, vector<1x16xf32>,
      %swap3A_211 = vector.shape_cast %swap3A_210 : vector<1x16xf32> to vector<16xf32>
      %swap3A_212 = vector.shape_cast %scan3A_162#9 : vector<16xf32> to vector<1x16xf32>
      tpu.vector_store %arg11[%swap3A_208, %swap3A_209], %swap3A_212 {strides = array<i32>} : memref<32x256xf32, #tpu.memory_space<vmem>>, vector<1x16xf32>,
      %swap3A_213 = arith.index_cast %add3A_113 : i32 to index
      %swap3A_214 = arith.constant 160 : index
      %swap3A_215 = tpu.vector_load %arg11[%swap3A_213, %swap3A_214] {strides = array<i32>} : memref<32x256xf32, #tpu.memory_space<vmem>>, vector<1x16xf32>,
      %swap3A_216 = vector.shape_cast %swap3A_215 : vector<1x16xf32> to vector<16xf32>
      %swap3A_217 = vector.shape_cast %scan3A_162#10 : vector<16xf32> to vector<1x16xf32>
      tpu.vector_store %arg11[%swap3A_213, %swap3A_214], %swap3A_217 {strides = array<i32>} : memref<32x256xf32, #tpu.memory_space<vmem>>, vector<1x16xf32>,
      %swap3A_218 = arith.index_cast %add3A_113 : i32 to index
      %swap3A_219 = arith.constant 176 : index
      %swap3A_220 = tpu.vector_load %arg11[%swap3A_218, %swap3A_219] {strides = array<i32>} : memref<32x256xf32, #tpu.memory_space<vmem>>, vector<1x16xf32>,
      %swap3A_221 = vector.shape_cast %swap3A_220 : vector<1x16xf32> to vector<16xf32>
      %swap3A_222 = vector.shape_cast %scan3A_162#11 : vector<16xf32> to vector<1x16xf32>
      tpu.vector_store %arg11[%swap3A_218, %swap3A_219], %swap3A_222 {strides = array<i32>} : memref<32x256xf32, #tpu.memory_space<vmem>>, vector<1x16xf32>,
      %swap3A_223 = arith.index_cast %add3A_113 : i32 to index
      %swap3A_224 = arith.constant 192 : index
      %swap3A_225 = tpu.vector_load %arg11[%swap3A_223, %swap3A_224] {strides = array<i32>} : memref<32x256xf32, #tpu.memory_space<vmem>>, vector<1x16xf32>,
      %swap3A_226 = vector.shape_cast %swap3A_225 : vector<1x16xf32> to vector<16xf32>
      %swap3A_227 = vector.shape_cast %scan3A_162#12 : vector<16xf32> to vector<1x16xf32>
      tpu.vector_store %arg11[%swap3A_223, %swap3A_224], %swap3A_227 {strides = array<i32>} : memref<32x256xf32, #tpu.memory_space<vmem>>, vector<1x16xf32>,
      %swap3A_228 = arith.index_cast %add3A_113 : i32 to index
      %swap3A_229 = arith.constant 208 : index
      %swap3A_230 = tpu.vector_load %arg11[%swap3A_228, %swap3A_229] {strides = array<i32>} : memref<32x256xf32, #tpu.memory_space<vmem>>, vector<1x16xf32>,
      %swap3A_231 = vector.shape_cast %swap3A_230 : vector<1x16xf32> to vector<16xf32>
      %swap3A_232 = vector.shape_cast %scan3A_162#13 : vector<16xf32> to vector<1x16xf32>
      tpu.vector_store %arg11[%swap3A_228, %swap3A_229], %swap3A_232 {strides = array<i32>} : memref<32x256xf32, #tpu.memory_space<vmem>>, vector<1x16xf32>,
      %swap3A_233 = arith.index_cast %add3A_113 : i32 to index
      %swap3A_234 = arith.constant 224 : index
      %swap3A_235 = tpu.vector_load %arg11[%swap3A_233, %swap3A_234] {strides = array<i32>} : memref<32x256xf32, #tpu.memory_space<vmem>>, vector<1x16xf32>,
      %swap3A_236 = vector.shape_cast %swap3A_235 : vector<1x16xf32> to vector<16xf32>
      %swap3A_237 = vector.shape_cast %scan3A_162#14 : vector<16xf32> to vector<1x16xf32>
      tpu.vector_store %arg11[%swap3A_233, %swap3A_234], %swap3A_237 {strides = array<i32>} : memref<32x256xf32, #tpu.memory_space<vmem>>, vector<1x16xf32>,
      %swap3A_238 = arith.index_cast %add3A_113 : i32 to index
      %swap3A_239 = arith.constant 240 : index
      %swap3A_240 = tpu.vector_load %arg11[%swap3A_238, %swap3A_239] {strides = array<i32>} : memref<32x256xf32, #tpu.memory_space<vmem>>, vector<1x16xf32>,
      %swap3A_241 = vector.shape_cast %swap3A_240 : vector<1x16xf32> to vector<16xf32>
      %swap3A_242 = vector.shape_cast %scan3A_162#15 : vector<16xf32> to vector<1x16xf32>
      tpu.vector_store %arg11[%swap3A_238, %swap3A_239], %swap3A_242 {strides = array<i32>} : memref<32x256xf32, #tpu.memory_space<vmem>>, vector<1x16xf32>,
      %add3A_243 = arith.constant 1 : i32
      %add3A_244 = arith.addi %add3A_111, %add3A_243 : i32
      %add3A_245 = arith.constant 1 : i32
      %add3A_246 = arith.addi %add3A_244, %add3A_245 : i32
      %lt3A_247 = arith.constant 32 : i32
      %lt3A_248 = arith.cmpi slt, %add3A_246, %lt3A_247 : i32
      %convert_element_type3A_249 = arith.extui %lt3A_248 : i1 to i32
      %cond3A_250 = arith.constant 0 : i32
      %cond3A_251 = arith.cmpi ne, %convert_element_type3A_249, %cond3A_250 : i32
      scf.if %cond3A_251 {
        %add3A_379 = arith.addi %mul3A_2, %add3A_246 : i32
        %dma_start3A_380 = arith.constant 0 : i32
        %dma_start3A_381 = arith.constant 0 : i32
        %dma_start3A_382 = tpu.memref_slice %arg2[%add3A_379, %dma_start3A_380, %dma_start3A_381] : memref<1024x64x256xf32, #tpu.memory_space<hbm>> -> memref<1x64x256xf32, #tpu.memory_space<hbm>>
        %dma_start3A_383 = tpu.memref_squeeze %dma_start3A_382 : memref<1x64x256xf32, #tpu.memory_space<hbm>> -> memref<64x256xf32, #tpu.memory_space<hbm>>
        %dma_start3A_384 = arith.constant 0 : i32
        %dma_start3A_385 = arith.constant 0 : i32
        %dma_start3A_386 = tpu.memref_slice %arg2[%add3A_379, %dma_start3A_384, %dma_start3A_385] : memref<1024x64x256xf32, #tpu.memory_space<hbm>> -> memref<1x64x256xf32, #tpu.memory_space<hbm>>
        %dma_start3A_387 = tpu.memref_squeeze %dma_start3A_386 : memref<1x64x256xf32, #tpu.memory_space<hbm>> -> memref<64x256xf32, #tpu.memory_space<hbm>>
        tpu.enqueue_dma source(%dma_start3A_387 : memref<64x256xf32, #tpu.memory_space<hbm>>) target(%arg9 : memref<64x256xf32, #tpu.memory_space<vmem>>) target_semaphore(%arg18 : memref<!tpu.dma_semaphore, #tpu.memory_space<semaphore_mem>>)
      } else {
      }
      %add3A_252 = arith.addi %mul3A_2, %add3A_244 : i32
      %dma_wait3A_253 = arith.constant 0 : i32
      %dma_wait3A_254 = arith.constant 0 : i32
      %dma_wait3A_255 = tpu.memref_slice %arg2[%add3A_252, %dma_wait3A_253, %dma_wait3A_254] : memref<1024x64x256xf32, #tpu.memory_space<hbm>> -> memref<1x64x256xf32, #tpu.memory_space<hbm>>
      %dma_wait3A_256 = tpu.memref_squeeze %dma_wait3A_255 : memref<1x64x256xf32, #tpu.memory_space<hbm>> -> memref<64x256xf32, #tpu.memory_space<hbm>>
      %dma_wait3A_257 = arith.constant 0 : i32
      %dma_wait3A_258 = arith.constant 0 : i32
      %dma_wait3A_259 = tpu.memref_slice %arg2[%add3A_252, %dma_wait3A_257, %dma_wait3A_258] : memref<1024x64x256xf32, #tpu.memory_space<hbm>> -> memref<1x64x256xf32, #tpu.memory_space<hbm>>
      %dma_wait3A_260 = tpu.memref_squeeze %dma_wait3A_259 : memref<1x64x256xf32, #tpu.memory_space<hbm>> -> memref<64x256xf32, #tpu.memory_space<hbm>>
      tpu.wait_dma2 semaphore(%arg19 : memref<!tpu.dma_semaphore, #tpu.memory_space<semaphore_mem>>) src(%dma_wait3A_260 : memref<64x256xf32, #tpu.memory_space<hbm>>) dst(%arg10 : memref<64x256xf32, #tpu.memory_space<vmem>>)
      %broadcast_in_dim3A_261 = arith.constant 0.000000e+00 : f32
      %broadcast_in_dim3A_262 = vector.broadcast %broadcast_in_dim3A_261 : f32 to vector<16xf32>
      %broadcast_in_dim3A_263 = arith.constant 0.000000e+00 : f32
      %broadcast_in_dim3A_264 = vector.broadcast %broadcast_in_dim3A_263 : f32 to vector<16xf32>
      %broadcast_in_dim3A_265 = arith.constant 0.000000e+00 : f32
      %broadcast_in_dim3A_266 = vector.broadcast %broadcast_in_dim3A_265 : f32 to vector<16xf32>
      %broadcast_in_dim3A_267 = arith.constant 0.000000e+00 : f32
      %broadcast_in_dim3A_268 = vector.broadcast %broadcast_in_dim3A_267 : f32 to vector<16xf32>
      %broadcast_in_dim3A_269 = arith.constant 0.000000e+00 : f32
      %broadcast_in_dim3A_270 = vector.broadcast %broadcast_in_dim3A_269 : f32 to vector<16xf32>
      %broadcast_in_dim3A_271 = arith.constant 0.000000e+00 : f32
      %broadcast_in_dim3A_272 = vector.broadcast %broadcast_in_dim3A_271 : f32 to vector<16xf32>
      %broadcast_in_dim3A_273 = arith.constant 0.000000e+00 : f32
      %broadcast_in_dim3A_274 = vector.broadcast %broadcast_in_dim3A_273 : f32 to vector<16xf32>
      %broadcast_in_dim3A_275 = arith.constant 0.000000e+00 : f32
      %broadcast_in_dim3A_276 = vector.broadcast %broadcast_in_dim3A_275 : f32 to vector<16xf32>
      %broadcast_in_dim3A_277 = arith.constant 0.000000e+00 : f32
      %broadcast_in_dim3A_278 = vector.broadcast %broadcast_in_dim3A_277 : f32 to vector<16xf32>
      %broadcast_in_dim3A_279 = arith.constant 0.000000e+00 : f32
      %broadcast_in_dim3A_280 = vector.broadcast %broadcast_in_dim3A_279 : f32 to vector<16xf32>
      %broadcast_in_dim3A_281 = arith.constant 0.000000e+00 : f32
      %broadcast_in_dim3A_282 = vector.broadcast %broadcast_in_dim3A_281 : f32 to vector<16xf32>
      %broadcast_in_dim3A_283 = arith.constant 0.000000e+00 : f32
      %broadcast_in_dim3A_284 = vector.broadcast %broadcast_in_dim3A_283 : f32 to vector<16xf32>
      %broadcast_in_dim3A_285 = arith.constant 0.000000e+00 : f32
      %broadcast_in_dim3A_286 = vector.broadcast %broadcast_in_dim3A_285 : f32 to vector<16xf32>
      %broadcast_in_dim3A_287 = arith.constant 0.000000e+00 : f32
      %broadcast_in_dim3A_288 = vector.broadcast %broadcast_in_dim3A_287 : f32 to vector<16xf32>
      %broadcast_in_dim3A_289 = arith.constant 0.000000e+00 : f32
      %broadcast_in_dim3A_290 = vector.broadcast %broadcast_in_dim3A_289 : f32 to vector<16xf32>
      %broadcast_in_dim3A_291 = arith.constant 0.000000e+00 : f32
      %broadcast_in_dim3A_292 = vector.broadcast %broadcast_in_dim3A_291 : f32 to vector<16xf32>
      %scan3A_293 = arith.constant 0 : i32
      %scan3A_294 = arith.constant 64 : i32
      %scan3A_295 = arith.addi %scan3A_293, %scan3A_294 : i32
      %scan3A_296 = arith.constant 1 : i32
      %scan3A_297:16 = scf.for %scan3A_379 = %scan3A_293 to %scan3A_295 step %scan3A_296 iter_args(%scan3A_380 = %broadcast_in_dim3A_262, %scan3A_381 = %broadcast_in_dim3A_264, %scan3A_382 = %broadcast_in_dim3A_266, %scan3A_383 = %broadcast_in_dim3A_268, %scan3A_384 = %broadcast_in_dim3A_270, %scan3A_385 = %broadcast_in_dim3A_272, %scan3A_386 = %broadcast_in_dim3A_274, %scan3A_387 = %broadcast_in_dim3A_276, %scan3A_388 = %broadcast_in_dim3A_278, %scan3A_389 = %broadcast_in_dim3A_280, %scan3A_390 = %broadcast_in_dim3A_282, %scan3A_391 = %broadcast_in_dim3A_284, %scan3A_392 = %broadcast_in_dim3A_286, %scan3A_393 = %broadcast_in_dim3A_288, %scan3A_394 = %broadcast_in_dim3A_290, %scan3A_395 = %broadcast_in_dim3A_292) -> (vector<16xf32>, vector<16xf32>, vector<16xf32>, vector<16xf32>, vector<16xf32>, vector<16xf32>, vector<16xf32>, vector<16xf32>, vector<16xf32>, vector<16xf32>, vector<16xf32>, vector<16xf32>, vector<16xf32>, vector<16xf32>, vector<16xf32>, vector<16xf32>)  : i32 {
        %get3A = arith.index_cast %scan3A_379 : i32 to index
        %get3A_396 = arith.constant 0 : index
        %get3A_397 = tpu.vector_load %arg10[%get3A, %get3A_396] {strides = array<i32>} : memref<64x256xf32, #tpu.memory_space<vmem>>, vector<1x16xf32>,
        %get3A_398 = vector.shape_cast %get3A_397 : vector<1x16xf32> to vector<16xf32>
        %add3A_399 = arith.addf %scan3A_380, %get3A_398 : vector<16xf32>
        %get3A_400 = arith.index_cast %scan3A_379 : i32 to index
        %get3A_401 = arith.constant 16 : index
        %get3A_402 = tpu.vector_load %arg10[%get3A_400, %get3A_401] {strides = array<i32>} : memref<64x256xf32, #tpu.memory_space<vmem>>, vector<1x16xf32>,
        %get3A_403 = vector.shape_cast %get3A_402 : vector<1x16xf32> to vector<16xf32>
        %add3A_404 = arith.addf %scan3A_381, %get3A_403 : vector<16xf32>
        %get3A_405 = arith.index_cast %scan3A_379 : i32 to index
        %get3A_406 = arith.constant 32 : index
        %get3A_407 = tpu.vector_load %arg10[%get3A_405, %get3A_406] {strides = array<i32>} : memref<64x256xf32, #tpu.memory_space<vmem>>, vector<1x16xf32>,
        %get3A_408 = vector.shape_cast %get3A_407 : vector<1x16xf32> to vector<16xf32>
        %add3A_409 = arith.addf %scan3A_382, %get3A_408 : vector<16xf32>
        %get3A_410 = arith.index_cast %scan3A_379 : i32 to index
        %get3A_411 = arith.constant 48 : index
        %get3A_412 = tpu.vector_load %arg10[%get3A_410, %get3A_411] {strides = array<i32>} : memref<64x256xf32, #tpu.memory_space<vmem>>, vector<1x16xf32>,
        %get3A_413 = vector.shape_cast %get3A_412 : vector<1x16xf32> to vector<16xf32>
        %add3A_414 = arith.addf %scan3A_383, %get3A_413 : vector<16xf32>
        %get3A_415 = arith.index_cast %scan3A_379 : i32 to index
        %get3A_416 = arith.constant 64 : index
        %get3A_417 = tpu.vector_load %arg10[%get3A_415, %get3A_416] {strides = array<i32>} : memref<64x256xf32, #tpu.memory_space<vmem>>, vector<1x16xf32>,
        %get3A_418 = vector.shape_cast %get3A_417 : vector<1x16xf32> to vector<16xf32>
        %add3A_419 = arith.addf %scan3A_384, %get3A_418 : vector<16xf32>
        %get3A_420 = arith.index_cast %scan3A_379 : i32 to index
        %get3A_421 = arith.constant 80 : index
        %get3A_422 = tpu.vector_load %arg10[%get3A_420, %get3A_421] {strides = array<i32>} : memref<64x256xf32, #tpu.memory_space<vmem>>, vector<1x16xf32>,
        %get3A_423 = vector.shape_cast %get3A_422 : vector<1x16xf32> to vector<16xf32>
        %add3A_424 = arith.addf %scan3A_385, %get3A_423 : vector<16xf32>
        %get3A_425 = arith.index_cast %scan3A_379 : i32 to index
        %get3A_426 = arith.constant 96 : index
        %get3A_427 = tpu.vector_load %arg10[%get3A_425, %get3A_426] {strides = array<i32>} : memref<64x256xf32, #tpu.memory_space<vmem>>, vector<1x16xf32>,
        %get3A_428 = vector.shape_cast %get3A_427 : vector<1x16xf32> to vector<16xf32>
        %add3A_429 = arith.addf %scan3A_386, %get3A_428 : vector<16xf32>
        %get3A_430 = arith.index_cast %scan3A_379 : i32 to index
        %get3A_431 = arith.constant 112 : index
        %get3A_432 = tpu.vector_load %arg10[%get3A_430, %get3A_431] {strides = array<i32>} : memref<64x256xf32, #tpu.memory_space<vmem>>, vector<1x16xf32>,
        %get3A_433 = vector.shape_cast %get3A_432 : vector<1x16xf32> to vector<16xf32>
        %add3A_434 = arith.addf %scan3A_387, %get3A_433 : vector<16xf32>
        %get3A_435 = arith.index_cast %scan3A_379 : i32 to index
        %get3A_436 = arith.constant 128 : index
        %get3A_437 = tpu.vector_load %arg10[%get3A_435, %get3A_436] {strides = array<i32>} : memref<64x256xf32, #tpu.memory_space<vmem>>, vector<1x16xf32>,
        %get3A_438 = vector.shape_cast %get3A_437 : vector<1x16xf32> to vector<16xf32>
        %add3A_439 = arith.addf %scan3A_388, %get3A_438 : vector<16xf32>
        %get3A_440 = arith.index_cast %scan3A_379 : i32 to index
        %get3A_441 = arith.constant 144 : index
        %get3A_442 = tpu.vector_load %arg10[%get3A_440, %get3A_441] {strides = array<i32>} : memref<64x256xf32, #tpu.memory_space<vmem>>, vector<1x16xf32>,
        %get3A_443 = vector.shape_cast %get3A_442 : vector<1x16xf32> to vector<16xf32>
        %add3A_444 = arith.addf %scan3A_389, %get3A_443 : vector<16xf32>
        %get3A_445 = arith.index_cast %scan3A_379 : i32 to index
        %get3A_446 = arith.constant 160 : index
        %get3A_447 = tpu.vector_load %arg10[%get3A_445, %get3A_446] {strides = array<i32>} : memref<64x256xf32, #tpu.memory_space<vmem>>, vector<1x16xf32>,
        %get3A_448 = vector.shape_cast %get3A_447 : vector<1x16xf32> to vector<16xf32>
        %add3A_449 = arith.addf %scan3A_390, %get3A_448 : vector<16xf32>
        %get3A_450 = arith.index_cast %scan3A_379 : i32 to index
        %get3A_451 = arith.constant 176 : index
        %get3A_452 = tpu.vector_load %arg10[%get3A_450, %get3A_451] {strides = array<i32>} : memref<64x256xf32, #tpu.memory_space<vmem>>, vector<1x16xf32>,
        %get3A_453 = vector.shape_cast %get3A_452 : vector<1x16xf32> to vector<16xf32>
        %add3A_454 = arith.addf %scan3A_391, %get3A_453 : vector<16xf32>
        %get3A_455 = arith.index_cast %scan3A_379 : i32 to index
        %get3A_456 = arith.constant 192 : index
        %get3A_457 = tpu.vector_load %arg10[%get3A_455, %get3A_456] {strides = array<i32>} : memref<64x256xf32, #tpu.memory_space<vmem>>, vector<1x16xf32>,
        %get3A_458 = vector.shape_cast %get3A_457 : vector<1x16xf32> to vector<16xf32>
        %add3A_459 = arith.addf %scan3A_392, %get3A_458 : vector<16xf32>
        %get3A_460 = arith.index_cast %scan3A_379 : i32 to index
        %get3A_461 = arith.constant 208 : index
        %get3A_462 = tpu.vector_load %arg10[%get3A_460, %get3A_461] {strides = array<i32>} : memref<64x256xf32, #tpu.memory_space<vmem>>, vector<1x16xf32>,
        %get3A_463 = vector.shape_cast %get3A_462 : vector<1x16xf32> to vector<16xf32>
        %add3A_464 = arith.addf %scan3A_393, %get3A_463 : vector<16xf32>
        %get3A_465 = arith.index_cast %scan3A_379 : i32 to index
        %get3A_466 = arith.constant 224 : index
        %get3A_467 = tpu.vector_load %arg10[%get3A_465, %get3A_466] {strides = array<i32>} : memref<64x256xf32, #tpu.memory_space<vmem>>, vector<1x16xf32>,
        %get3A_468 = vector.shape_cast %get3A_467 : vector<1x16xf32> to vector<16xf32>
        %add3A_469 = arith.addf %scan3A_394, %get3A_468 : vector<16xf32>
        %get3A_470 = arith.index_cast %scan3A_379 : i32 to index
        %get3A_471 = arith.constant 240 : index
        %get3A_472 = tpu.vector_load %arg10[%get3A_470, %get3A_471] {strides = array<i32>} : memref<64x256xf32, #tpu.memory_space<vmem>>, vector<1x16xf32>,
        %get3A_473 = vector.shape_cast %get3A_472 : vector<1x16xf32> to vector<16xf32>
        %add3A_474 = arith.addf %scan3A_395, %get3A_473 : vector<16xf32>
        scf.yield %add3A_399, %add3A_404, %add3A_409, %add3A_414, %add3A_419, %add3A_424, %add3A_429, %add3A_434, %add3A_439, %add3A_444, %add3A_449, %add3A_454, %add3A_459, %add3A_464, %add3A_469, %add3A_474 : vector<16xf32>, vector<16xf32>, vector<16xf32>, vector<16xf32>, vector<16xf32>, vector<16xf32>, vector<16xf32>, vector<16xf32>, vector<16xf32>, vector<16xf32>, vector<16xf32>, vector<16xf32>, vector<16xf32>, vector<16xf32>, vector<16xf32>, vector<16xf32>
      }
      %scan3A_298 = arith.constant 64 : i32
      %swap3A_299 = arith.index_cast %add3A_244 : i32 to index
      %swap3A_300 = arith.constant 0 : index
      %swap3A_301 = tpu.vector_load %arg11[%swap3A_299, %swap3A_300] {strides = array<i32>} : memref<32x256xf32, #tpu.memory_space<vmem>>, vector<1x16xf32>,
      %swap3A_302 = vector.shape_cast %swap3A_301 : vector<1x16xf32> to vector<16xf32>
      %swap3A_303 = vector.shape_cast %scan3A_297#0 : vector<16xf32> to vector<1x16xf32>
      tpu.vector_store %arg11[%swap3A_299, %swap3A_300], %swap3A_303 {strides = array<i32>} : memref<32x256xf32, #tpu.memory_space<vmem>>, vector<1x16xf32>,
      %swap3A_304 = arith.index_cast %add3A_244 : i32 to index
      %swap3A_305 = arith.constant 16 : index
      %swap3A_306 = tpu.vector_load %arg11[%swap3A_304, %swap3A_305] {strides = array<i32>} : memref<32x256xf32, #tpu.memory_space<vmem>>, vector<1x16xf32>,
      %swap3A_307 = vector.shape_cast %swap3A_306 : vector<1x16xf32> to vector<16xf32>
      %swap3A_308 = vector.shape_cast %scan3A_297#1 : vector<16xf32> to vector<1x16xf32>
      tpu.vector_store %arg11[%swap3A_304, %swap3A_305], %swap3A_308 {strides = array<i32>} : memref<32x256xf32, #tpu.memory_space<vmem>>, vector<1x16xf32>,
      %swap3A_309 = arith.index_cast %add3A_244 : i32 to index
      %swap3A_310 = arith.constant 32 : index
      %swap3A_311 = tpu.vector_load %arg11[%swap3A_309, %swap3A_310] {strides = array<i32>} : memref<32x256xf32, #tpu.memory_space<vmem>>, vector<1x16xf32>,
      %swap3A_312 = vector.shape_cast %swap3A_311 : vector<1x16xf32> to vector<16xf32>
      %swap3A_313 = vector.shape_cast %scan3A_297#2 : vector<16xf32> to vector<1x16xf32>
      tpu.vector_store %arg11[%swap3A_309, %swap3A_310], %swap3A_313 {strides = array<i32>} : memref<32x256xf32, #tpu.memory_space<vmem>>, vector<1x16xf32>,
      %swap3A_314 = arith.index_cast %add3A_244 : i32 to index
      %swap3A_315 = arith.constant 48 : index
      %swap3A_316 = tpu.vector_load %arg11[%swap3A_314, %swap3A_315] {strides = array<i32>} : memref<32x256xf32, #tpu.memory_space<vmem>>, vector<1x16xf32>,
      %swap3A_317 = vector.shape_cast %swap3A_316 : vector<1x16xf32> to vector<16xf32>
      %swap3A_318 = vector.shape_cast %scan3A_297#3 : vector<16xf32> to vector<1x16xf32>
      tpu.vector_store %arg11[%swap3A_314, %swap3A_315], %swap3A_318 {strides = array<i32>} : memref<32x256xf32, #tpu.memory_space<vmem>>, vector<1x16xf32>,
      %swap3A_319 = arith.index_cast %add3A_244 : i32 to index
      %swap3A_320 = arith.constant 64 : index
      %swap3A_321 = tpu.vector_load %arg11[%swap3A_319, %swap3A_320] {strides = array<i32>} : memref<32x256xf32, #tpu.memory_space<vmem>>, vector<1x16xf32>,
      %swap3A_322 = vector.shape_cast %swap3A_321 : vector<1x16xf32> to vector<16xf32>
      %swap3A_323 = vector.shape_cast %scan3A_297#4 : vector<16xf32> to vector<1x16xf32>
      tpu.vector_store %arg11[%swap3A_319, %swap3A_320], %swap3A_323 {strides = array<i32>} : memref<32x256xf32, #tpu.memory_space<vmem>>, vector<1x16xf32>,
      %swap3A_324 = arith.index_cast %add3A_244 : i32 to index
      %swap3A_325 = arith.constant 80 : index
      %swap3A_326 = tpu.vector_load %arg11[%swap3A_324, %swap3A_325] {strides = array<i32>} : memref<32x256xf32, #tpu.memory_space<vmem>>, vector<1x16xf32>,
      %swap3A_327 = vector.shape_cast %swap3A_326 : vector<1x16xf32> to vector<16xf32>
      %swap3A_328 = vector.shape_cast %scan3A_297#5 : vector<16xf32> to vector<1x16xf32>
      tpu.vector_store %arg11[%swap3A_324, %swap3A_325], %swap3A_328 {strides = array<i32>} : memref<32x256xf32, #tpu.memory_space<vmem>>, vector<1x16xf32>,
      %swap3A_329 = arith.index_cast %add3A_244 : i32 to index
      %swap3A_330 = arith.constant 96 : index
      %swap3A_331 = tpu.vector_load %arg11[%swap3A_329, %swap3A_330] {strides = array<i32>} : memref<32x256xf32, #tpu.memory_space<vmem>>, vector<1x16xf32>,
      %swap3A_332 = vector.shape_cast %swap3A_331 : vector<1x16xf32> to vector<16xf32>
      %swap3A_333 = vector.shape_cast %scan3A_297#6 : vector<16xf32> to vector<1x16xf32>
      tpu.vector_store %arg11[%swap3A_329, %swap3A_330], %swap3A_333 {strides = array<i32>} : memref<32x256xf32, #tpu.memory_space<vmem>>, vector<1x16xf32>,
      %swap3A_334 = arith.index_cast %add3A_244 : i32 to index
      %swap3A_335 = arith.constant 112 : index
      %swap3A_336 = tpu.vector_load %arg11[%swap3A_334, %swap3A_335] {strides = array<i32>} : memref<32x256xf32, #tpu.memory_space<vmem>>, vector<1x16xf32>,
      %swap3A_337 = vector.shape_cast %swap3A_336 : vector<1x16xf32> to vector<16xf32>
      %swap3A_338 = vector.shape_cast %scan3A_297#7 : vector<16xf32> to vector<1x16xf32>
      tpu.vector_store %arg11[%swap3A_334, %swap3A_335], %swap3A_338 {strides = array<i32>} : memref<32x256xf32, #tpu.memory_space<vmem>>, vector<1x16xf32>,
      %swap3A_339 = arith.index_cast %add3A_244 : i32 to index
      %swap3A_340 = arith.constant 128 : index
      %swap3A_341 = tpu.vector_load %arg11[%swap3A_339, %swap3A_340] {strides = array<i32>} : memref<32x256xf32, #tpu.memory_space<vmem>>, vector<1x16xf32>,
      %swap3A_342 = vector.shape_cast %swap3A_341 : vector<1x16xf32> to vector<16xf32>
      %swap3A_343 = vector.shape_cast %scan3A_297#8 : vector<16xf32> to vector<1x16xf32>
      tpu.vector_store %arg11[%swap3A_339, %swap3A_340], %swap3A_343 {strides = array<i32>} : memref<32x256xf32, #tpu.memory_space<vmem>>, vector<1x16xf32>,
      %swap3A_344 = arith.index_cast %add3A_244 : i32 to index
      %swap3A_345 = arith.constant 144 : index
      %swap3A_346 = tpu.vector_load %arg11[%swap3A_344, %swap3A_345] {strides = array<i32>} : memref<32x256xf32, #tpu.memory_space<vmem>>, vector<1x16xf32>,
      %swap3A_347 = vector.shape_cast %swap3A_346 : vector<1x16xf32> to vector<16xf32>
      %swap3A_348 = vector.shape_cast %scan3A_297#9 : vector<16xf32> to vector<1x16xf32>
      tpu.vector_store %arg11[%swap3A_344, %swap3A_345], %swap3A_348 {strides = array<i32>} : memref<32x256xf32, #tpu.memory_space<vmem>>, vector<1x16xf32>,
      %swap3A_349 = arith.index_cast %add3A_244 : i32 to index
      %swap3A_350 = arith.constant 160 : index
      %swap3A_351 = tpu.vector_load %arg11[%swap3A_349, %swap3A_350] {strides = array<i32>} : memref<32x256xf32, #tpu.memory_space<vmem>>, vector<1x16xf32>,
      %swap3A_352 = vector.shape_cast %swap3A_351 : vector<1x16xf32> to vector<16xf32>
      %swap3A_353 = vector.shape_cast %scan3A_297#10 : vector<16xf32> to vector<1x16xf32>
      tpu.vector_store %arg11[%swap3A_349, %swap3A_350], %swap3A_353 {strides = array<i32>} : memref<32x256xf32, #tpu.memory_space<vmem>>, vector<1x16xf32>,
      %swap3A_354 = arith.index_cast %add3A_244 : i32 to index
      %swap3A_355 = arith.constant 176 : index
      %swap3A_356 = tpu.vector_load %arg11[%swap3A_354, %swap3A_355] {strides = array<i32>} : memref<32x256xf32, #tpu.memory_space<vmem>>, vector<1x16xf32>,
      %swap3A_357 = vector.shape_cast %swap3A_356 : vector<1x16xf32> to vector<16xf32>
      %swap3A_358 = vector.shape_cast %scan3A_297#11 : vector<16xf32> to vector<1x16xf32>
      tpu.vector_store %arg11[%swap3A_354, %swap3A_355], %swap3A_358 {strides = array<i32>} : memref<32x256xf32, #tpu.memory_space<vmem>>, vector<1x16xf32>,
      %swap3A_359 = arith.index_cast %add3A_244 : i32 to index
      %swap3A_360 = arith.constant 192 : index
      %swap3A_361 = tpu.vector_load %arg11[%swap3A_359, %swap3A_360] {strides = array<i32>} : memref<32x256xf32, #tpu.memory_space<vmem>>, vector<1x16xf32>,
      %swap3A_362 = vector.shape_cast %swap3A_361 : vector<1x16xf32> to vector<16xf32>
      %swap3A_363 = vector.shape_cast %scan3A_297#12 : vector<16xf32> to vector<1x16xf32>
      tpu.vector_store %arg11[%swap3A_359, %swap3A_360], %swap3A_363 {strides = array<i32>} : memref<32x256xf32, #tpu.memory_space<vmem>>, vector<1x16xf32>,
      %swap3A_364 = arith.index_cast %add3A_244 : i32 to index
      %swap3A_365 = arith.constant 208 : index
      %swap3A_366 = tpu.vector_load %arg11[%swap3A_364, %swap3A_365] {strides = array<i32>} : memref<32x256xf32, #tpu.memory_space<vmem>>, vector<1x16xf32>,
      %swap3A_367 = vector.shape_cast %swap3A_366 : vector<1x16xf32> to vector<16xf32>
      %swap3A_368 = vector.shape_cast %scan3A_297#13 : vector<16xf32> to vector<1x16xf32>
      tpu.vector_store %arg11[%swap3A_364, %swap3A_365], %swap3A_368 {strides = array<i32>} : memref<32x256xf32, #tpu.memory_space<vmem>>, vector<1x16xf32>,
      %swap3A_369 = arith.index_cast %add3A_244 : i32 to index
      %swap3A_370 = arith.constant 224 : index
      %swap3A_371 = tpu.vector_load %arg11[%swap3A_369, %swap3A_370] {strides = array<i32>} : memref<32x256xf32, #tpu.memory_space<vmem>>, vector<1x16xf32>,
      %swap3A_372 = vector.shape_cast %swap3A_371 : vector<1x16xf32> to vector<16xf32>
      %swap3A_373 = vector.shape_cast %scan3A_297#14 : vector<16xf32> to vector<1x16xf32>
      tpu.vector_store %arg11[%swap3A_369, %swap3A_370], %swap3A_373 {strides = array<i32>} : memref<32x256xf32, #tpu.memory_space<vmem>>, vector<1x16xf32>,
      %swap3A_374 = arith.index_cast %add3A_244 : i32 to index
      %swap3A_375 = arith.constant 240 : index
      %swap3A_376 = tpu.vector_load %arg11[%swap3A_374, %swap3A_375] {strides = array<i32>} : memref<32x256xf32, #tpu.memory_space<vmem>>, vector<1x16xf32>,
      %swap3A_377 = vector.shape_cast %swap3A_376 : vector<1x16xf32> to vector<16xf32>
      %swap3A_378 = vector.shape_cast %scan3A_297#15 : vector<16xf32> to vector<1x16xf32>
      tpu.vector_store %arg11[%swap3A_374, %swap3A_375], %swap3A_378 {strides = array<i32>} : memref<32x256xf32, #tpu.memory_space<vmem>>, vector<1x16xf32>,
    }
    %scan3A_13 = arith.constant 16 : i32
    "tpu.region"() ({
      %run_scoped3A_107 = tpu.sem_alloc : memref<!tpu.dma_semaphore, #tpu.memory_space<semaphore_mem>>
      %dma_start3A_108 = arith.constant 0 : i32
      %dma_start3A_109 = tpu.memref_slice %arg5[%mul3A_2, %dma_start3A_108] : memref<1024x256xf32, #tpu.memory_space<hbm>> -> memref<32x256xf32, #tpu.memory_space<hbm>>
      %dma_start3A_110 = arith.constant 0 : i32
      %dma_start3A_111 = tpu.memref_slice %arg5[%mul3A_2, %dma_start3A_110] : memref<1024x256xf32, #tpu.memory_space<hbm>> -> memref<32x256xf32, #tpu.memory_space<hbm>>
      tpu.enqueue_dma source(%arg11 : memref<32x256xf32, #tpu.memory_space<vmem>>) target(%dma_start3A_111 : memref<32x256xf32, #tpu.memory_space<hbm>>) target_semaphore(%run_scoped3A_107 : memref<!tpu.dma_semaphore, #tpu.memory_space<semaphore_mem>>)
      %dma_wait3A = arith.constant 0 : i32
      %dma_wait3A_112 = tpu.memref_slice %arg5[%mul3A_2, %dma_wait3A] : memref<1024x256xf32, #tpu.memory_space<hbm>> -> memref<32x256xf32, #tpu.memory_space<hbm>>
      %dma_wait3A_113 = arith.constant 0 : i32
      %dma_wait3A_114 = tpu.memref_slice %arg5[%mul3A_2, %dma_wait3A_113] : memref<1024x256xf32, #tpu.memory_space<hbm>> -> memref<32x256xf32, #tpu.memory_space<hbm>>
      tpu.wait_dma2 semaphore(%run_scoped3A_107 : memref<!tpu.dma_semaphore, #tpu.memory_space<semaphore_mem>>) src(%arg11 : memref<32x256xf32, #tpu.memory_space<vmem>>) dst(%dma_wait3A_114 : memref<32x256xf32, #tpu.memory_space<hbm>>)
      tpu.yield
    }) : () -> ()
    %jit3A = arith.constant 4 : i32
    %div3A = arith.divsi %add3A, %jit3A : i32
    %sign3A = arith.constant 0 : i32
    %sign3A_14 = arith.cmpi sgt, %add3A, %sign3A : i32
    %sign3A_15 = arith.extui %sign3A_14 : i1 to i32
    %sign3A_16 = arith.constant 0 : i32
    %sign3A_17 = arith.cmpi slt, %add3A, %sign3A_16 : i32
    %sign3A_18 = arith.extui %sign3A_17 : i1 to i32
    %sign3A_19 = arith.subi %sign3A_15, %sign3A_18 : i32
    %sign3A_20 = arith.constant 0 : i32
    %sign3A_21 = arith.cmpi sgt, %jit3A, %sign3A_20 : i32
    %sign3A_22 = arith.extui %sign3A_21 : i1 to i32
    %sign3A_23 = arith.constant 0 : i32
    %sign3A_24 = arith.cmpi slt, %jit3A, %sign3A_23 : i32
    %sign3A_25 = arith.extui %sign3A_24 : i1 to i32
    %sign3A_26 = arith.subi %sign3A_22, %sign3A_25 : i32
    %ne3A = arith.cmpi ne, %sign3A_19, %sign3A_26 : i32
    %rem3A = arith.remsi %add3A, %jit3A : i32
    %ne3A_27 = arith.constant 0 : i32
    %ne3A_28 = arith.cmpi ne, %rem3A, %ne3A_27 : i32
    %and3A = arith.andi %ne3A, %ne3A_28 : i1
    %sub3A = arith.constant 1 : i32
    %sub3A_29 = arith.subi %div3A, %sub3A : i32
    %select_n3A = arith.select %and3A, %sub3A_29, %div3A : i32
    %jit3A_30 = arith.constant 4 : i32
    %eq3A = arith.constant 0 : i32
    %eq3A_31 = arith.cmpi eq, %jit3A_30, %eq3A : i32
    %jit3A_32 = arith.constant 1 : i32
    %select_n3A_33 = arith.select %eq3A_31, %jit3A_32, %jit3A_30 : i32
    %rem3A_34 = arith.remsi %add3A, %select_n3A_33 : i32
    %ne3A_35 = arith.constant 0 : i32
    %ne3A_36 = arith.cmpi ne, %rem3A_34, %ne3A_35 : i32
    %lt3A = arith.constant 0 : i32
    %lt3A_37 = arith.cmpi slt, %rem3A_34, %lt3A : i32
    %lt3A_38 = arith.constant 0 : i32
    %lt3A_39 = arith.cmpi slt, %select_n3A_33, %lt3A_38 : i32
    %ne3A_40 = arith.xori %lt3A_37, %lt3A_39 : i1
    %and3A_41 = arith.andi %ne3A_40, %ne3A_36 : i1
    %add3A_42 = arith.addi %rem3A_34, %select_n3A_33 : i32
    %select_n3A_43 = arith.select %and3A_41, %add3A_42, %rem3A_34 : i32
    %mul3A_44 = arith.constant 1792 : i32
    %mul3A_45 = arith.muli %select_n3A_43, %mul3A_44 : i32
    %add3A_46 = arith.constant 11264 : i32
    %add3A_47 = arith.addi %add3A_46, %mul3A_45 : i32
    %jit3A_48 = arith.constant 4 : i32
    %eq3A_49 = arith.constant 0 : i32
    %eq3A_50 = arith.cmpi eq, %jit3A_48, %eq3A_49 : i32
    %jit3A_51 = arith.constant 1 : i32
    %select_n3A_52 = arith.select %eq3A_50, %jit3A_51, %jit3A_48 : i32
    %rem3A_53 = arith.remsi %add3A, %select_n3A_52 : i32
    %ne3A_54 = arith.constant 0 : i32
    %ne3A_55 = arith.cmpi ne, %rem3A_53, %ne3A_54 : i32
    %lt3A_56 = arith.constant 0 : i32
    %lt3A_57 = arith.cmpi slt, %rem3A_53, %lt3A_56 : i32
    %lt3A_58 = arith.constant 0 : i32
    %lt3A_59 = arith.cmpi slt, %select_n3A_52, %lt3A_58 : i32
    %ne3A_60 = arith.xori %lt3A_57, %lt3A_59 : i1
    %and3A_61 = arith.andi %ne3A_60, %ne3A_55 : i1
    %add3A_62 = arith.addi %rem3A_53, %select_n3A_52 : i32
    %select_n3A_63 = arith.select %and3A_61, %add3A_62, %rem3A_53 : i32
    %mul3A_64 = arith.constant 1792 : i32
    %mul3A_65 = arith.muli %select_n3A_63, %mul3A_64 : i32
    %run_scoped3A = arith.constant 0 : i32
    "tpu.region"() ({
      %run_scoped3A_107 = tpu.sem_alloc : memref<!tpu.dma_semaphore, #tpu.memory_space<semaphore_mem>>
      %dma_start3A_108 = tpu.memref_slice %arg4[%run_scoped3A, %select_n3A, %add3A_47] : memref<2x8x18432xi32, #tpu.memory_space<hbm>> -> memref<1x1x1792xi32, #tpu.memory_space<hbm>>
      %dma_start3A_109 = tpu.memref_squeeze %dma_start3A_108 : memref<1x1x1792xi32, #tpu.memory_space<hbm>> -> memref<1792xi32, #tpu.memory_space<hbm>>
      %dma_start3A_110 = tpu.memref_slice %arg4[%run_scoped3A, %select_n3A, %add3A_47] : memref<2x8x18432xi32, #tpu.memory_space<hbm>> -> memref<1x1x1792xi32, #tpu.memory_space<hbm>>
      %dma_start3A_111 = tpu.memref_squeeze %dma_start3A_110 : memref<1x1x1792xi32, #tpu.memory_space<hbm>> -> memref<1792xi32, #tpu.memory_space<hbm>>
      tpu.enqueue_dma source(%dma_start3A_111 : memref<1792xi32, #tpu.memory_space<hbm>>) target(%arg14 : memref<1792xi32, #tpu.memory_space<vmem>>) target_semaphore(%run_scoped3A_107 : memref<!tpu.dma_semaphore, #tpu.memory_space<semaphore_mem>>)
      %dma_wait3A = tpu.memref_slice %arg4[%run_scoped3A, %select_n3A, %add3A_47] : memref<2x8x18432xi32, #tpu.memory_space<hbm>> -> memref<1x1x1792xi32, #tpu.memory_space<hbm>>
      %dma_wait3A_112 = tpu.memref_squeeze %dma_wait3A : memref<1x1x1792xi32, #tpu.memory_space<hbm>> -> memref<1792xi32, #tpu.memory_space<hbm>>
      %dma_wait3A_113 = tpu.memref_slice %arg4[%run_scoped3A, %select_n3A, %add3A_47] : memref<2x8x18432xi32, #tpu.memory_space<hbm>> -> memref<1x1x1792xi32, #tpu.memory_space<hbm>>
      %dma_wait3A_114 = tpu.memref_squeeze %dma_wait3A_113 : memref<1x1x1792xi32, #tpu.memory_space<hbm>> -> memref<1792xi32, #tpu.memory_space<hbm>>
      tpu.wait_dma2 semaphore(%run_scoped3A_107 : memref<!tpu.dma_semaphore, #tpu.memory_space<semaphore_mem>>) src(%dma_wait3A_114 : memref<1792xi32, #tpu.memory_space<hbm>>) dst(%arg14 : memref<1792xi32, #tpu.memory_space<vmem>>)
      tpu.yield
    }) : () -> ()
    %scan3A_66 = arith.constant 0 : i32
    %scan3A_67 = arith.constant 112 : i32
    %scan3A_68 = arith.addi %scan3A_66, %scan3A_67 : i32
    %scan3A_69 = arith.constant 1 : i32
    scf.for %scan3A_107 = %scan3A_66 to %scan3A_68 step %scan3A_69  : i32 {
      %mul3A_108 = arith.constant 1 : i32
      %mul3A_109 = arith.muli %scan3A_107, %mul3A_108 : i32
      %add3A_110 = arith.constant 0 : i32
      %add3A_111 = arith.addi %add3A_110, %mul3A_109 : i32
      %mul3A_112 = arith.constant 16 : i32
      %mul3A_113 = arith.muli %add3A_111, %mul3A_112 : i32
      %broadcast_in_dim3A = arith.constant 0xFF800000 : f32
      %broadcast_in_dim3A_114 = vector.broadcast %broadcast_in_dim3A : f32 to vector<16xf32>
      %swap3A = arith.index_cast %mul3A_113 : i32 to index
      %swap3A_115 = tpu.vector_load %arg15[%swap3A] {strides = array<i32>} : memref<1792xf32, #tpu.memory_space<vmem>>, vector<16xf32>,
      %swap3A_116 = vector.shape_cast %swap3A_115 : vector<16xf32> to vector<16xf32>
      %swap3A_117 = vector.shape_cast %broadcast_in_dim3A_114 : vector<16xf32> to vector<16xf32>
      tpu.vector_store %arg15[%swap3A], %swap3A_117 {strides = array<i32>} : memref<1792xf32, #tpu.memory_space<vmem>>, vector<16xf32>,
      %broadcast_in_dim3A_118 = arith.constant 0.000000e+00 : f32
      %broadcast_in_dim3A_119 = vector.broadcast %broadcast_in_dim3A_118 : f32 to vector<16xf32>
      %swap3A_120 = arith.index_cast %mul3A_113 : i32 to index
      %swap3A_121 = tpu.vector_load %arg16[%swap3A_120] {strides = array<i32>} : memref<1792xf32, #tpu.memory_space<vmem>>, vector<16xf32>,
      %swap3A_122 = vector.shape_cast %swap3A_121 : vector<16xf32> to vector<16xf32>
      %swap3A_123 = vector.shape_cast %broadcast_in_dim3A_119 : vector<16xf32> to vector<16xf32>
      tpu.vector_store %arg16[%swap3A_120], %swap3A_123 {strides = array<i32>} : memref<1792xf32, #tpu.memory_space<vmem>>, vector<16xf32>,
      %broadcast_in_dim3A_124 = arith.constant 0.000000e+00 : f32
      %broadcast_in_dim3A_125 = vector.broadcast %broadcast_in_dim3A_124 : f32 to vector<16xf32>
      %swap3A_126 = arith.index_cast %mul3A_113 : i32 to index
      %swap3A_127 = tpu.vector_load %arg17[%swap3A_126] {strides = array<i32>} : memref<1792xf32, #tpu.memory_space<vmem>>, vector<16xf32>,
      %swap3A_128 = vector.shape_cast %swap3A_127 : vector<16xf32> to vector<16xf32>
      %swap3A_129 = vector.shape_cast %broadcast_in_dim3A_125 : vector<16xf32> to vector<16xf32>
      tpu.vector_store %arg17[%swap3A_126], %swap3A_129 {strides = array<i32>} : memref<1792xf32, #tpu.memory_space<vmem>>, vector<16xf32>,
    }
    %scan3A_70 = arith.constant 112 : i32
    %dma_start3A_71 = arith.constant 0 : i32
    %dma_start3A_72 = arith.constant 0 : i32
    %dma_start3A_73 = tpu.memref_slice %arg3[%dma_start3A_71, %dma_start3A_72, %select_n3A, %add3A_47] : memref<2x128x8x18432xf32, #tpu.memory_space<hbm>> -> memref<1x8x1x1792xf32, #tpu.memory_space<hbm>>
    %dma_start3A_74 = tpu.memref_squeeze %dma_start3A_73 : memref<1x8x1x1792xf32, #tpu.memory_space<hbm>> -> memref<8x1792xf32, #tpu.memory_space<hbm>>
    %dma_start3A_75 = arith.constant 0 : i32
    %dma_start3A_76 = tpu.memref_slice %arg3[%dma_start3A_71, %dma_start3A_75, %select_n3A, %add3A_47] : memref<2x128x8x18432xf32, #tpu.memory_space<hbm>> -> memref<1x8x1x1792xf32, #tpu.memory_space<hbm>>
    %dma_start3A_77 = tpu.memref_squeeze %dma_start3A_76 : memref<1x8x1x1792xf32, #tpu.memory_space<hbm>> -> memref<8x1792xf32, #tpu.memory_space<hbm>>
    tpu.enqueue_dma source(%dma_start3A_77 : memref<8x1792xf32, #tpu.memory_space<hbm>>) target(%arg12 : memref<8x1792xf32, #tpu.memory_space<vmem>>) target_semaphore(%arg20 : memref<!tpu.dma_semaphore, #tpu.memory_space<semaphore_mem>>)
    %scan3A_78 = arith.constant 0 : i32
    %scan3A_79 = arith.constant 8 : i32
    %scan3A_80 = arith.addi %scan3A_78, %scan3A_79 : i32
    %scan3A_81 = arith.constant 1 : i32
    scf.for %scan3A_107 = %scan3A_78 to %scan3A_80 step %scan3A_81  : i32 {
      %mul3A_108 = arith.constant 2 : i32
      %mul3A_109 = arith.muli %scan3A_107, %mul3A_108 : i32
      %add3A_110 = arith.constant 0 : i32
      %add3A_111 = arith.addi %add3A_110, %mul3A_109 : i32
      %add3A_112 = arith.constant 0 : i32
      %add3A_113 = arith.addi %add3A_111, %add3A_112 : i32
      %add3A_114 = arith.constant 1 : i32
      %add3A_115 = arith.addi %add3A_113, %add3A_114 : i32
      %lt3A_116 = arith.constant 16 : i32
      %lt3A_117 = arith.cmpi slt, %add3A_115, %lt3A_116 : i32
      %convert_element_type3A = arith.extui %lt3A_117 : i1 to i32
      %cond3A = arith.constant 0 : i32
      %cond3A_118 = arith.cmpi ne, %convert_element_type3A, %cond3A : i32
      scf.if %cond3A_118 {
        %mul3A_155 = arith.constant 8 : i32
        %mul3A_156 = arith.muli %add3A_115, %mul3A_155 : i32
        %dma_start3A_157 = arith.constant 0 : i32
        %dma_start3A_158 = tpu.memref_slice %arg3[%dma_start3A_157, %mul3A_156, %select_n3A, %add3A_47] : memref<2x128x8x18432xf32, #tpu.memory_space<hbm>> -> memref<1x8x1x1792xf32, #tpu.memory_space<hbm>>
        %dma_start3A_159 = tpu.memref_squeeze %dma_start3A_158 : memref<1x8x1x1792xf32, #tpu.memory_space<hbm>> -> memref<8x1792xf32, #tpu.memory_space<hbm>>
        %dma_start3A_160 = tpu.memref_slice %arg3[%dma_start3A_157, %mul3A_156, %select_n3A, %add3A_47] : memref<2x128x8x18432xf32, #tpu.memory_space<hbm>> -> memref<1x8x1x1792xf32, #tpu.memory_space<hbm>>
        %dma_start3A_161 = tpu.memref_squeeze %dma_start3A_160 : memref<1x8x1x1792xf32, #tpu.memory_space<hbm>> -> memref<8x1792xf32, #tpu.memory_space<hbm>>
        tpu.enqueue_dma source(%dma_start3A_161 : memref<8x1792xf32, #tpu.memory_space<hbm>>) target(%arg13 : memref<8x1792xf32, #tpu.memory_space<vmem>>) target_semaphore(%arg21 : memref<!tpu.dma_semaphore, #tpu.memory_space<semaphore_mem>>)
      } else {
      }
      %mul3A_119 = arith.constant 8 : i32
      %mul3A_120 = arith.muli %add3A_113, %mul3A_119 : i32
      %dma_wait3A = arith.constant 0 : i32
      %dma_wait3A_121 = tpu.memref_slice %arg3[%dma_wait3A, %mul3A_120, %select_n3A, %add3A_47] : memref<2x128x8x18432xf32, #tpu.memory_space<hbm>> -> memref<1x8x1x1792xf32, #tpu.memory_space<hbm>>
      %dma_wait3A_122 = tpu.memref_squeeze %dma_wait3A_121 : memref<1x8x1x1792xf32, #tpu.memory_space<hbm>> -> memref<8x1792xf32, #tpu.memory_space<hbm>>
      %dma_wait3A_123 = tpu.memref_slice %arg3[%dma_wait3A, %mul3A_120, %select_n3A, %add3A_47] : memref<2x128x8x18432xf32, #tpu.memory_space<hbm>> -> memref<1x8x1x1792xf32, #tpu.memory_space<hbm>>
      %dma_wait3A_124 = tpu.memref_squeeze %dma_wait3A_123 : memref<1x8x1x1792xf32, #tpu.memory_space<hbm>> -> memref<8x1792xf32, #tpu.memory_space<hbm>>
      tpu.wait_dma2 semaphore(%arg20 : memref<!tpu.dma_semaphore, #tpu.memory_space<semaphore_mem>>) src(%dma_wait3A_124 : memref<8x1792xf32, #tpu.memory_space<hbm>>) dst(%arg12 : memref<8x1792xf32, #tpu.memory_space<vmem>>)
      %mul3A_125 = arith.constant 8 : i32
      %mul3A_126 = arith.muli %add3A_113, %mul3A_125 : i32
      %scan3A_127 = arith.constant 0 : i32
      %scan3A_128 = arith.constant 112 : i32
      %scan3A_129 = arith.addi %scan3A_127, %scan3A_128 : i32
      %scan3A_130 = arith.constant 1 : i32
      scf.for %scan3A_155 = %scan3A_127 to %scan3A_129 step %scan3A_130  : i32 {
        %mul3A_156 = arith.constant 1 : i32
        %mul3A_157 = arith.muli %scan3A_155, %mul3A_156 : i32
        %add3A_158 = arith.constant 0 : i32
        %add3A_159 = arith.addi %add3A_158, %mul3A_157 : i32
        %mul3A_160 = arith.constant 16 : i32
        %mul3A_161 = arith.muli %add3A_159, %mul3A_160 : i32
        %get3A = arith.constant 0 : i32
        %get3A_162 = arith.index_cast %get3A : i32 to index
        %get3A_163 = arith.index_cast %mul3A_161 : i32 to index
        %get3A_164 = tpu.vector_load %arg12[%get3A_162, %get3A_163] {strides = array<i32>} : memref<8x1792xf32, #tpu.memory_space<vmem>>, vector<1x16xf32>,
        %get3A_165 = vector.shape_cast %get3A_164 : vector<1x16xf32> to vector<16xf32>
        %get3A_166 = arith.constant 1 : i32
        %get3A_167 = arith.index_cast %get3A_166 : i32 to index
        %get3A_168 = arith.index_cast %mul3A_161 : i32 to index
        %get3A_169 = tpu.vector_load %arg12[%get3A_167, %get3A_168] {strides = array<i32>} : memref<8x1792xf32, #tpu.memory_space<vmem>>, vector<1x16xf32>,
        %get3A_170 = vector.shape_cast %get3A_169 : vector<1x16xf32> to vector<16xf32>
        %get3A_171 = arith.constant 2 : i32
        %get3A_172 = arith.index_cast %get3A_171 : i32 to index
        %get3A_173 = arith.index_cast %mul3A_161 : i32 to index
        %get3A_174 = tpu.vector_load %arg12[%get3A_172, %get3A_173] {strides = array<i32>} : memref<8x1792xf32, #tpu.memory_space<vmem>>, vector<1x16xf32>,
        %get3A_175 = vector.shape_cast %get3A_174 : vector<1x16xf32> to vector<16xf32>
        %get3A_176 = arith.constant 3 : i32
        %get3A_177 = arith.index_cast %get3A_176 : i32 to index
        %get3A_178 = arith.index_cast %mul3A_161 : i32 to index
        %get3A_179 = tpu.vector_load %arg12[%get3A_177, %get3A_178] {strides = array<i32>} : memref<8x1792xf32, #tpu.memory_space<vmem>>, vector<1x16xf32>,
        %get3A_180 = vector.shape_cast %get3A_179 : vector<1x16xf32> to vector<16xf32>
        %get3A_181 = arith.constant 4 : i32
        %get3A_182 = arith.index_cast %get3A_181 : i32 to index
        %get3A_183 = arith.index_cast %mul3A_161 : i32 to index
        %get3A_184 = tpu.vector_load %arg12[%get3A_182, %get3A_183] {strides = array<i32>} : memref<8x1792xf32, #tpu.memory_space<vmem>>, vector<1x16xf32>,
        %get3A_185 = vector.shape_cast %get3A_184 : vector<1x16xf32> to vector<16xf32>
        %get3A_186 = arith.constant 5 : i32
        %get3A_187 = arith.index_cast %get3A_186 : i32 to index
        %get3A_188 = arith.index_cast %mul3A_161 : i32 to index
        %get3A_189 = tpu.vector_load %arg12[%get3A_187, %get3A_188] {strides = array<i32>} : memref<8x1792xf32, #tpu.memory_space<vmem>>, vector<1x16xf32>,
        %get3A_190 = vector.shape_cast %get3A_189 : vector<1x16xf32> to vector<16xf32>
        %get3A_191 = arith.constant 6 : i32
        %get3A_192 = arith.index_cast %get3A_191 : i32 to index
        %get3A_193 = arith.index_cast %mul3A_161 : i32 to index
        %get3A_194 = tpu.vector_load %arg12[%get3A_192, %get3A_193] {strides = array<i32>} : memref<8x1792xf32, #tpu.memory_space<vmem>>, vector<1x16xf32>,
        %get3A_195 = vector.shape_cast %get3A_194 : vector<1x16xf32> to vector<16xf32>
        %get3A_196 = arith.constant 7 : i32
        %get3A_197 = arith.index_cast %get3A_196 : i32 to index
        %get3A_198 = arith.index_cast %mul3A_161 : i32 to index
        %get3A_199 = tpu.vector_load %arg12[%get3A_197, %get3A_198] {strides = array<i32>} : memref<8x1792xf32, #tpu.memory_space<vmem>>, vector<1x16xf32>,
        %get3A_200 = vector.shape_cast %get3A_199 : vector<1x16xf32> to vector<16xf32>
        %max3A = arith.maximumf %get3A_165, %get3A_170 : vector<16xf32>
        %max3A_201 = arith.maximumf %max3A, %get3A_175 : vector<16xf32>
        %max3A_202 = arith.maximumf %max3A_201, %get3A_180 : vector<16xf32>
        %max3A_203 = arith.maximumf %max3A_202, %get3A_185 : vector<16xf32>
        %max3A_204 = arith.maximumf %max3A_203, %get3A_190 : vector<16xf32>
        %max3A_205 = arith.maximumf %max3A_204, %get3A_195 : vector<16xf32>
        %max3A_206 = arith.maximumf %max3A_205, %get3A_200 : vector<16xf32>
        %get3A_207 = arith.index_cast %mul3A_161 : i32 to index
        %get3A_208 = tpu.vector_load %arg15[%get3A_207] {strides = array<i32>} : memref<1792xf32, #tpu.memory_space<vmem>>, vector<16xf32>,
        %get3A_209 = vector.shape_cast %get3A_208 : vector<16xf32> to vector<16xf32>
        %max3A_210 = arith.maximumf %get3A_209, %max3A_206 : vector<16xf32>
        %get3A_211 = arith.index_cast %mul3A_161 : i32 to index
        %get3A_212 = tpu.vector_load %arg16[%get3A_211] {strides = array<i32>} : memref<1792xf32, #tpu.memory_space<vmem>>, vector<16xf32>,
        %get3A_213 = vector.shape_cast %get3A_212 : vector<16xf32> to vector<16xf32>
        %sub3A_214 = arith.subf %get3A_209, %max3A_210 : vector<16xf32>
        %exp3A = math.exp %sub3A_214 : vector<16xf32>
        %mul3A_215 = arith.mulf %get3A_213, %exp3A : vector<16xf32>
        %get3A_216 = arith.index_cast %mul3A_161 : i32 to index
        %get3A_217 = tpu.vector_load %arg14[%get3A_216] {strides = array<i32>} : memref<1792xi32, #tpu.memory_space<vmem>>, vector<16xi32>,
        %get3A_218 = vector.shape_cast %get3A_217 : vector<16xi32> to vector<16xi32>
        %get3A_219 = arith.index_cast %mul3A_161 : i32 to index
        %get3A_220 = tpu.vector_load %arg17[%get3A_219] {strides = array<i32>} : memref<1792xf32, #tpu.memory_space<vmem>>, vector<16xf32>,
        %get3A_221 = vector.shape_cast %get3A_220 : vector<16xf32> to vector<16xf32>
        %sub3A_222 = arith.subf %get3A_165, %max3A_210 : vector<16xf32>
        %exp3A_223 = math.exp %sub3A_222 : vector<16xf32>
        %add3A_224 = arith.addf %mul3A_215, %exp3A_223 : vector<16xf32>
        %add3A_225 = arith.constant 0 : i32
        %add3A_226 = arith.addi %mul3A_126, %add3A_225 : i32
        %eq3A_227 = vector.broadcast %add3A_226 : i32 to vector<16xi32>
        %eq3A_228 = arith.cmpi eq, %get3A_218, %eq3A_227 : vector<16xi32>
        %jit3A_229 = arith.constant 0.000000e+00 : f32
        %broadcast_in_dim3A = vector.broadcast %jit3A_229 : f32 to vector<16xf32>
        %select_n3A_230 = arith.select %eq3A_228, %get3A_165, %broadcast_in_dim3A : vector<16xi1>, vector<16xf32>
        %add3A_231 = arith.addf %get3A_221, %select_n3A_230 : vector<16xf32>
        %sub3A_232 = arith.subf %get3A_170, %max3A_210 : vector<16xf32>
        %exp3A_233 = math.exp %sub3A_232 : vector<16xf32>
        %add3A_234 = arith.addf %add3A_224, %exp3A_233 : vector<16xf32>
        %add3A_235 = arith.constant 1 : i32
        %add3A_236 = arith.addi %mul3A_126, %add3A_235 : i32
        %eq3A_237 = vector.broadcast %add3A_236 : i32 to vector<16xi32>
        %eq3A_238 = arith.cmpi eq, %get3A_218, %eq3A_237 : vector<16xi32>
        %jit3A_239 = arith.constant 0.000000e+00 : f32
        %broadcast_in_dim3A_240 = vector.broadcast %jit3A_239 : f32 to vector<16xf32>
        %select_n3A_241 = arith.select %eq3A_238, %get3A_170, %broadcast_in_dim3A_240 : vector<16xi1>, vector<16xf32>
        %add3A_242 = arith.addf %add3A_231, %select_n3A_241 : vector<16xf32>
        %sub3A_243 = arith.subf %get3A_175, %max3A_210 : vector<16xf32>
        %exp3A_244 = math.exp %sub3A_243 : vector<16xf32>
        %add3A_245 = arith.addf %add3A_234, %exp3A_244 : vector<16xf32>
        %add3A_246 = arith.constant 2 : i32
        %add3A_247 = arith.addi %mul3A_126, %add3A_246 : i32
        %eq3A_248 = vector.broadcast %add3A_247 : i32 to vector<16xi32>
        %eq3A_249 = arith.cmpi eq, %get3A_218, %eq3A_248 : vector<16xi32>
        %jit3A_250 = arith.constant 0.000000e+00 : f32
        %broadcast_in_dim3A_251 = vector.broadcast %jit3A_250 : f32 to vector<16xf32>
        %select_n3A_252 = arith.select %eq3A_249, %get3A_175, %broadcast_in_dim3A_251 : vector<16xi1>, vector<16xf32>
        %add3A_253 = arith.addf %add3A_242, %select_n3A_252 : vector<16xf32>
        %sub3A_254 = arith.subf %get3A_180, %max3A_210 : vector<16xf32>
        %exp3A_255 = math.exp %sub3A_254 : vector<16xf32>
        %add3A_256 = arith.addf %add3A_245, %exp3A_255 : vector<16xf32>
        %add3A_257 = arith.constant 3 : i32
        %add3A_258 = arith.addi %mul3A_126, %add3A_257 : i32
        %eq3A_259 = vector.broadcast %add3A_258 : i32 to vector<16xi32>
        %eq3A_260 = arith.cmpi eq, %get3A_218, %eq3A_259 : vector<16xi32>
        %jit3A_261 = arith.constant 0.000000e+00 : f32
        %broadcast_in_dim3A_262 = vector.broadcast %jit3A_261 : f32 to vector<16xf32>
        %select_n3A_263 = arith.select %eq3A_260, %get3A_180, %broadcast_in_dim3A_262 : vector<16xi1>, vector<16xf32>
        %add3A_264 = arith.addf %add3A_253, %select_n3A_263 : vector<16xf32>
        %sub3A_265 = arith.subf %get3A_185, %max3A_210 : vector<16xf32>
        %exp3A_266 = math.exp %sub3A_265 : vector<16xf32>
        %add3A_267 = arith.addf %add3A_256, %exp3A_266 : vector<16xf32>
        %add3A_268 = arith.constant 4 : i32
        %add3A_269 = arith.addi %mul3A_126, %add3A_268 : i32
        %eq3A_270 = vector.broadcast %add3A_269 : i32 to vector<16xi32>
        %eq3A_271 = arith.cmpi eq, %get3A_218, %eq3A_270 : vector<16xi32>
        %jit3A_272 = arith.constant 0.000000e+00 : f32
        %broadcast_in_dim3A_273 = vector.broadcast %jit3A_272 : f32 to vector<16xf32>
        %select_n3A_274 = arith.select %eq3A_271, %get3A_185, %broadcast_in_dim3A_273 : vector<16xi1>, vector<16xf32>
        %add3A_275 = arith.addf %add3A_264, %select_n3A_274 : vector<16xf32>
        %sub3A_276 = arith.subf %get3A_190, %max3A_210 : vector<16xf32>
        %exp3A_277 = math.exp %sub3A_276 : vector<16xf32>
        %add3A_278 = arith.addf %add3A_267, %exp3A_277 : vector<16xf32>
        %add3A_279 = arith.constant 5 : i32
        %add3A_280 = arith.addi %mul3A_126, %add3A_279 : i32
        %eq3A_281 = vector.broadcast %add3A_280 : i32 to vector<16xi32>
        %eq3A_282 = arith.cmpi eq, %get3A_218, %eq3A_281 : vector<16xi32>
        %jit3A_283 = arith.constant 0.000000e+00 : f32
        %broadcast_in_dim3A_284 = vector.broadcast %jit3A_283 : f32 to vector<16xf32>
        %select_n3A_285 = arith.select %eq3A_282, %get3A_190, %broadcast_in_dim3A_284 : vector<16xi1>, vector<16xf32>
        %add3A_286 = arith.addf %add3A_275, %select_n3A_285 : vector<16xf32>
        %sub3A_287 = arith.subf %get3A_195, %max3A_210 : vector<16xf32>
        %exp3A_288 = math.exp %sub3A_287 : vector<16xf32>
        %add3A_289 = arith.addf %add3A_278, %exp3A_288 : vector<16xf32>
        %add3A_290 = arith.constant 6 : i32
        %add3A_291 = arith.addi %mul3A_126, %add3A_290 : i32
        %eq3A_292 = vector.broadcast %add3A_291 : i32 to vector<16xi32>
        %eq3A_293 = arith.cmpi eq, %get3A_218, %eq3A_292 : vector<16xi32>
        %jit3A_294 = arith.constant 0.000000e+00 : f32
        %broadcast_in_dim3A_295 = vector.broadcast %jit3A_294 : f32 to vector<16xf32>
        %select_n3A_296 = arith.select %eq3A_293, %get3A_195, %broadcast_in_dim3A_295 : vector<16xi1>, vector<16xf32>
        %add3A_297 = arith.addf %add3A_286, %select_n3A_296 : vector<16xf32>
        %sub3A_298 = arith.subf %get3A_200, %max3A_210 : vector<16xf32>
        %exp3A_299 = math.exp %sub3A_298 : vector<16xf32>
        %add3A_300 = arith.addf %add3A_289, %exp3A_299 : vector<16xf32>
        %add3A_301 = arith.constant 7 : i32
        %add3A_302 = arith.addi %mul3A_126, %add3A_301 : i32
        %eq3A_303 = vector.broadcast %add3A_302 : i32 to vector<16xi32>
        %eq3A_304 = arith.cmpi eq, %get3A_218, %eq3A_303 : vector<16xi32>
        %jit3A_305 = arith.constant 0.000000e+00 : f32
        %broadcast_in_dim3A_306 = vector.broadcast %jit3A_305 : f32 to vector<16xf32>
        %select_n3A_307 = arith.select %eq3A_304, %get3A_200, %broadcast_in_dim3A_306 : vector<16xi1>, vector<16xf32>
        %add3A_308 = arith.addf %add3A_297, %select_n3A_307 : vector<16xf32>
        %swap3A = arith.index_cast %mul3A_161 : i32 to index
        %swap3A_309 = tpu.vector_load %arg15[%swap3A] {strides = array<i32>} : memref<1792xf32, #tpu.memory_space<vmem>>, vector<16xf32>,
        %swap3A_310 = vector.shape_cast %swap3A_309 : vector<16xf32> to vector<16xf32>
        %swap3A_311 = vector.shape_cast %max3A_210 : vector<16xf32> to vector<16xf32>
        tpu.vector_store %arg15[%swap3A], %swap3A_311 {strides = array<i32>} : memref<1792xf32, #tpu.memory_space<vmem>>, vector<16xf32>,
        %swap3A_312 = arith.index_cast %mul3A_161 : i32 to index
        %swap3A_313 = tpu.vector_load %arg16[%swap3A_312] {strides = array<i32>} : memref<1792xf32, #tpu.memory_space<vmem>>, vector<16xf32>,
        %swap3A_314 = vector.shape_cast %swap3A_313 : vector<16xf32> to vector<16xf32>
        %swap3A_315 = vector.shape_cast %add3A_300 : vector<16xf32> to vector<16xf32>
        tpu.vector_store %arg16[%swap3A_312], %swap3A_315 {strides = array<i32>} : memref<1792xf32, #tpu.memory_space<vmem>>, vector<16xf32>,
        %swap3A_316 = arith.index_cast %mul3A_161 : i32 to index
        %swap3A_317 = tpu.vector_load %arg17[%swap3A_316] {strides = array<i32>} : memref<1792xf32, #tpu.memory_space<vmem>>, vector<16xf32>,
        %swap3A_318 = vector.shape_cast %swap3A_317 : vector<16xf32> to vector<16xf32>
        %swap3A_319 = vector.shape_cast %add3A_308 : vector<16xf32> to vector<16xf32>
        tpu.vector_store %arg17[%swap3A_316], %swap3A_319 {strides = array<i32>} : memref<1792xf32, #tpu.memory_space<vmem>>, vector<16xf32>,
      }
      %scan3A_131 = arith.constant 112 : i32
      %add3A_132 = arith.constant 1 : i32
      %add3A_133 = arith.addi %add3A_111, %add3A_132 : i32
      %add3A_134 = arith.constant 1 : i32
      %add3A_135 = arith.addi %add3A_133, %add3A_134 : i32
      %lt3A_136 = arith.constant 16 : i32
      %lt3A_137 = arith.cmpi slt, %add3A_135, %lt3A_136 : i32
      %convert_element_type3A_138 = arith.extui %lt3A_137 : i1 to i32
      %cond3A_139 = arith.constant 0 : i32
      %cond3A_140 = arith.cmpi ne, %convert_element_type3A_138, %cond3A_139 : i32
      scf.if %cond3A_140 {
        %mul3A_155 = arith.constant 8 : i32
        %mul3A_156 = arith.muli %add3A_135, %mul3A_155 : i32
        %dma_start3A_157 = arith.constant 0 : i32
        %dma_start3A_158 = tpu.memref_slice %arg3[%dma_start3A_157, %mul3A_156, %select_n3A, %add3A_47] : memref<2x128x8x18432xf32, #tpu.memory_space<hbm>> -> memref<1x8x1x1792xf32, #tpu.memory_space<hbm>>
        %dma_start3A_159 = tpu.memref_squeeze %dma_start3A_158 : memref<1x8x1x1792xf32, #tpu.memory_space<hbm>> -> memref<8x1792xf32, #tpu.memory_space<hbm>>
        %dma_start3A_160 = tpu.memref_slice %arg3[%dma_start3A_157, %mul3A_156, %select_n3A, %add3A_47] : memref<2x128x8x18432xf32, #tpu.memory_space<hbm>> -> memref<1x8x1x1792xf32, #tpu.memory_space<hbm>>
        %dma_start3A_161 = tpu.memref_squeeze %dma_start3A_160 : memref<1x8x1x1792xf32, #tpu.memory_space<hbm>> -> memref<8x1792xf32, #tpu.memory_space<hbm>>
        tpu.enqueue_dma source(%dma_start3A_161 : memref<8x1792xf32, #tpu.memory_space<hbm>>) target(%arg12 : memref<8x1792xf32, #tpu.memory_space<vmem>>) target_semaphore(%arg20 : memref<!tpu.dma_semaphore, #tpu.memory_space<semaphore_mem>>)
      } else {
      }
      %mul3A_141 = arith.constant 8 : i32
      %mul3A_142 = arith.muli %add3A_133, %mul3A_141 : i32
      %dma_wait3A_143 = arith.constant 0 : i32
      %dma_wait3A_144 = tpu.memref_slice %arg3[%dma_wait3A_143, %mul3A_142, %select_n3A, %add3A_47] : memref<2x128x8x18432xf32, #tpu.memory_space<hbm>> -> memref<1x8x1x1792xf32, #tpu.memory_space<hbm>>
      %dma_wait3A_145 = tpu.memref_squeeze %dma_wait3A_144 : memref<1x8x1x1792xf32, #tpu.memory_space<hbm>> -> memref<8x1792xf32, #tpu.memory_space<hbm>>
      %dma_wait3A_146 = tpu.memref_slice %arg3[%dma_wait3A_143, %mul3A_142, %select_n3A, %add3A_47] : memref<2x128x8x18432xf32, #tpu.memory_space<hbm>> -> memref<1x8x1x1792xf32, #tpu.memory_space<hbm>>
      %dma_wait3A_147 = tpu.memref_squeeze %dma_wait3A_146 : memref<1x8x1x1792xf32, #tpu.memory_space<hbm>> -> memref<8x1792xf32, #tpu.memory_space<hbm>>
      tpu.wait_dma2 semaphore(%arg21 : memref<!tpu.dma_semaphore, #tpu.memory_space<semaphore_mem>>) src(%dma_wait3A_147 : memref<8x1792xf32, #tpu.memory_space<hbm>>) dst(%arg13 : memref<8x1792xf32, #tpu.memory_space<vmem>>)
      %mul3A_148 = arith.constant 8 : i32
      %mul3A_149 = arith.muli %add3A_133, %mul3A_148 : i32
      %scan3A_150 = arith.constant 0 : i32
      %scan3A_151 = arith.constant 112 : i32
      %scan3A_152 = arith.addi %scan3A_150, %scan3A_151 : i32
      %scan3A_153 = arith.constant 1 : i32
      scf.for %scan3A_155 = %scan3A_150 to %scan3A_152 step %scan3A_153  : i32 {
        %mul3A_156 = arith.constant 1 : i32
        %mul3A_157 = arith.muli %scan3A_155, %mul3A_156 : i32
        %add3A_158 = arith.constant 0 : i32
        %add3A_159 = arith.addi %add3A_158, %mul3A_157 : i32
        %mul3A_160 = arith.constant 16 : i32
        %mul3A_161 = arith.muli %add3A_159, %mul3A_160 : i32
        %get3A = arith.constant 0 : i32
        %get3A_162 = arith.index_cast %get3A : i32 to index
        %get3A_163 = arith.index_cast %mul3A_161 : i32 to index
        %get3A_164 = tpu.vector_load %arg13[%get3A_162, %get3A_163] {strides = array<i32>} : memref<8x1792xf32, #tpu.memory_space<vmem>>, vector<1x16xf32>,
        %get3A_165 = vector.shape_cast %get3A_164 : vector<1x16xf32> to vector<16xf32>
        %get3A_166 = arith.constant 1 : i32
        %get3A_167 = arith.index_cast %get3A_166 : i32 to index
        %get3A_168 = arith.index_cast %mul3A_161 : i32 to index
        %get3A_169 = tpu.vector_load %arg13[%get3A_167, %get3A_168] {strides = array<i32>} : memref<8x1792xf32, #tpu.memory_space<vmem>>, vector<1x16xf32>,
        %get3A_170 = vector.shape_cast %get3A_169 : vector<1x16xf32> to vector<16xf32>
        %get3A_171 = arith.constant 2 : i32
        %get3A_172 = arith.index_cast %get3A_171 : i32 to index
        %get3A_173 = arith.index_cast %mul3A_161 : i32 to index
        %get3A_174 = tpu.vector_load %arg13[%get3A_172, %get3A_173] {strides = array<i32>} : memref<8x1792xf32, #tpu.memory_space<vmem>>, vector<1x16xf32>,
        %get3A_175 = vector.shape_cast %get3A_174 : vector<1x16xf32> to vector<16xf32>
        %get3A_176 = arith.constant 3 : i32
        %get3A_177 = arith.index_cast %get3A_176 : i32 to index
        %get3A_178 = arith.index_cast %mul3A_161 : i32 to index
        %get3A_179 = tpu.vector_load %arg13[%get3A_177, %get3A_178] {strides = array<i32>} : memref<8x1792xf32, #tpu.memory_space<vmem>>, vector<1x16xf32>,
        %get3A_180 = vector.shape_cast %get3A_179 : vector<1x16xf32> to vector<16xf32>
        %get3A_181 = arith.constant 4 : i32
        %get3A_182 = arith.index_cast %get3A_181 : i32 to index
        %get3A_183 = arith.index_cast %mul3A_161 : i32 to index
        %get3A_184 = tpu.vector_load %arg13[%get3A_182, %get3A_183] {strides = array<i32>} : memref<8x1792xf32, #tpu.memory_space<vmem>>, vector<1x16xf32>,
        %get3A_185 = vector.shape_cast %get3A_184 : vector<1x16xf32> to vector<16xf32>
        %get3A_186 = arith.constant 5 : i32
        %get3A_187 = arith.index_cast %get3A_186 : i32 to index
        %get3A_188 = arith.index_cast %mul3A_161 : i32 to index
        %get3A_189 = tpu.vector_load %arg13[%get3A_187, %get3A_188] {strides = array<i32>} : memref<8x1792xf32, #tpu.memory_space<vmem>>, vector<1x16xf32>,
        %get3A_190 = vector.shape_cast %get3A_189 : vector<1x16xf32> to vector<16xf32>
        %get3A_191 = arith.constant 6 : i32
        %get3A_192 = arith.index_cast %get3A_191 : i32 to index
        %get3A_193 = arith.index_cast %mul3A_161 : i32 to index
        %get3A_194 = tpu.vector_load %arg13[%get3A_192, %get3A_193] {strides = array<i32>} : memref<8x1792xf32, #tpu.memory_space<vmem>>, vector<1x16xf32>,
        %get3A_195 = vector.shape_cast %get3A_194 : vector<1x16xf32> to vector<16xf32>
        %get3A_196 = arith.constant 7 : i32
        %get3A_197 = arith.index_cast %get3A_196 : i32 to index
        %get3A_198 = arith.index_cast %mul3A_161 : i32 to index
        %get3A_199 = tpu.vector_load %arg13[%get3A_197, %get3A_198] {strides = array<i32>} : memref<8x1792xf32, #tpu.memory_space<vmem>>, vector<1x16xf32>,
        %get3A_200 = vector.shape_cast %get3A_199 : vector<1x16xf32> to vector<16xf32>
        %max3A = arith.maximumf %get3A_165, %get3A_170 : vector<16xf32>
        %max3A_201 = arith.maximumf %max3A, %get3A_175 : vector<16xf32>
        %max3A_202 = arith.maximumf %max3A_201, %get3A_180 : vector<16xf32>
        %max3A_203 = arith.maximumf %max3A_202, %get3A_185 : vector<16xf32>
        %max3A_204 = arith.maximumf %max3A_203, %get3A_190 : vector<16xf32>
        %max3A_205 = arith.maximumf %max3A_204, %get3A_195 : vector<16xf32>
        %max3A_206 = arith.maximumf %max3A_205, %get3A_200 : vector<16xf32>
        %get3A_207 = arith.index_cast %mul3A_161 : i32 to index
        %get3A_208 = tpu.vector_load %arg15[%get3A_207] {strides = array<i32>} : memref<1792xf32, #tpu.memory_space<vmem>>, vector<16xf32>,
        %get3A_209 = vector.shape_cast %get3A_208 : vector<16xf32> to vector<16xf32>
        %max3A_210 = arith.maximumf %get3A_209, %max3A_206 : vector<16xf32>
        %get3A_211 = arith.index_cast %mul3A_161 : i32 to index
        %get3A_212 = tpu.vector_load %arg16[%get3A_211] {strides = array<i32>} : memref<1792xf32, #tpu.memory_space<vmem>>, vector<16xf32>,
        %get3A_213 = vector.shape_cast %get3A_212 : vector<16xf32> to vector<16xf32>
        %sub3A_214 = arith.subf %get3A_209, %max3A_210 : vector<16xf32>
        %exp3A = math.exp %sub3A_214 : vector<16xf32>
        %mul3A_215 = arith.mulf %get3A_213, %exp3A : vector<16xf32>
        %get3A_216 = arith.index_cast %mul3A_161 : i32 to index
        %get3A_217 = tpu.vector_load %arg14[%get3A_216] {strides = array<i32>} : memref<1792xi32, #tpu.memory_space<vmem>>, vector<16xi32>,
        %get3A_218 = vector.shape_cast %get3A_217 : vector<16xi32> to vector<16xi32>
        %get3A_219 = arith.index_cast %mul3A_161 : i32 to index
        %get3A_220 = tpu.vector_load %arg17[%get3A_219] {strides = array<i32>} : memref<1792xf32, #tpu.memory_space<vmem>>, vector<16xf32>,
        %get3A_221 = vector.shape_cast %get3A_220 : vector<16xf32> to vector<16xf32>
        %sub3A_222 = arith.subf %get3A_165, %max3A_210 : vector<16xf32>
        %exp3A_223 = math.exp %sub3A_222 : vector<16xf32>
        %add3A_224 = arith.addf %mul3A_215, %exp3A_223 : vector<16xf32>
        %add3A_225 = arith.constant 0 : i32
        %add3A_226 = arith.addi %mul3A_149, %add3A_225 : i32
        %eq3A_227 = vector.broadcast %add3A_226 : i32 to vector<16xi32>
        %eq3A_228 = arith.cmpi eq, %get3A_218, %eq3A_227 : vector<16xi32>
        %jit3A_229 = arith.constant 0.000000e+00 : f32
        %broadcast_in_dim3A = vector.broadcast %jit3A_229 : f32 to vector<16xf32>
        %select_n3A_230 = arith.select %eq3A_228, %get3A_165, %broadcast_in_dim3A : vector<16xi1>, vector<16xf32>
        %add3A_231 = arith.addf %get3A_221, %select_n3A_230 : vector<16xf32>
        %sub3A_232 = arith.subf %get3A_170, %max3A_210 : vector<16xf32>
        %exp3A_233 = math.exp %sub3A_232 : vector<16xf32>
        %add3A_234 = arith.addf %add3A_224, %exp3A_233 : vector<16xf32>
        %add3A_235 = arith.constant 1 : i32
        %add3A_236 = arith.addi %mul3A_149, %add3A_235 : i32
        %eq3A_237 = vector.broadcast %add3A_236 : i32 to vector<16xi32>
        %eq3A_238 = arith.cmpi eq, %get3A_218, %eq3A_237 : vector<16xi32>
        %jit3A_239 = arith.constant 0.000000e+00 : f32
        %broadcast_in_dim3A_240 = vector.broadcast %jit3A_239 : f32 to vector<16xf32>
        %select_n3A_241 = arith.select %eq3A_238, %get3A_170, %broadcast_in_dim3A_240 : vector<16xi1>, vector<16xf32>
        %add3A_242 = arith.addf %add3A_231, %select_n3A_241 : vector<16xf32>
        %sub3A_243 = arith.subf %get3A_175, %max3A_210 : vector<16xf32>
        %exp3A_244 = math.exp %sub3A_243 : vector<16xf32>
        %add3A_245 = arith.addf %add3A_234, %exp3A_244 : vector<16xf32>
        %add3A_246 = arith.constant 2 : i32
        %add3A_247 = arith.addi %mul3A_149, %add3A_246 : i32
        %eq3A_248 = vector.broadcast %add3A_247 : i32 to vector<16xi32>
        %eq3A_249 = arith.cmpi eq, %get3A_218, %eq3A_248 : vector<16xi32>
        %jit3A_250 = arith.constant 0.000000e+00 : f32
        %broadcast_in_dim3A_251 = vector.broadcast %jit3A_250 : f32 to vector<16xf32>
        %select_n3A_252 = arith.select %eq3A_249, %get3A_175, %broadcast_in_dim3A_251 : vector<16xi1>, vector<16xf32>
        %add3A_253 = arith.addf %add3A_242, %select_n3A_252 : vector<16xf32>
        %sub3A_254 = arith.subf %get3A_180, %max3A_210 : vector<16xf32>
        %exp3A_255 = math.exp %sub3A_254 : vector<16xf32>
        %add3A_256 = arith.addf %add3A_245, %exp3A_255 : vector<16xf32>
        %add3A_257 = arith.constant 3 : i32
        %add3A_258 = arith.addi %mul3A_149, %add3A_257 : i32
        %eq3A_259 = vector.broadcast %add3A_258 : i32 to vector<16xi32>
        %eq3A_260 = arith.cmpi eq, %get3A_218, %eq3A_259 : vector<16xi32>
        %jit3A_261 = arith.constant 0.000000e+00 : f32
        %broadcast_in_dim3A_262 = vector.broadcast %jit3A_261 : f32 to vector<16xf32>
        %select_n3A_263 = arith.select %eq3A_260, %get3A_180, %broadcast_in_dim3A_262 : vector<16xi1>, vector<16xf32>
        %add3A_264 = arith.addf %add3A_253, %select_n3A_263 : vector<16xf32>
        %sub3A_265 = arith.subf %get3A_185, %max3A_210 : vector<16xf32>
        %exp3A_266 = math.exp %sub3A_265 : vector<16xf32>
        %add3A_267 = arith.addf %add3A_256, %exp3A_266 : vector<16xf32>
        %add3A_268 = arith.constant 4 : i32
        %add3A_269 = arith.addi %mul3A_149, %add3A_268 : i32
        %eq3A_270 = vector.broadcast %add3A_269 : i32 to vector<16xi32>
        %eq3A_271 = arith.cmpi eq, %get3A_218, %eq3A_270 : vector<16xi32>
        %jit3A_272 = arith.constant 0.000000e+00 : f32
        %broadcast_in_dim3A_273 = vector.broadcast %jit3A_272 : f32 to vector<16xf32>
        %select_n3A_274 = arith.select %eq3A_271, %get3A_185, %broadcast_in_dim3A_273 : vector<16xi1>, vector<16xf32>
        %add3A_275 = arith.addf %add3A_264, %select_n3A_274 : vector<16xf32>
        %sub3A_276 = arith.subf %get3A_190, %max3A_210 : vector<16xf32>
        %exp3A_277 = math.exp %sub3A_276 : vector<16xf32>
        %add3A_278 = arith.addf %add3A_267, %exp3A_277 : vector<16xf32>
        %add3A_279 = arith.constant 5 : i32
        %add3A_280 = arith.addi %mul3A_149, %add3A_279 : i32
        %eq3A_281 = vector.broadcast %add3A_280 : i32 to vector<16xi32>
        %eq3A_282 = arith.cmpi eq, %get3A_218, %eq3A_281 : vector<16xi32>
        %jit3A_283 = arith.constant 0.000000e+00 : f32
        %broadcast_in_dim3A_284 = vector.broadcast %jit3A_283 : f32 to vector<16xf32>
        %select_n3A_285 = arith.select %eq3A_282, %get3A_190, %broadcast_in_dim3A_284 : vector<16xi1>, vector<16xf32>
        %add3A_286 = arith.addf %add3A_275, %select_n3A_285 : vector<16xf32>
        %sub3A_287 = arith.subf %get3A_195, %max3A_210 : vector<16xf32>
        %exp3A_288 = math.exp %sub3A_287 : vector<16xf32>
        %add3A_289 = arith.addf %add3A_278, %exp3A_288 : vector<16xf32>
        %add3A_290 = arith.constant 6 : i32
        %add3A_291 = arith.addi %mul3A_149, %add3A_290 : i32
        %eq3A_292 = vector.broadcast %add3A_291 : i32 to vector<16xi32>
        %eq3A_293 = arith.cmpi eq, %get3A_218, %eq3A_292 : vector<16xi32>
        %jit3A_294 = arith.constant 0.000000e+00 : f32
        %broadcast_in_dim3A_295 = vector.broadcast %jit3A_294 : f32 to vector<16xf32>
        %select_n3A_296 = arith.select %eq3A_293, %get3A_195, %broadcast_in_dim3A_295 : vector<16xi1>, vector<16xf32>
        %add3A_297 = arith.addf %add3A_286, %select_n3A_296 : vector<16xf32>
        %sub3A_298 = arith.subf %get3A_200, %max3A_210 : vector<16xf32>
        %exp3A_299 = math.exp %sub3A_298 : vector<16xf32>
        %add3A_300 = arith.addf %add3A_289, %exp3A_299 : vector<16xf32>
        %add3A_301 = arith.constant 7 : i32
        %add3A_302 = arith.addi %mul3A_149, %add3A_301 : i32
        %eq3A_303 = vector.broadcast %add3A_302 : i32 to vector<16xi32>
        %eq3A_304 = arith.cmpi eq, %get3A_218, %eq3A_303 : vector<16xi32>
        %jit3A_305 = arith.constant 0.000000e+00 : f32
        %broadcast_in_dim3A_306 = vector.broadcast %jit3A_305 : f32 to vector<16xf32>
        %select_n3A_307 = arith.select %eq3A_304, %get3A_200, %broadcast_in_dim3A_306 : vector<16xi1>, vector<16xf32>
        %add3A_308 = arith.addf %add3A_297, %select_n3A_307 : vector<16xf32>
        %swap3A = arith.index_cast %mul3A_161 : i32 to index
        %swap3A_309 = tpu.vector_load %arg15[%swap3A] {strides = array<i32>} : memref<1792xf32, #tpu.memory_space<vmem>>, vector<16xf32>,
        %swap3A_310 = vector.shape_cast %swap3A_309 : vector<16xf32> to vector<16xf32>
        %swap3A_311 = vector.shape_cast %max3A_210 : vector<16xf32> to vector<16xf32>
        tpu.vector_store %arg15[%swap3A], %swap3A_311 {strides = array<i32>} : memref<1792xf32, #tpu.memory_space<vmem>>, vector<16xf32>,
        %swap3A_312 = arith.index_cast %mul3A_161 : i32 to index
        %swap3A_313 = tpu.vector_load %arg16[%swap3A_312] {strides = array<i32>} : memref<1792xf32, #tpu.memory_space<vmem>>, vector<16xf32>,
        %swap3A_314 = vector.shape_cast %swap3A_313 : vector<16xf32> to vector<16xf32>
        %swap3A_315 = vector.shape_cast %add3A_300 : vector<16xf32> to vector<16xf32>
        tpu.vector_store %arg16[%swap3A_312], %swap3A_315 {strides = array<i32>} : memref<1792xf32, #tpu.memory_space<vmem>>, vector<16xf32>,
        %swap3A_316 = arith.index_cast %mul3A_161 : i32 to index
        %swap3A_317 = tpu.vector_load %arg17[%swap3A_316] {strides = array<i32>} : memref<1792xf32, #tpu.memory_space<vmem>>, vector<16xf32>,
        %swap3A_318 = vector.shape_cast %swap3A_317 : vector<16xf32> to vector<16xf32>
        %swap3A_319 = vector.shape_cast %add3A_308 : vector<16xf32> to vector<16xf32>
        tpu.vector_store %arg17[%swap3A_316], %swap3A_319 {strides = array<i32>} : memref<1792xf32, #tpu.memory_space<vmem>>, vector<16xf32>,
      }
      %scan3A_154 = arith.constant 112 : i32
    }
    %scan3A_82 = arith.constant 8 : i32
    %run_scoped3A_83 = arith.constant 0 : i32
    "tpu.region"() ({
      %run_scoped3A_107 = tpu.sem_alloc : memref<!tpu.dma_semaphore, #tpu.memory_space<semaphore_mem>>
      %dma_start3A_108 = tpu.memref_slice %arg6[%run_scoped3A_83, %select_n3A, %mul3A_65] : memref<2x8x7168xf32, #tpu.memory_space<hbm>> -> memref<1x1x1792xf32, #tpu.memory_space<hbm>>
      %dma_start3A_109 = tpu.memref_squeeze %dma_start3A_108 : memref<1x1x1792xf32, #tpu.memory_space<hbm>> -> memref<1792xf32, #tpu.memory_space<hbm>>
      %dma_start3A_110 = tpu.memref_slice %arg6[%run_scoped3A_83, %select_n3A, %mul3A_65] : memref<2x8x7168xf32, #tpu.memory_space<hbm>> -> memref<1x1x1792xf32, #tpu.memory_space<hbm>>
      %dma_start3A_111 = tpu.memref_squeeze %dma_start3A_110 : memref<1x1x1792xf32, #tpu.memory_space<hbm>> -> memref<1792xf32, #tpu.memory_space<hbm>>
      tpu.enqueue_dma source(%arg15 : memref<1792xf32, #tpu.memory_space<vmem>>) target(%dma_start3A_111 : memref<1792xf32, #tpu.memory_space<hbm>>) target_semaphore(%run_scoped3A_107 : memref<!tpu.dma_semaphore, #tpu.memory_space<semaphore_mem>>)
      %dma_wait3A = tpu.memref_slice %arg6[%run_scoped3A_83, %select_n3A, %mul3A_65] : memref<2x8x7168xf32, #tpu.memory_space<hbm>> -> memref<1x1x1792xf32, #tpu.memory_space<hbm>>
      %dma_wait3A_112 = tpu.memref_squeeze %dma_wait3A : memref<1x1x1792xf32, #tpu.memory_space<hbm>> -> memref<1792xf32, #tpu.memory_space<hbm>>
      %dma_wait3A_113 = tpu.memref_slice %arg6[%run_scoped3A_83, %select_n3A, %mul3A_65] : memref<2x8x7168xf32, #tpu.memory_space<hbm>> -> memref<1x1x1792xf32, #tpu.memory_space<hbm>>
      %dma_wait3A_114 = tpu.memref_squeeze %dma_wait3A_113 : memref<1x1x1792xf32, #tpu.memory_space<hbm>> -> memref<1792xf32, #tpu.memory_space<hbm>>
      tpu.wait_dma2 semaphore(%run_scoped3A_107 : memref<!tpu.dma_semaphore, #tpu.memory_space<semaphore_mem>>) src(%arg15 : memref<1792xf32, #tpu.memory_space<vmem>>) dst(%dma_wait3A_114 : memref<1792xf32, #tpu.memory_space<hbm>>)
      tpu.yield
    }) : () -> ()
    %run_scoped3A_84 = arith.constant 0 : i32
    "tpu.region"() ({
      %run_scoped3A_107 = tpu.sem_alloc : memref<!tpu.dma_semaphore, #tpu.memory_space<semaphore_mem>>
      %dma_start3A_108 = tpu.memref_slice %arg7[%run_scoped3A_84, %select_n3A, %mul3A_65] : memref<2x8x7168xf32, #tpu.memory_space<hbm>> -> memref<1x1x1792xf32, #tpu.memory_space<hbm>>
      %dma_start3A_109 = tpu.memref_squeeze %dma_start3A_108 : memref<1x1x1792xf32, #tpu.memory_space<hbm>> -> memref<1792xf32, #tpu.memory_space<hbm>>
      %dma_start3A_110 = tpu.memref_slice %arg7[%run_scoped3A_84, %select_n3A, %mul3A_65] : memref<2x8x7168xf32, #tpu.memory_space<hbm>> -> memref<1x1x1792xf32, #tpu.memory_space<hbm>>
      %dma_start3A_111 = tpu.memref_squeeze %dma_start3A_110 : memref<1x1x1792xf32, #tpu.memory_space<hbm>> -> memref<1792xf32, #tpu.memory_space<hbm>>
      tpu.enqueue_dma source(%arg16 : memref<1792xf32, #tpu.memory_space<vmem>>) target(%dma_start3A_111 : memref<1792xf32, #tpu.memory_space<hbm>>) target_semaphore(%run_scoped3A_107 : memref<!tpu.dma_semaphore, #tpu.memory_space<semaphore_mem>>)
      %dma_wait3A = tpu.memref_slice %arg7[%run_scoped3A_84, %select_n3A, %mul3A_65] : memref<2x8x7168xf32, #tpu.memory_space<hbm>> -> memref<1x1x1792xf32, #tpu.memory_space<hbm>>
      %dma_wait3A_112 = tpu.memref_squeeze %dma_wait3A : memref<1x1x1792xf32, #tpu.memory_space<hbm>> -> memref<1792xf32, #tpu.memory_space<hbm>>
      %dma_wait3A_113 = tpu.memref_slice %arg7[%run_scoped3A_84, %select_n3A, %mul3A_65] : memref<2x8x7168xf32, #tpu.memory_space<hbm>> -> memref<1x1x1792xf32, #tpu.memory_space<hbm>>
      %dma_wait3A_114 = tpu.memref_squeeze %dma_wait3A_113 : memref<1x1x1792xf32, #tpu.memory_space<hbm>> -> memref<1792xf32, #tpu.memory_space<hbm>>
      tpu.wait_dma2 semaphore(%run_scoped3A_107 : memref<!tpu.dma_semaphore, #tpu.memory_space<semaphore_mem>>) src(%arg16 : memref<1792xf32, #tpu.memory_space<vmem>>) dst(%dma_wait3A_114 : memref<1792xf32, #tpu.memory_space<hbm>>)
      tpu.yield
    }) : () -> ()
    %run_scoped3A_85 = arith.constant 0 : i32
    "tpu.region"() ({
      %run_scoped3A_107 = tpu.sem_alloc : memref<!tpu.dma_semaphore, #tpu.memory_space<semaphore_mem>>
      %dma_start3A_108 = tpu.memref_slice %arg8[%run_scoped3A_85, %select_n3A, %mul3A_65] : memref<2x8x7168xf32, #tpu.memory_space<hbm>> -> memref<1x1x1792xf32, #tpu.memory_space<hbm>>
      %dma_start3A_109 = tpu.memref_squeeze %dma_start3A_108 : memref<1x1x1792xf32, #tpu.memory_space<hbm>> -> memref<1792xf32, #tpu.memory_space<hbm>>
      %dma_start3A_110 = tpu.memref_slice %arg8[%run_scoped3A_85, %select_n3A, %mul3A_65] : memref<2x8x7168xf32, #tpu.memory_space<hbm>> -> memref<1x1x1792xf32, #tpu.memory_space<hbm>>
      %dma_start3A_111 = tpu.memref_squeeze %dma_start3A_110 : memref<1x1x1792xf32, #tpu.memory_space<hbm>> -> memref<1792xf32, #tpu.memory_space<hbm>>
      tpu.enqueue_dma source(%arg17 : memref<1792xf32, #tpu.memory_space<vmem>>) target(%dma_start3A_111 : memref<1792xf32, #tpu.memory_space<hbm>>) target_semaphore(%run_scoped3A_107 : memref<!tpu.dma_semaphore, #tpu.memory_space<semaphore_mem>>)
      %dma_wait3A = tpu.memref_slice %arg8[%run_scoped3A_85, %select_n3A, %mul3A_65] : memref<2x8x7168xf32, #tpu.memory_space<hbm>> -> memref<1x1x1792xf32, #tpu.memory_space<hbm>>
      %dma_wait3A_112 = tpu.memref_squeeze %dma_wait3A : memref<1x1x1792xf32, #tpu.memory_space<hbm>> -> memref<1792xf32, #tpu.memory_space<hbm>>
      %dma_wait3A_113 = tpu.memref_slice %arg8[%run_scoped3A_85, %select_n3A, %mul3A_65] : memref<2x8x7168xf32, #tpu.memory_space<hbm>> -> memref<1x1x1792xf32, #tpu.memory_space<hbm>>
      %dma_wait3A_114 = tpu.memref_squeeze %dma_wait3A_113 : memref<1x1x1792xf32, #tpu.memory_space<hbm>> -> memref<1792xf32, #tpu.memory_space<hbm>>
      tpu.wait_dma2 semaphore(%run_scoped3A_107 : memref<!tpu.dma_semaphore, #tpu.memory_space<semaphore_mem>>) src(%arg17 : memref<1792xf32, #tpu.memory_space<vmem>>) dst(%dma_wait3A_114 : memref<1792xf32, #tpu.memory_space<hbm>>)
      tpu.yield
    }) : () -> ()
    %run_scoped3A_86 = arith.constant 1 : i32
    "tpu.region"() ({
      %run_scoped3A_107 = tpu.sem_alloc : memref<!tpu.dma_semaphore, #tpu.memory_space<semaphore_mem>>
      %dma_start3A_108 = tpu.memref_slice %arg4[%run_scoped3A_86, %select_n3A, %add3A_47] : memref<2x8x18432xi32, #tpu.memory_space<hbm>> -> memref<1x1x1792xi32, #tpu.memory_space<hbm>>
      %dma_start3A_109 = tpu.memref_squeeze %dma_start3A_108 : memref<1x1x1792xi32, #tpu.memory_space<hbm>> -> memref<1792xi32, #tpu.memory_space<hbm>>
      %dma_start3A_110 = tpu.memref_slice %arg4[%run_scoped3A_86, %select_n3A, %add3A_47] : memref<2x8x18432xi32, #tpu.memory_space<hbm>> -> memref<1x1x1792xi32, #tpu.memory_space<hbm>>
      %dma_start3A_111 = tpu.memref_squeeze %dma_start3A_110 : memref<1x1x1792xi32, #tpu.memory_space<hbm>> -> memref<1792xi32, #tpu.memory_space<hbm>>
      tpu.enqueue_dma source(%dma_start3A_111 : memref<1792xi32, #tpu.memory_space<hbm>>) target(%arg14 : memref<1792xi32, #tpu.memory_space<vmem>>) target_semaphore(%run_scoped3A_107 : memref<!tpu.dma_semaphore, #tpu.memory_space<semaphore_mem>>)
      %dma_wait3A = tpu.memref_slice %arg4[%run_scoped3A_86, %select_n3A, %add3A_47] : memref<2x8x18432xi32, #tpu.memory_space<hbm>> -> memref<1x1x1792xi32, #tpu.memory_space<hbm>>
      %dma_wait3A_112 = tpu.memref_squeeze %dma_wait3A : memref<1x1x1792xi32, #tpu.memory_space<hbm>> -> memref<1792xi32, #tpu.memory_space<hbm>>
      %dma_wait3A_113 = tpu.memref_slice %arg4[%run_scoped3A_86, %select_n3A, %add3A_47] : memref<2x8x18432xi32, #tpu.memory_space<hbm>> -> memref<1x1x1792xi32, #tpu.memory_space<hbm>>
      %dma_wait3A_114 = tpu.memref_squeeze %dma_wait3A_113 : memref<1x1x1792xi32, #tpu.memory_space<hbm>> -> memref<1792xi32, #tpu.memory_space<hbm>>
      tpu.wait_dma2 semaphore(%run_scoped3A_107 : memref<!tpu.dma_semaphore, #tpu.memory_space<semaphore_mem>>) src(%dma_wait3A_114 : memref<1792xi32, #tpu.memory_space<hbm>>) dst(%arg14 : memref<1792xi32, #tpu.memory_space<vmem>>)
      tpu.yield
    }) : () -> ()
    %scan3A_87 = arith.constant 0 : i32
    %scan3A_88 = arith.constant 112 : i32
    %scan3A_89 = arith.addi %scan3A_87, %scan3A_88 : i32
    %scan3A_90 = arith.constant 1 : i32
    scf.for %scan3A_107 = %scan3A_87 to %scan3A_89 step %scan3A_90  : i32 {
      %mul3A_108 = arith.constant 1 : i32
      %mul3A_109 = arith.muli %scan3A_107, %mul3A_108 : i32
      %add3A_110 = arith.constant 0 : i32
      %add3A_111 = arith.addi %add3A_110, %mul3A_109 : i32
      %mul3A_112 = arith.constant 16 : i32
      %mul3A_113 = arith.muli %add3A_111, %mul3A_112 : i32
      %broadcast_in_dim3A = arith.constant 0xFF800000 : f32
      %broadcast_in_dim3A_114 = vector.broadcast %broadcast_in_dim3A : f32 to vector<16xf32>
      %swap3A = arith.index_cast %mul3A_113 : i32 to index
      %swap3A_115 = tpu.vector_load %arg15[%swap3A] {strides = array<i32>} : memref<1792xf32, #tpu.memory_space<vmem>>, vector<16xf32>,
      %swap3A_116 = vector.shape_cast %swap3A_115 : vector<16xf32> to vector<16xf32>
      %swap3A_117 = vector.shape_cast %broadcast_in_dim3A_114 : vector<16xf32> to vector<16xf32>
      tpu.vector_store %arg15[%swap3A], %swap3A_117 {strides = array<i32>} : memref<1792xf32, #tpu.memory_space<vmem>>, vector<16xf32>,
      %broadcast_in_dim3A_118 = arith.constant 0.000000e+00 : f32
      %broadcast_in_dim3A_119 = vector.broadcast %broadcast_in_dim3A_118 : f32 to vector<16xf32>
      %swap3A_120 = arith.index_cast %mul3A_113 : i32 to index
      %swap3A_121 = tpu.vector_load %arg16[%swap3A_120] {strides = array<i32>} : memref<1792xf32, #tpu.memory_space<vmem>>, vector<16xf32>,
      %swap3A_122 = vector.shape_cast %swap3A_121 : vector<16xf32> to vector<16xf32>
      %swap3A_123 = vector.shape_cast %broadcast_in_dim3A_119 : vector<16xf32> to vector<16xf32>
      tpu.vector_store %arg16[%swap3A_120], %swap3A_123 {strides = array<i32>} : memref<1792xf32, #tpu.memory_space<vmem>>, vector<16xf32>,
      %broadcast_in_dim3A_124 = arith.constant 0.000000e+00 : f32
      %broadcast_in_dim3A_125 = vector.broadcast %broadcast_in_dim3A_124 : f32 to vector<16xf32>
      %swap3A_126 = arith.index_cast %mul3A_113 : i32 to index
      %swap3A_127 = tpu.vector_load %arg17[%swap3A_126] {strides = array<i32>} : memref<1792xf32, #tpu.memory_space<vmem>>, vector<16xf32>,
      %swap3A_128 = vector.shape_cast %swap3A_127 : vector<16xf32> to vector<16xf32>
      %swap3A_129 = vector.shape_cast %broadcast_in_dim3A_125 : vector<16xf32> to vector<16xf32>
      tpu.vector_store %arg17[%swap3A_126], %swap3A_129 {strides = array<i32>} : memref<1792xf32, #tpu.memory_space<vmem>>, vector<16xf32>,
    }
    %scan3A_91 = arith.constant 112 : i32
    %dma_start3A_92 = arith.constant 1 : i32
    %dma_start3A_93 = arith.constant 0 : i32
    %dma_start3A_94 = tpu.memref_slice %arg3[%dma_start3A_92, %dma_start3A_93, %select_n3A, %add3A_47] : memref<2x128x8x18432xf32, #tpu.memory_space<hbm>> -> memref<1x8x1x1792xf32, #tpu.memory_space<hbm>>
    %dma_start3A_95 = tpu.memref_squeeze %dma_start3A_94 : memref<1x8x1x1792xf32, #tpu.memory_space<hbm>> -> memref<8x1792xf32, #tpu.memory_space<hbm>>
    %dma_start3A_96 = arith.constant 0 : i32
    %dma_start3A_97 = tpu.memref_slice %arg3[%dma_start3A_92, %dma_start3A_96, %select_n3A, %add3A_47] : memref<2x128x8x18432xf32, #tpu.memory_space<hbm>> -> memref<1x8x1x1792xf32, #tpu.memory_space<hbm>>
    %dma_start3A_98 = tpu.memref_squeeze %dma_start3A_97 : memref<1x8x1x1792xf32, #tpu.memory_space<hbm>> -> memref<8x1792xf32, #tpu.memory_space<hbm>>
    tpu.enqueue_dma source(%dma_start3A_98 : memref<8x1792xf32, #tpu.memory_space<hbm>>) target(%arg12 : memref<8x1792xf32, #tpu.memory_space<vmem>>) target_semaphore(%arg20 : memref<!tpu.dma_semaphore, #tpu.memory_space<semaphore_mem>>)
    %scan3A_99 = arith.constant 0 : i32
    %scan3A_100 = arith.constant 8 : i32
    %scan3A_101 = arith.addi %scan3A_99, %scan3A_100 : i32
    %scan3A_102 = arith.constant 1 : i32
    scf.for %scan3A_107 = %scan3A_99 to %scan3A_101 step %scan3A_102  : i32 {
      %mul3A_108 = arith.constant 2 : i32
      %mul3A_109 = arith.muli %scan3A_107, %mul3A_108 : i32
      %add3A_110 = arith.constant 0 : i32
      %add3A_111 = arith.addi %add3A_110, %mul3A_109 : i32
      %add3A_112 = arith.constant 0 : i32
      %add3A_113 = arith.addi %add3A_111, %add3A_112 : i32
      %add3A_114 = arith.constant 1 : i32
      %add3A_115 = arith.addi %add3A_113, %add3A_114 : i32
      %lt3A_116 = arith.constant 16 : i32
      %lt3A_117 = arith.cmpi slt, %add3A_115, %lt3A_116 : i32
      %convert_element_type3A = arith.extui %lt3A_117 : i1 to i32
      %cond3A = arith.constant 0 : i32
      %cond3A_118 = arith.cmpi ne, %convert_element_type3A, %cond3A : i32
      scf.if %cond3A_118 {
        %mul3A_155 = arith.constant 8 : i32
        %mul3A_156 = arith.muli %add3A_115, %mul3A_155 : i32
        %dma_start3A_157 = arith.constant 1 : i32
        %dma_start3A_158 = tpu.memref_slice %arg3[%dma_start3A_157, %mul3A_156, %select_n3A, %add3A_47] : memref<2x128x8x18432xf32, #tpu.memory_space<hbm>> -> memref<1x8x1x1792xf32, #tpu.memory_space<hbm>>
        %dma_start3A_159 = tpu.memref_squeeze %dma_start3A_158 : memref<1x8x1x1792xf32, #tpu.memory_space<hbm>> -> memref<8x1792xf32, #tpu.memory_space<hbm>>
        %dma_start3A_160 = tpu.memref_slice %arg3[%dma_start3A_157, %mul3A_156, %select_n3A, %add3A_47] : memref<2x128x8x18432xf32, #tpu.memory_space<hbm>> -> memref<1x8x1x1792xf32, #tpu.memory_space<hbm>>
        %dma_start3A_161 = tpu.memref_squeeze %dma_start3A_160 : memref<1x8x1x1792xf32, #tpu.memory_space<hbm>> -> memref<8x1792xf32, #tpu.memory_space<hbm>>
        tpu.enqueue_dma source(%dma_start3A_161 : memref<8x1792xf32, #tpu.memory_space<hbm>>) target(%arg13 : memref<8x1792xf32, #tpu.memory_space<vmem>>) target_semaphore(%arg21 : memref<!tpu.dma_semaphore, #tpu.memory_space<semaphore_mem>>)
      } else {
      }
      %mul3A_119 = arith.constant 8 : i32
      %mul3A_120 = arith.muli %add3A_113, %mul3A_119 : i32
      %dma_wait3A = arith.constant 1 : i32
      %dma_wait3A_121 = tpu.memref_slice %arg3[%dma_wait3A, %mul3A_120, %select_n3A, %add3A_47] : memref<2x128x8x18432xf32, #tpu.memory_space<hbm>> -> memref<1x8x1x1792xf32, #tpu.memory_space<hbm>>
      %dma_wait3A_122 = tpu.memref_squeeze %dma_wait3A_121 : memref<1x8x1x1792xf32, #tpu.memory_space<hbm>> -> memref<8x1792xf32, #tpu.memory_space<hbm>>
      %dma_wait3A_123 = tpu.memref_slice %arg3[%dma_wait3A, %mul3A_120, %select_n3A, %add3A_47] : memref<2x128x8x18432xf32, #tpu.memory_space<hbm>> -> memref<1x8x1x1792xf32, #tpu.memory_space<hbm>>
      %dma_wait3A_124 = tpu.memref_squeeze %dma_wait3A_123 : memref<1x8x1x1792xf32, #tpu.memory_space<hbm>> -> memref<8x1792xf32, #tpu.memory_space<hbm>>
      tpu.wait_dma2 semaphore(%arg20 : memref<!tpu.dma_semaphore, #tpu.memory_space<semaphore_mem>>) src(%dma_wait3A_124 : memref<8x1792xf32, #tpu.memory_space<hbm>>) dst(%arg12 : memref<8x1792xf32, #tpu.memory_space<vmem>>)
      %mul3A_125 = arith.constant 8 : i32
      %mul3A_126 = arith.muli %add3A_113, %mul3A_125 : i32
      %scan3A_127 = arith.constant 0 : i32
      %scan3A_128 = arith.constant 112 : i32
      %scan3A_129 = arith.addi %scan3A_127, %scan3A_128 : i32
      %scan3A_130 = arith.constant 1 : i32
      scf.for %scan3A_155 = %scan3A_127 to %scan3A_129 step %scan3A_130  : i32 {
        %mul3A_156 = arith.constant 1 : i32
        %mul3A_157 = arith.muli %scan3A_155, %mul3A_156 : i32
        %add3A_158 = arith.constant 0 : i32
        %add3A_159 = arith.addi %add3A_158, %mul3A_157 : i32
        %mul3A_160 = arith.constant 16 : i32
        %mul3A_161 = arith.muli %add3A_159, %mul3A_160 : i32
        %get3A = arith.constant 0 : i32
        %get3A_162 = arith.index_cast %get3A : i32 to index
        %get3A_163 = arith.index_cast %mul3A_161 : i32 to index
        %get3A_164 = tpu.vector_load %arg12[%get3A_162, %get3A_163] {strides = array<i32>} : memref<8x1792xf32, #tpu.memory_space<vmem>>, vector<1x16xf32>,
        %get3A_165 = vector.shape_cast %get3A_164 : vector<1x16xf32> to vector<16xf32>
        %get3A_166 = arith.constant 1 : i32
        %get3A_167 = arith.index_cast %get3A_166 : i32 to index
        %get3A_168 = arith.index_cast %mul3A_161 : i32 to index
        %get3A_169 = tpu.vector_load %arg12[%get3A_167, %get3A_168] {strides = array<i32>} : memref<8x1792xf32, #tpu.memory_space<vmem>>, vector<1x16xf32>,
        %get3A_170 = vector.shape_cast %get3A_169 : vector<1x16xf32> to vector<16xf32>
        %get3A_171 = arith.constant 2 : i32
        %get3A_172 = arith.index_cast %get3A_171 : i32 to index
        %get3A_173 = arith.index_cast %mul3A_161 : i32 to index
        %get3A_174 = tpu.vector_load %arg12[%get3A_172, %get3A_173] {strides = array<i32>} : memref<8x1792xf32, #tpu.memory_space<vmem>>, vector<1x16xf32>,
        %get3A_175 = vector.shape_cast %get3A_174 : vector<1x16xf32> to vector<16xf32>
        %get3A_176 = arith.constant 3 : i32
        %get3A_177 = arith.index_cast %get3A_176 : i32 to index
        %get3A_178 = arith.index_cast %mul3A_161 : i32 to index
        %get3A_179 = tpu.vector_load %arg12[%get3A_177, %get3A_178] {strides = array<i32>} : memref<8x1792xf32, #tpu.memory_space<vmem>>, vector<1x16xf32>,
        %get3A_180 = vector.shape_cast %get3A_179 : vector<1x16xf32> to vector<16xf32>
        %get3A_181 = arith.constant 4 : i32
        %get3A_182 = arith.index_cast %get3A_181 : i32 to index
        %get3A_183 = arith.index_cast %mul3A_161 : i32 to index
        %get3A_184 = tpu.vector_load %arg12[%get3A_182, %get3A_183] {strides = array<i32>} : memref<8x1792xf32, #tpu.memory_space<vmem>>, vector<1x16xf32>,
        %get3A_185 = vector.shape_cast %get3A_184 : vector<1x16xf32> to vector<16xf32>
        %get3A_186 = arith.constant 5 : i32
        %get3A_187 = arith.index_cast %get3A_186 : i32 to index
        %get3A_188 = arith.index_cast %mul3A_161 : i32 to index
        %get3A_189 = tpu.vector_load %arg12[%get3A_187, %get3A_188] {strides = array<i32>} : memref<8x1792xf32, #tpu.memory_space<vmem>>, vector<1x16xf32>,
        %get3A_190 = vector.shape_cast %get3A_189 : vector<1x16xf32> to vector<16xf32>
        %get3A_191 = arith.constant 6 : i32
        %get3A_192 = arith.index_cast %get3A_191 : i32 to index
        %get3A_193 = arith.index_cast %mul3A_161 : i32 to index
        %get3A_194 = tpu.vector_load %arg12[%get3A_192, %get3A_193] {strides = array<i32>} : memref<8x1792xf32, #tpu.memory_space<vmem>>, vector<1x16xf32>,
        %get3A_195 = vector.shape_cast %get3A_194 : vector<1x16xf32> to vector<16xf32>
        %get3A_196 = arith.constant 7 : i32
        %get3A_197 = arith.index_cast %get3A_196 : i32 to index
        %get3A_198 = arith.index_cast %mul3A_161 : i32 to index
        %get3A_199 = tpu.vector_load %arg12[%get3A_197, %get3A_198] {strides = array<i32>} : memref<8x1792xf32, #tpu.memory_space<vmem>>, vector<1x16xf32>,
        %get3A_200 = vector.shape_cast %get3A_199 : vector<1x16xf32> to vector<16xf32>
        %max3A = arith.maximumf %get3A_165, %get3A_170 : vector<16xf32>
        %max3A_201 = arith.maximumf %max3A, %get3A_175 : vector<16xf32>
        %max3A_202 = arith.maximumf %max3A_201, %get3A_180 : vector<16xf32>
        %max3A_203 = arith.maximumf %max3A_202, %get3A_185 : vector<16xf32>
        %max3A_204 = arith.maximumf %max3A_203, %get3A_190 : vector<16xf32>
        %max3A_205 = arith.maximumf %max3A_204, %get3A_195 : vector<16xf32>
        %max3A_206 = arith.maximumf %max3A_205, %get3A_200 : vector<16xf32>
        %get3A_207 = arith.index_cast %mul3A_161 : i32 to index
        %get3A_208 = tpu.vector_load %arg15[%get3A_207] {strides = array<i32>} : memref<1792xf32, #tpu.memory_space<vmem>>, vector<16xf32>,
        %get3A_209 = vector.shape_cast %get3A_208 : vector<16xf32> to vector<16xf32>
        %max3A_210 = arith.maximumf %get3A_209, %max3A_206 : vector<16xf32>
        %get3A_211 = arith.index_cast %mul3A_161 : i32 to index
        %get3A_212 = tpu.vector_load %arg16[%get3A_211] {strides = array<i32>} : memref<1792xf32, #tpu.memory_space<vmem>>, vector<16xf32>,
        %get3A_213 = vector.shape_cast %get3A_212 : vector<16xf32> to vector<16xf32>
        %sub3A_214 = arith.subf %get3A_209, %max3A_210 : vector<16xf32>
        %exp3A = math.exp %sub3A_214 : vector<16xf32>
        %mul3A_215 = arith.mulf %get3A_213, %exp3A : vector<16xf32>
        %get3A_216 = arith.index_cast %mul3A_161 : i32 to index
        %get3A_217 = tpu.vector_load %arg14[%get3A_216] {strides = array<i32>} : memref<1792xi32, #tpu.memory_space<vmem>>, vector<16xi32>,
        %get3A_218 = vector.shape_cast %get3A_217 : vector<16xi32> to vector<16xi32>
        %get3A_219 = arith.index_cast %mul3A_161 : i32 to index
        %get3A_220 = tpu.vector_load %arg17[%get3A_219] {strides = array<i32>} : memref<1792xf32, #tpu.memory_space<vmem>>, vector<16xf32>,
        %get3A_221 = vector.shape_cast %get3A_220 : vector<16xf32> to vector<16xf32>
        %sub3A_222 = arith.subf %get3A_165, %max3A_210 : vector<16xf32>
        %exp3A_223 = math.exp %sub3A_222 : vector<16xf32>
        %add3A_224 = arith.addf %mul3A_215, %exp3A_223 : vector<16xf32>
        %add3A_225 = arith.constant 0 : i32
        %add3A_226 = arith.addi %mul3A_126, %add3A_225 : i32
        %eq3A_227 = vector.broadcast %add3A_226 : i32 to vector<16xi32>
        %eq3A_228 = arith.cmpi eq, %get3A_218, %eq3A_227 : vector<16xi32>
        %jit3A_229 = arith.constant 0.000000e+00 : f32
        %broadcast_in_dim3A = vector.broadcast %jit3A_229 : f32 to vector<16xf32>
        %select_n3A_230 = arith.select %eq3A_228, %get3A_165, %broadcast_in_dim3A : vector<16xi1>, vector<16xf32>
        %add3A_231 = arith.addf %get3A_221, %select_n3A_230 : vector<16xf32>
        %sub3A_232 = arith.subf %get3A_170, %max3A_210 : vector<16xf32>
        %exp3A_233 = math.exp %sub3A_232 : vector<16xf32>
        %add3A_234 = arith.addf %add3A_224, %exp3A_233 : vector<16xf32>
        %add3A_235 = arith.constant 1 : i32
        %add3A_236 = arith.addi %mul3A_126, %add3A_235 : i32
        %eq3A_237 = vector.broadcast %add3A_236 : i32 to vector<16xi32>
        %eq3A_238 = arith.cmpi eq, %get3A_218, %eq3A_237 : vector<16xi32>
        %jit3A_239 = arith.constant 0.000000e+00 : f32
        %broadcast_in_dim3A_240 = vector.broadcast %jit3A_239 : f32 to vector<16xf32>
        %select_n3A_241 = arith.select %eq3A_238, %get3A_170, %broadcast_in_dim3A_240 : vector<16xi1>, vector<16xf32>
        %add3A_242 = arith.addf %add3A_231, %select_n3A_241 : vector<16xf32>
        %sub3A_243 = arith.subf %get3A_175, %max3A_210 : vector<16xf32>
        %exp3A_244 = math.exp %sub3A_243 : vector<16xf32>
        %add3A_245 = arith.addf %add3A_234, %exp3A_244 : vector<16xf32>
        %add3A_246 = arith.constant 2 : i32
        %add3A_247 = arith.addi %mul3A_126, %add3A_246 : i32
        %eq3A_248 = vector.broadcast %add3A_247 : i32 to vector<16xi32>
        %eq3A_249 = arith.cmpi eq, %get3A_218, %eq3A_248 : vector<16xi32>
        %jit3A_250 = arith.constant 0.000000e+00 : f32
        %broadcast_in_dim3A_251 = vector.broadcast %jit3A_250 : f32 to vector<16xf32>
        %select_n3A_252 = arith.select %eq3A_249, %get3A_175, %broadcast_in_dim3A_251 : vector<16xi1>, vector<16xf32>
        %add3A_253 = arith.addf %add3A_242, %select_n3A_252 : vector<16xf32>
        %sub3A_254 = arith.subf %get3A_180, %max3A_210 : vector<16xf32>
        %exp3A_255 = math.exp %sub3A_254 : vector<16xf32>
        %add3A_256 = arith.addf %add3A_245, %exp3A_255 : vector<16xf32>
        %add3A_257 = arith.constant 3 : i32
        %add3A_258 = arith.addi %mul3A_126, %add3A_257 : i32
        %eq3A_259 = vector.broadcast %add3A_258 : i32 to vector<16xi32>
        %eq3A_260 = arith.cmpi eq, %get3A_218, %eq3A_259 : vector<16xi32>
        %jit3A_261 = arith.constant 0.000000e+00 : f32
        %broadcast_in_dim3A_262 = vector.broadcast %jit3A_261 : f32 to vector<16xf32>
        %select_n3A_263 = arith.select %eq3A_260, %get3A_180, %broadcast_in_dim3A_262 : vector<16xi1>, vector<16xf32>
        %add3A_264 = arith.addf %add3A_253, %select_n3A_263 : vector<16xf32>
        %sub3A_265 = arith.subf %get3A_185, %max3A_210 : vector<16xf32>
        %exp3A_266 = math.exp %sub3A_265 : vector<16xf32>
        %add3A_267 = arith.addf %add3A_256, %exp3A_266 : vector<16xf32>
        %add3A_268 = arith.constant 4 : i32
        %add3A_269 = arith.addi %mul3A_126, %add3A_268 : i32
        %eq3A_270 = vector.broadcast %add3A_269 : i32 to vector<16xi32>
        %eq3A_271 = arith.cmpi eq, %get3A_218, %eq3A_270 : vector<16xi32>
        %jit3A_272 = arith.constant 0.000000e+00 : f32
        %broadcast_in_dim3A_273 = vector.broadcast %jit3A_272 : f32 to vector<16xf32>
        %select_n3A_274 = arith.select %eq3A_271, %get3A_185, %broadcast_in_dim3A_273 : vector<16xi1>, vector<16xf32>
        %add3A_275 = arith.addf %add3A_264, %select_n3A_274 : vector<16xf32>
        %sub3A_276 = arith.subf %get3A_190, %max3A_210 : vector<16xf32>
        %exp3A_277 = math.exp %sub3A_276 : vector<16xf32>
        %add3A_278 = arith.addf %add3A_267, %exp3A_277 : vector<16xf32>
        %add3A_279 = arith.constant 5 : i32
        %add3A_280 = arith.addi %mul3A_126, %add3A_279 : i32
        %eq3A_281 = vector.broadcast %add3A_280 : i32 to vector<16xi32>
        %eq3A_282 = arith.cmpi eq, %get3A_218, %eq3A_281 : vector<16xi32>
        %jit3A_283 = arith.constant 0.000000e+00 : f32
        %broadcast_in_dim3A_284 = vector.broadcast %jit3A_283 : f32 to vector<16xf32>
        %select_n3A_285 = arith.select %eq3A_282, %get3A_190, %broadcast_in_dim3A_284 : vector<16xi1>, vector<16xf32>
        %add3A_286 = arith.addf %add3A_275, %select_n3A_285 : vector<16xf32>
        %sub3A_287 = arith.subf %get3A_195, %max3A_210 : vector<16xf32>
        %exp3A_288 = math.exp %sub3A_287 : vector<16xf32>
        %add3A_289 = arith.addf %add3A_278, %exp3A_288 : vector<16xf32>
        %add3A_290 = arith.constant 6 : i32
        %add3A_291 = arith.addi %mul3A_126, %add3A_290 : i32
        %eq3A_292 = vector.broadcast %add3A_291 : i32 to vector<16xi32>
        %eq3A_293 = arith.cmpi eq, %get3A_218, %eq3A_292 : vector<16xi32>
        %jit3A_294 = arith.constant 0.000000e+00 : f32
        %broadcast_in_dim3A_295 = vector.broadcast %jit3A_294 : f32 to vector<16xf32>
        %select_n3A_296 = arith.select %eq3A_293, %get3A_195, %broadcast_in_dim3A_295 : vector<16xi1>, vector<16xf32>
        %add3A_297 = arith.addf %add3A_286, %select_n3A_296 : vector<16xf32>
        %sub3A_298 = arith.subf %get3A_200, %max3A_210 : vector<16xf32>
        %exp3A_299 = math.exp %sub3A_298 : vector<16xf32>
        %add3A_300 = arith.addf %add3A_289, %exp3A_299 : vector<16xf32>
        %add3A_301 = arith.constant 7 : i32
        %add3A_302 = arith.addi %mul3A_126, %add3A_301 : i32
        %eq3A_303 = vector.broadcast %add3A_302 : i32 to vector<16xi32>
        %eq3A_304 = arith.cmpi eq, %get3A_218, %eq3A_303 : vector<16xi32>
        %jit3A_305 = arith.constant 0.000000e+00 : f32
        %broadcast_in_dim3A_306 = vector.broadcast %jit3A_305 : f32 to vector<16xf32>
        %select_n3A_307 = arith.select %eq3A_304, %get3A_200, %broadcast_in_dim3A_306 : vector<16xi1>, vector<16xf32>
        %add3A_308 = arith.addf %add3A_297, %select_n3A_307 : vector<16xf32>
        %swap3A = arith.index_cast %mul3A_161 : i32 to index
        %swap3A_309 = tpu.vector_load %arg15[%swap3A] {strides = array<i32>} : memref<1792xf32, #tpu.memory_space<vmem>>, vector<16xf32>,
        %swap3A_310 = vector.shape_cast %swap3A_309 : vector<16xf32> to vector<16xf32>
        %swap3A_311 = vector.shape_cast %max3A_210 : vector<16xf32> to vector<16xf32>
        tpu.vector_store %arg15[%swap3A], %swap3A_311 {strides = array<i32>} : memref<1792xf32, #tpu.memory_space<vmem>>, vector<16xf32>,
        %swap3A_312 = arith.index_cast %mul3A_161 : i32 to index
        %swap3A_313 = tpu.vector_load %arg16[%swap3A_312] {strides = array<i32>} : memref<1792xf32, #tpu.memory_space<vmem>>, vector<16xf32>,
        %swap3A_314 = vector.shape_cast %swap3A_313 : vector<16xf32> to vector<16xf32>
        %swap3A_315 = vector.shape_cast %add3A_300 : vector<16xf32> to vector<16xf32>
        tpu.vector_store %arg16[%swap3A_312], %swap3A_315 {strides = array<i32>} : memref<1792xf32, #tpu.memory_space<vmem>>, vector<16xf32>,
        %swap3A_316 = arith.index_cast %mul3A_161 : i32 to index
        %swap3A_317 = tpu.vector_load %arg17[%swap3A_316] {strides = array<i32>} : memref<1792xf32, #tpu.memory_space<vmem>>, vector<16xf32>,
        %swap3A_318 = vector.shape_cast %swap3A_317 : vector<16xf32> to vector<16xf32>
        %swap3A_319 = vector.shape_cast %add3A_308 : vector<16xf32> to vector<16xf32>
        tpu.vector_store %arg17[%swap3A_316], %swap3A_319 {strides = array<i32>} : memref<1792xf32, #tpu.memory_space<vmem>>, vector<16xf32>,
      }
      %scan3A_131 = arith.constant 112 : i32
      %add3A_132 = arith.constant 1 : i32
      %add3A_133 = arith.addi %add3A_111, %add3A_132 : i32
      %add3A_134 = arith.constant 1 : i32
      %add3A_135 = arith.addi %add3A_133, %add3A_134 : i32
      %lt3A_136 = arith.constant 16 : i32
      %lt3A_137 = arith.cmpi slt, %add3A_135, %lt3A_136 : i32
      %convert_element_type3A_138 = arith.extui %lt3A_137 : i1 to i32
      %cond3A_139 = arith.constant 0 : i32
      %cond3A_140 = arith.cmpi ne, %convert_element_type3A_138, %cond3A_139 : i32
      scf.if %cond3A_140 {
        %mul3A_155 = arith.constant 8 : i32
        %mul3A_156 = arith.muli %add3A_135, %mul3A_155 : i32
        %dma_start3A_157 = arith.constant 1 : i32
        %dma_start3A_158 = tpu.memref_slice %arg3[%dma_start3A_157, %mul3A_156, %select_n3A, %add3A_47] : memref<2x128x8x18432xf32, #tpu.memory_space<hbm>> -> memref<1x8x1x1792xf32, #tpu.memory_space<hbm>>
        %dma_start3A_159 = tpu.memref_squeeze %dma_start3A_158 : memref<1x8x1x1792xf32, #tpu.memory_space<hbm>> -> memref<8x1792xf32, #tpu.memory_space<hbm>>
        %dma_start3A_160 = tpu.memref_slice %arg3[%dma_start3A_157, %mul3A_156, %select_n3A, %add3A_47] : memref<2x128x8x18432xf32, #tpu.memory_space<hbm>> -> memref<1x8x1x1792xf32, #tpu.memory_space<hbm>>
        %dma_start3A_161 = tpu.memref_squeeze %dma_start3A_160 : memref<1x8x1x1792xf32, #tpu.memory_space<hbm>> -> memref<8x1792xf32, #tpu.memory_space<hbm>>
        tpu.enqueue_dma source(%dma_start3A_161 : memref<8x1792xf32, #tpu.memory_space<hbm>>) target(%arg12 : memref<8x1792xf32, #tpu.memory_space<vmem>>) target_semaphore(%arg20 : memref<!tpu.dma_semaphore, #tpu.memory_space<semaphore_mem>>)
      } else {
      }
      %mul3A_141 = arith.constant 8 : i32
      %mul3A_142 = arith.muli %add3A_133, %mul3A_141 : i32
      %dma_wait3A_143 = arith.constant 1 : i32
      %dma_wait3A_144 = tpu.memref_slice %arg3[%dma_wait3A_143, %mul3A_142, %select_n3A, %add3A_47] : memref<2x128x8x18432xf32, #tpu.memory_space<hbm>> -> memref<1x8x1x1792xf32, #tpu.memory_space<hbm>>
      %dma_wait3A_145 = tpu.memref_squeeze %dma_wait3A_144 : memref<1x8x1x1792xf32, #tpu.memory_space<hbm>> -> memref<8x1792xf32, #tpu.memory_space<hbm>>
      %dma_wait3A_146 = tpu.memref_slice %arg3[%dma_wait3A_143, %mul3A_142, %select_n3A, %add3A_47] : memref<2x128x8x18432xf32, #tpu.memory_space<hbm>> -> memref<1x8x1x1792xf32, #tpu.memory_space<hbm>>
      %dma_wait3A_147 = tpu.memref_squeeze %dma_wait3A_146 : memref<1x8x1x1792xf32, #tpu.memory_space<hbm>> -> memref<8x1792xf32, #tpu.memory_space<hbm>>
      tpu.wait_dma2 semaphore(%arg21 : memref<!tpu.dma_semaphore, #tpu.memory_space<semaphore_mem>>) src(%dma_wait3A_147 : memref<8x1792xf32, #tpu.memory_space<hbm>>) dst(%arg13 : memref<8x1792xf32, #tpu.memory_space<vmem>>)
      %mul3A_148 = arith.constant 8 : i32
      %mul3A_149 = arith.muli %add3A_133, %mul3A_148 : i32
      %scan3A_150 = arith.constant 0 : i32
      %scan3A_151 = arith.constant 112 : i32
      %scan3A_152 = arith.addi %scan3A_150, %scan3A_151 : i32
      %scan3A_153 = arith.constant 1 : i32
      scf.for %scan3A_155 = %scan3A_150 to %scan3A_152 step %scan3A_153  : i32 {
        %mul3A_156 = arith.constant 1 : i32
        %mul3A_157 = arith.muli %scan3A_155, %mul3A_156 : i32
        %add3A_158 = arith.constant 0 : i32
        %add3A_159 = arith.addi %add3A_158, %mul3A_157 : i32
        %mul3A_160 = arith.constant 16 : i32
        %mul3A_161 = arith.muli %add3A_159, %mul3A_160 : i32
        %get3A = arith.constant 0 : i32
        %get3A_162 = arith.index_cast %get3A : i32 to index
        %get3A_163 = arith.index_cast %mul3A_161 : i32 to index
        %get3A_164 = tpu.vector_load %arg13[%get3A_162, %get3A_163] {strides = array<i32>} : memref<8x1792xf32, #tpu.memory_space<vmem>>, vector<1x16xf32>,
        %get3A_165 = vector.shape_cast %get3A_164 : vector<1x16xf32> to vector<16xf32>
        %get3A_166 = arith.constant 1 : i32
        %get3A_167 = arith.index_cast %get3A_166 : i32 to index
        %get3A_168 = arith.index_cast %mul3A_161 : i32 to index
        %get3A_169 = tpu.vector_load %arg13[%get3A_167, %get3A_168] {strides = array<i32>} : memref<8x1792xf32, #tpu.memory_space<vmem>>, vector<1x16xf32>,
        %get3A_170 = vector.shape_cast %get3A_169 : vector<1x16xf32> to vector<16xf32>
        %get3A_171 = arith.constant 2 : i32
        %get3A_172 = arith.index_cast %get3A_171 : i32 to index
        %get3A_173 = arith.index_cast %mul3A_161 : i32 to index
        %get3A_174 = tpu.vector_load %arg13[%get3A_172, %get3A_173] {strides = array<i32>} : memref<8x1792xf32, #tpu.memory_space<vmem>>, vector<1x16xf32>,
        %get3A_175 = vector.shape_cast %get3A_174 : vector<1x16xf32> to vector<16xf32>
        %get3A_176 = arith.constant 3 : i32
        %get3A_177 = arith.index_cast %get3A_176 : i32 to index
        %get3A_178 = arith.index_cast %mul3A_161 : i32 to index
        %get3A_179 = tpu.vector_load %arg13[%get3A_177, %get3A_178] {strides = array<i32>} : memref<8x1792xf32, #tpu.memory_space<vmem>>, vector<1x16xf32>,
        %get3A_180 = vector.shape_cast %get3A_179 : vector<1x16xf32> to vector<16xf32>
        %get3A_181 = arith.constant 4 : i32
        %get3A_182 = arith.index_cast %get3A_181 : i32 to index
        %get3A_183 = arith.index_cast %mul3A_161 : i32 to index
        %get3A_184 = tpu.vector_load %arg13[%get3A_182, %get3A_183] {strides = array<i32>} : memref<8x1792xf32, #tpu.memory_space<vmem>>, vector<1x16xf32>,
        %get3A_185 = vector.shape_cast %get3A_184 : vector<1x16xf32> to vector<16xf32>
        %get3A_186 = arith.constant 5 : i32
        %get3A_187 = arith.index_cast %get3A_186 : i32 to index
        %get3A_188 = arith.index_cast %mul3A_161 : i32 to index
        %get3A_189 = tpu.vector_load %arg13[%get3A_187, %get3A_188] {strides = array<i32>} : memref<8x1792xf32, #tpu.memory_space<vmem>>, vector<1x16xf32>,
        %get3A_190 = vector.shape_cast %get3A_189 : vector<1x16xf32> to vector<16xf32>
        %get3A_191 = arith.constant 6 : i32
        %get3A_192 = arith.index_cast %get3A_191 : i32 to index
        %get3A_193 = arith.index_cast %mul3A_161 : i32 to index
        %get3A_194 = tpu.vector_load %arg13[%get3A_192, %get3A_193] {strides = array<i32>} : memref<8x1792xf32, #tpu.memory_space<vmem>>, vector<1x16xf32>,
        %get3A_195 = vector.shape_cast %get3A_194 : vector<1x16xf32> to vector<16xf32>
        %get3A_196 = arith.constant 7 : i32
        %get3A_197 = arith.index_cast %get3A_196 : i32 to index
        %get3A_198 = arith.index_cast %mul3A_161 : i32 to index
        %get3A_199 = tpu.vector_load %arg13[%get3A_197, %get3A_198] {strides = array<i32>} : memref<8x1792xf32, #tpu.memory_space<vmem>>, vector<1x16xf32>,
        %get3A_200 = vector.shape_cast %get3A_199 : vector<1x16xf32> to vector<16xf32>
        %max3A = arith.maximumf %get3A_165, %get3A_170 : vector<16xf32>
        %max3A_201 = arith.maximumf %max3A, %get3A_175 : vector<16xf32>
        %max3A_202 = arith.maximumf %max3A_201, %get3A_180 : vector<16xf32>
        %max3A_203 = arith.maximumf %max3A_202, %get3A_185 : vector<16xf32>
        %max3A_204 = arith.maximumf %max3A_203, %get3A_190 : vector<16xf32>
        %max3A_205 = arith.maximumf %max3A_204, %get3A_195 : vector<16xf32>
        %max3A_206 = arith.maximumf %max3A_205, %get3A_200 : vector<16xf32>
        %get3A_207 = arith.index_cast %mul3A_161 : i32 to index
        %get3A_208 = tpu.vector_load %arg15[%get3A_207] {strides = array<i32>} : memref<1792xf32, #tpu.memory_space<vmem>>, vector<16xf32>,
        %get3A_209 = vector.shape_cast %get3A_208 : vector<16xf32> to vector<16xf32>
        %max3A_210 = arith.maximumf %get3A_209, %max3A_206 : vector<16xf32>
        %get3A_211 = arith.index_cast %mul3A_161 : i32 to index
        %get3A_212 = tpu.vector_load %arg16[%get3A_211] {strides = array<i32>} : memref<1792xf32, #tpu.memory_space<vmem>>, vector<16xf32>,
        %get3A_213 = vector.shape_cast %get3A_212 : vector<16xf32> to vector<16xf32>
        %sub3A_214 = arith.subf %get3A_209, %max3A_210 : vector<16xf32>
        %exp3A = math.exp %sub3A_214 : vector<16xf32>
        %mul3A_215 = arith.mulf %get3A_213, %exp3A : vector<16xf32>
        %get3A_216 = arith.index_cast %mul3A_161 : i32 to index
        %get3A_217 = tpu.vector_load %arg14[%get3A_216] {strides = array<i32>} : memref<1792xi32, #tpu.memory_space<vmem>>, vector<16xi32>,
        %get3A_218 = vector.shape_cast %get3A_217 : vector<16xi32> to vector<16xi32>
        %get3A_219 = arith.index_cast %mul3A_161 : i32 to index
        %get3A_220 = tpu.vector_load %arg17[%get3A_219] {strides = array<i32>} : memref<1792xf32, #tpu.memory_space<vmem>>, vector<16xf32>,
        %get3A_221 = vector.shape_cast %get3A_220 : vector<16xf32> to vector<16xf32>
        %sub3A_222 = arith.subf %get3A_165, %max3A_210 : vector<16xf32>
        %exp3A_223 = math.exp %sub3A_222 : vector<16xf32>
        %add3A_224 = arith.addf %mul3A_215, %exp3A_223 : vector<16xf32>
        %add3A_225 = arith.constant 0 : i32
        %add3A_226 = arith.addi %mul3A_149, %add3A_225 : i32
        %eq3A_227 = vector.broadcast %add3A_226 : i32 to vector<16xi32>
        %eq3A_228 = arith.cmpi eq, %get3A_218, %eq3A_227 : vector<16xi32>
        %jit3A_229 = arith.constant 0.000000e+00 : f32
        %broadcast_in_dim3A = vector.broadcast %jit3A_229 : f32 to vector<16xf32>
        %select_n3A_230 = arith.select %eq3A_228, %get3A_165, %broadcast_in_dim3A : vector<16xi1>, vector<16xf32>
        %add3A_231 = arith.addf %get3A_221, %select_n3A_230 : vector<16xf32>
        %sub3A_232 = arith.subf %get3A_170, %max3A_210 : vector<16xf32>
        %exp3A_233 = math.exp %sub3A_232 : vector<16xf32>
        %add3A_234 = arith.addf %add3A_224, %exp3A_233 : vector<16xf32>
        %add3A_235 = arith.constant 1 : i32
        %add3A_236 = arith.addi %mul3A_149, %add3A_235 : i32
        %eq3A_237 = vector.broadcast %add3A_236 : i32 to vector<16xi32>
        %eq3A_238 = arith.cmpi eq, %get3A_218, %eq3A_237 : vector<16xi32>
        %jit3A_239 = arith.constant 0.000000e+00 : f32
        %broadcast_in_dim3A_240 = vector.broadcast %jit3A_239 : f32 to vector<16xf32>
        %select_n3A_241 = arith.select %eq3A_238, %get3A_170, %broadcast_in_dim3A_240 : vector<16xi1>, vector<16xf32>
        %add3A_242 = arith.addf %add3A_231, %select_n3A_241 : vector<16xf32>
        %sub3A_243 = arith.subf %get3A_175, %max3A_210 : vector<16xf32>
        %exp3A_244 = math.exp %sub3A_243 : vector<16xf32>
        %add3A_245 = arith.addf %add3A_234, %exp3A_244 : vector<16xf32>
        %add3A_246 = arith.constant 2 : i32
        %add3A_247 = arith.addi %mul3A_149, %add3A_246 : i32
        %eq3A_248 = vector.broadcast %add3A_247 : i32 to vector<16xi32>
        %eq3A_249 = arith.cmpi eq, %get3A_218, %eq3A_248 : vector<16xi32>
        %jit3A_250 = arith.constant 0.000000e+00 : f32
        %broadcast_in_dim3A_251 = vector.broadcast %jit3A_250 : f32 to vector<16xf32>
        %select_n3A_252 = arith.select %eq3A_249, %get3A_175, %broadcast_in_dim3A_251 : vector<16xi1>, vector<16xf32>
        %add3A_253 = arith.addf %add3A_242, %select_n3A_252 : vector<16xf32>
        %sub3A_254 = arith.subf %get3A_180, %max3A_210 : vector<16xf32>
        %exp3A_255 = math.exp %sub3A_254 : vector<16xf32>
        %add3A_256 = arith.addf %add3A_245, %exp3A_255 : vector<16xf32>
        %add3A_257 = arith.constant 3 : i32
        %add3A_258 = arith.addi %mul3A_149, %add3A_257 : i32
        %eq3A_259 = vector.broadcast %add3A_258 : i32 to vector<16xi32>
        %eq3A_260 = arith.cmpi eq, %get3A_218, %eq3A_259 : vector<16xi32>
        %jit3A_261 = arith.constant 0.000000e+00 : f32
        %broadcast_in_dim3A_262 = vector.broadcast %jit3A_261 : f32 to vector<16xf32>
        %select_n3A_263 = arith.select %eq3A_260, %get3A_180, %broadcast_in_dim3A_262 : vector<16xi1>, vector<16xf32>
        %add3A_264 = arith.addf %add3A_253, %select_n3A_263 : vector<16xf32>
        %sub3A_265 = arith.subf %get3A_185, %max3A_210 : vector<16xf32>
        %exp3A_266 = math.exp %sub3A_265 : vector<16xf32>
        %add3A_267 = arith.addf %add3A_256, %exp3A_266 : vector<16xf32>
        %add3A_268 = arith.constant 4 : i32
        %add3A_269 = arith.addi %mul3A_149, %add3A_268 : i32
        %eq3A_270 = vector.broadcast %add3A_269 : i32 to vector<16xi32>
        %eq3A_271 = arith.cmpi eq, %get3A_218, %eq3A_270 : vector<16xi32>
        %jit3A_272 = arith.constant 0.000000e+00 : f32
        %broadcast_in_dim3A_273 = vector.broadcast %jit3A_272 : f32 to vector<16xf32>
        %select_n3A_274 = arith.select %eq3A_271, %get3A_185, %broadcast_in_dim3A_273 : vector<16xi1>, vector<16xf32>
        %add3A_275 = arith.addf %add3A_264, %select_n3A_274 : vector<16xf32>
        %sub3A_276 = arith.subf %get3A_190, %max3A_210 : vector<16xf32>
        %exp3A_277 = math.exp %sub3A_276 : vector<16xf32>
        %add3A_278 = arith.addf %add3A_267, %exp3A_277 : vector<16xf32>
        %add3A_279 = arith.constant 5 : i32
        %add3A_280 = arith.addi %mul3A_149, %add3A_279 : i32
        %eq3A_281 = vector.broadcast %add3A_280 : i32 to vector<16xi32>
        %eq3A_282 = arith.cmpi eq, %get3A_218, %eq3A_281 : vector<16xi32>
        %jit3A_283 = arith.constant 0.000000e+00 : f32
        %broadcast_in_dim3A_284 = vector.broadcast %jit3A_283 : f32 to vector<16xf32>
        %select_n3A_285 = arith.select %eq3A_282, %get3A_190, %broadcast_in_dim3A_284 : vector<16xi1>, vector<16xf32>
        %add3A_286 = arith.addf %add3A_275, %select_n3A_285 : vector<16xf32>
        %sub3A_287 = arith.subf %get3A_195, %max3A_210 : vector<16xf32>
        %exp3A_288 = math.exp %sub3A_287 : vector<16xf32>
        %add3A_289 = arith.addf %add3A_278, %exp3A_288 : vector<16xf32>
        %add3A_290 = arith.constant 6 : i32
        %add3A_291 = arith.addi %mul3A_149, %add3A_290 : i32
        %eq3A_292 = vector.broadcast %add3A_291 : i32 to vector<16xi32>
        %eq3A_293 = arith.cmpi eq, %get3A_218, %eq3A_292 : vector<16xi32>
        %jit3A_294 = arith.constant 0.000000e+00 : f32
        %broadcast_in_dim3A_295 = vector.broadcast %jit3A_294 : f32 to vector<16xf32>
        %select_n3A_296 = arith.select %eq3A_293, %get3A_195, %broadcast_in_dim3A_295 : vector<16xi1>, vector<16xf32>
        %add3A_297 = arith.addf %add3A_286, %select_n3A_296 : vector<16xf32>
        %sub3A_298 = arith.subf %get3A_200, %max3A_210 : vector<16xf32>
        %exp3A_299 = math.exp %sub3A_298 : vector<16xf32>
        %add3A_300 = arith.addf %add3A_289, %exp3A_299 : vector<16xf32>
        %add3A_301 = arith.constant 7 : i32
        %add3A_302 = arith.addi %mul3A_149, %add3A_301 : i32
        %eq3A_303 = vector.broadcast %add3A_302 : i32 to vector<16xi32>
        %eq3A_304 = arith.cmpi eq, %get3A_218, %eq3A_303 : vector<16xi32>
        %jit3A_305 = arith.constant 0.000000e+00 : f32
        %broadcast_in_dim3A_306 = vector.broadcast %jit3A_305 : f32 to vector<16xf32>
        %select_n3A_307 = arith.select %eq3A_304, %get3A_200, %broadcast_in_dim3A_306 : vector<16xi1>, vector<16xf32>
        %add3A_308 = arith.addf %add3A_297, %select_n3A_307 : vector<16xf32>
        %swap3A = arith.index_cast %mul3A_161 : i32 to index
        %swap3A_309 = tpu.vector_load %arg15[%swap3A] {strides = array<i32>} : memref<1792xf32, #tpu.memory_space<vmem>>, vector<16xf32>,
        %swap3A_310 = vector.shape_cast %swap3A_309 : vector<16xf32> to vector<16xf32>
        %swap3A_311 = vector.shape_cast %max3A_210 : vector<16xf32> to vector<16xf32>
        tpu.vector_store %arg15[%swap3A], %swap3A_311 {strides = array<i32>} : memref<1792xf32, #tpu.memory_space<vmem>>, vector<16xf32>,
        %swap3A_312 = arith.index_cast %mul3A_161 : i32 to index
        %swap3A_313 = tpu.vector_load %arg16[%swap3A_312] {strides = array<i32>} : memref<1792xf32, #tpu.memory_space<vmem>>, vector<16xf32>,
        %swap3A_314 = vector.shape_cast %swap3A_313 : vector<16xf32> to vector<16xf32>
        %swap3A_315 = vector.shape_cast %add3A_300 : vector<16xf32> to vector<16xf32>
        tpu.vector_store %arg16[%swap3A_312], %swap3A_315 {strides = array<i32>} : memref<1792xf32, #tpu.memory_space<vmem>>, vector<16xf32>,
        %swap3A_316 = arith.index_cast %mul3A_161 : i32 to index
        %swap3A_317 = tpu.vector_load %arg17[%swap3A_316] {strides = array<i32>} : memref<1792xf32, #tpu.memory_space<vmem>>, vector<16xf32>,
        %swap3A_318 = vector.shape_cast %swap3A_317 : vector<16xf32> to vector<16xf32>
        %swap3A_319 = vector.shape_cast %add3A_308 : vector<16xf32> to vector<16xf32>
        tpu.vector_store %arg17[%swap3A_316], %swap3A_319 {strides = array<i32>} : memref<1792xf32, #tpu.memory_space<vmem>>, vector<16xf32>,
      }
      %scan3A_154 = arith.constant 112 : i32
    }
    %scan3A_103 = arith.constant 8 : i32
    %run_scoped3A_104 = arith.constant 1 : i32
    "tpu.region"() ({
      %run_scoped3A_107 = tpu.sem_alloc : memref<!tpu.dma_semaphore, #tpu.memory_space<semaphore_mem>>
      %dma_start3A_108 = tpu.memref_slice %arg6[%run_scoped3A_104, %select_n3A, %mul3A_65] : memref<2x8x7168xf32, #tpu.memory_space<hbm>> -> memref<1x1x1792xf32, #tpu.memory_space<hbm>>
      %dma_start3A_109 = tpu.memref_squeeze %dma_start3A_108 : memref<1x1x1792xf32, #tpu.memory_space<hbm>> -> memref<1792xf32, #tpu.memory_space<hbm>>
      %dma_start3A_110 = tpu.memref_slice %arg6[%run_scoped3A_104, %select_n3A, %mul3A_65] : memref<2x8x7168xf32, #tpu.memory_space<hbm>> -> memref<1x1x1792xf32, #tpu.memory_space<hbm>>
      %dma_start3A_111 = tpu.memref_squeeze %dma_start3A_110 : memref<1x1x1792xf32, #tpu.memory_space<hbm>> -> memref<1792xf32, #tpu.memory_space<hbm>>
      tpu.enqueue_dma source(%arg15 : memref<1792xf32, #tpu.memory_space<vmem>>) target(%dma_start3A_111 : memref<1792xf32, #tpu.memory_space<hbm>>) target_semaphore(%run_scoped3A_107 : memref<!tpu.dma_semaphore, #tpu.memory_space<semaphore_mem>>)
      %dma_wait3A = tpu.memref_slice %arg6[%run_scoped3A_104, %select_n3A, %mul3A_65] : memref<2x8x7168xf32, #tpu.memory_space<hbm>> -> memref<1x1x1792xf32, #tpu.memory_space<hbm>>
      %dma_wait3A_112 = tpu.memref_squeeze %dma_wait3A : memref<1x1x1792xf32, #tpu.memory_space<hbm>> -> memref<1792xf32, #tpu.memory_space<hbm>>
      %dma_wait3A_113 = tpu.memref_slice %arg6[%run_scoped3A_104, %select_n3A, %mul3A_65] : memref<2x8x7168xf32, #tpu.memory_space<hbm>> -> memref<1x1x1792xf32, #tpu.memory_space<hbm>>
      %dma_wait3A_114 = tpu.memref_squeeze %dma_wait3A_113 : memref<1x1x1792xf32, #tpu.memory_space<hbm>> -> memref<1792xf32, #tpu.memory_space<hbm>>
      tpu.wait_dma2 semaphore(%run_scoped3A_107 : memref<!tpu.dma_semaphore, #tpu.memory_space<semaphore_mem>>) src(%arg15 : memref<1792xf32, #tpu.memory_space<vmem>>) dst(%dma_wait3A_114 : memref<1792xf32, #tpu.memory_space<hbm>>)
      tpu.yield
    }) : () -> ()
    %run_scoped3A_105 = arith.constant 1 : i32
    "tpu.region"() ({
      %run_scoped3A_107 = tpu.sem_alloc : memref<!tpu.dma_semaphore, #tpu.memory_space<semaphore_mem>>
      %dma_start3A_108 = tpu.memref_slice %arg7[%run_scoped3A_105, %select_n3A, %mul3A_65] : memref<2x8x7168xf32, #tpu.memory_space<hbm>> -> memref<1x1x1792xf32, #tpu.memory_space<hbm>>
      %dma_start3A_109 = tpu.memref_squeeze %dma_start3A_108 : memref<1x1x1792xf32, #tpu.memory_space<hbm>> -> memref<1792xf32, #tpu.memory_space<hbm>>
      %dma_start3A_110 = tpu.memref_slice %arg7[%run_scoped3A_105, %select_n3A, %mul3A_65] : memref<2x8x7168xf32, #tpu.memory_space<hbm>> -> memref<1x1x1792xf32, #tpu.memory_space<hbm>>
      %dma_start3A_111 = tpu.memref_squeeze %dma_start3A_110 : memref<1x1x1792xf32, #tpu.memory_space<hbm>> -> memref<1792xf32, #tpu.memory_space<hbm>>
      tpu.enqueue_dma source(%arg16 : memref<1792xf32, #tpu.memory_space<vmem>>) target(%dma_start3A_111 : memref<1792xf32, #tpu.memory_space<hbm>>) target_semaphore(%run_scoped3A_107 : memref<!tpu.dma_semaphore, #tpu.memory_space<semaphore_mem>>)
      %dma_wait3A = tpu.memref_slice %arg7[%run_scoped3A_105, %select_n3A, %mul3A_65] : memref<2x8x7168xf32, #tpu.memory_space<hbm>> -> memref<1x1x1792xf32, #tpu.memory_space<hbm>>
      %dma_wait3A_112 = tpu.memref_squeeze %dma_wait3A : memref<1x1x1792xf32, #tpu.memory_space<hbm>> -> memref<1792xf32, #tpu.memory_space<hbm>>
      %dma_wait3A_113 = tpu.memref_slice %arg7[%run_scoped3A_105, %select_n3A, %mul3A_65] : memref<2x8x7168xf32, #tpu.memory_space<hbm>> -> memref<1x1x1792xf32, #tpu.memory_space<hbm>>
      %dma_wait3A_114 = tpu.memref_squeeze %dma_wait3A_113 : memref<1x1x1792xf32, #tpu.memory_space<hbm>> -> memref<1792xf32, #tpu.memory_space<hbm>>
      tpu.wait_dma2 semaphore(%run_scoped3A_107 : memref<!tpu.dma_semaphore, #tpu.memory_space<semaphore_mem>>) src(%arg16 : memref<1792xf32, #tpu.memory_space<vmem>>) dst(%dma_wait3A_114 : memref<1792xf32, #tpu.memory_space<hbm>>)
      tpu.yield
    }) : () -> ()
    %run_scoped3A_106 = arith.constant 1 : i32
    "tpu.region"() ({
      %run_scoped3A_107 = tpu.sem_alloc : memref<!tpu.dma_semaphore, #tpu.memory_space<semaphore_mem>>
      %dma_start3A_108 = tpu.memref_slice %arg8[%run_scoped3A_106, %select_n3A, %mul3A_65] : memref<2x8x7168xf32, #tpu.memory_space<hbm>> -> memref<1x1x1792xf32, #tpu.memory_space<hbm>>
      %dma_start3A_109 = tpu.memref_squeeze %dma_start3A_108 : memref<1x1x1792xf32, #tpu.memory_space<hbm>> -> memref<1792xf32, #tpu.memory_space<hbm>>
      %dma_start3A_110 = tpu.memref_slice %arg8[%run_scoped3A_106, %select_n3A, %mul3A_65] : memref<2x8x7168xf32, #tpu.memory_space<hbm>> -> memref<1x1x1792xf32, #tpu.memory_space<hbm>>
      %dma_start3A_111 = tpu.memref_squeeze %dma_start3A_110 : memref<1x1x1792xf32, #tpu.memory_space<hbm>> -> memref<1792xf32, #tpu.memory_space<hbm>>
      tpu.enqueue_dma source(%arg17 : memref<1792xf32, #tpu.memory_space<vmem>>) target(%dma_start3A_111 : memref<1792xf32, #tpu.memory_space<hbm>>) target_semaphore(%run_scoped3A_107 : memref<!tpu.dma_semaphore, #tpu.memory_space<semaphore_mem>>)
      %dma_wait3A = tpu.memref_slice %arg8[%run_scoped3A_106, %select_n3A, %mul3A_65] : memref<2x8x7168xf32, #tpu.memory_space<hbm>> -> memref<1x1x1792xf32, #tpu.memory_space<hbm>>
      %dma_wait3A_112 = tpu.memref_squeeze %dma_wait3A : memref<1x1x1792xf32, #tpu.memory_space<hbm>> -> memref<1792xf32, #tpu.memory_space<hbm>>
      %dma_wait3A_113 = tpu.memref_slice %arg8[%run_scoped3A_106, %select_n3A, %mul3A_65] : memref<2x8x7168xf32, #tpu.memory_space<hbm>> -> memref<1x1x1792xf32, #tpu.memory_space<hbm>>
      %dma_wait3A_114 = tpu.memref_squeeze %dma_wait3A_113 : memref<1x1x1792xf32, #tpu.memory_space<hbm>> -> memref<1792xf32, #tpu.memory_space<hbm>>
      tpu.wait_dma2 semaphore(%run_scoped3A_107 : memref<!tpu.dma_semaphore, #tpu.memory_space<semaphore_mem>>) src(%arg17 : memref<1792xf32, #tpu.memory_space<vmem>>) dst(%dma_wait3A_114 : memref<1792xf32, #tpu.memory_space<hbm>>)
      tpu.yield
    }) : () -> ()
    return
  }
}

module attributes {stable_mosaic.version = 14 : i64} {
  func.func @_seg_ce_kernel(%arg0: i32, %arg1: i32, %arg2: memref<1x16x8x11264xf32, #tpu.memory_space<vmem>>, %arg3: memref<1x8x11264xi32, #tpu.memory_space<vmem>>, %arg4: memref<1x1xf32, #tpu.memory_space<smem>>, %arg5: memref<8x11264xf32, #tpu.memory_space<vmem>>, %arg6: memref<8x11264xf32, #tpu.memory_space<vmem>>, %arg7: memref<8x11264xf32, #tpu.memory_space<vmem>>) attributes {dimension_semantics = [#tpu.dimension_semantics<arbitrary>, #tpu.dimension_semantics<arbitrary>], iteration_bounds = array<i64: 2, 8>, scalar_prefetch = 0 : i64, scratch_operands = 3 : i64, tpu.core_type = #tpu.core_type<tc>, window_params = [{transform_indices = @transform_0, window_bounds = array<i64: 1, 16, 8, 11264>}, {transform_indices = @transform_1, window_bounds = array<i64: 1, 8, 11264>}, {transform_indices = @transform_2, window_bounds = array<i64: 1, 1>}]} {
    %get3A = arith.constant 0 : index
    %get3A_0 = arith.constant 0 : index
    %get3A_1 = arith.constant 0 : index
    %get3A_2 = arith.constant 0 : index
    %get3A_3 = vector.load %arg2[%get3A, %get3A_0, %get3A_1, %get3A_2] : memref<1x16x8x11264xf32, #tpu.memory_space<vmem>>, vector<1x16x8x11264xf32>
    %get3A_4 = vector.shape_cast %get3A_3 : vector<1x16x8x11264xf32> to vector<16x8x11264xf32>
    %get3A_5 = arith.constant 0 : index
    %get3A_6 = arith.constant 0 : index
    %get3A_7 = arith.constant 0 : index
    %get3A_8 = vector.load %arg3[%get3A_5, %get3A_6, %get3A_7] : memref<1x8x11264xi32, #tpu.memory_space<vmem>>, vector<1x8x11264xi32>
    %get3A_9 = vector.shape_cast %get3A_8 : vector<1x8x11264xi32> to vector<8x11264xi32>
    %eq3A = arith.constant 0 : i32
    %eq3A_10 = arith.cmpi eq, %arg1, %eq3A : i32
    %convert_element_type3A = arith.extui %eq3A_10 : i1 to i32
    %cond3A = arith.constant 0 : i32
    %cond3A_11 = arith.cmpi ne, %convert_element_type3A, %cond3A : i32
    scf.if %cond3A_11 {
      %broadcast_in_dim3A_57 = arith.constant 0xFF800000 : f32
      %broadcast_in_dim3A_58 = vector.broadcast %broadcast_in_dim3A_57 : f32 to vector<8x11264xf32>
      %swap3A_59 = arith.constant 0 : index
      %swap3A_60 = arith.constant 0 : index
      %swap3A_61 = vector.load %arg5[%swap3A_59, %swap3A_60] : memref<8x11264xf32, #tpu.memory_space<vmem>>, vector<8x11264xf32>
      tpu.vector_store %arg5[%swap3A_59, %swap3A_60], %broadcast_in_dim3A_58 {strides = array<i32>} : memref<8x11264xf32, #tpu.memory_space<vmem>>, vector<8x11264xf32>,
      %broadcast_in_dim3A_62 = arith.constant 0.000000e+00 : f32
      %broadcast_in_dim3A_63 = vector.broadcast %broadcast_in_dim3A_62 : f32 to vector<8x11264xf32>
      %swap3A_64 = arith.constant 0 : index
      %swap3A_65 = arith.constant 0 : index
      %swap3A_66 = vector.load %arg6[%swap3A_64, %swap3A_65] : memref<8x11264xf32, #tpu.memory_space<vmem>>, vector<8x11264xf32>
      tpu.vector_store %arg6[%swap3A_64, %swap3A_65], %broadcast_in_dim3A_63 {strides = array<i32>} : memref<8x11264xf32, #tpu.memory_space<vmem>>, vector<8x11264xf32>,
      %broadcast_in_dim3A_67 = arith.constant 0.000000e+00 : f32
      %broadcast_in_dim3A_68 = vector.broadcast %broadcast_in_dim3A_67 : f32 to vector<8x11264xf32>
      %swap3A_69 = arith.constant 0 : index
      %swap3A_70 = arith.constant 0 : index
      %swap3A_71 = vector.load %arg7[%swap3A_69, %swap3A_70] : memref<8x11264xf32, #tpu.memory_space<vmem>>, vector<8x11264xf32>
      tpu.vector_store %arg7[%swap3A_69, %swap3A_70], %broadcast_in_dim3A_68 {strides = array<i32>} : memref<8x11264xf32, #tpu.memory_space<vmem>>, vector<8x11264xf32>,
    } else {
    }
    %mul3A = arith.constant 16 : i32
    %mul3A_12 = arith.muli %arg1, %mul3A : i32
    %iota3A = tpu.iota {dimensions = array<i32: 0>} : vector<16x8x11264xi32>
    %add3A = vector.broadcast %mul3A_12 : i32 to vector<16x8x11264xi32>
    %add3A_13 = arith.addi %add3A, %iota3A : vector<16x8x11264xi32>
    %get3A_14 = arith.constant 0 : index
    %get3A_15 = arith.constant 0 : index
    %get3A_16 = vector.load %arg5[%get3A_14, %get3A_15] : memref<8x11264xf32, #tpu.memory_space<vmem>>, vector<8x11264xf32>
    %reduce_max3A = arith.constant dense<0xFF800000> : vector<8x11264xf32>
    %reduce_max3A_17 = vector.multi_reduction <maximumf>, %get3A_4, %reduce_max3A [0] : vector<16x8x11264xf32> to vector<8x11264xf32>
    %max3A = arith.maximumf %get3A_16, %reduce_max3A_17 : vector<8x11264xf32>
    %get3A_18 = arith.constant 0 : index
    %get3A_19 = arith.constant 0 : index
    %get3A_20 = vector.load %arg6[%get3A_18, %get3A_19] : memref<8x11264xf32, #tpu.memory_space<vmem>>, vector<8x11264xf32>
    %sub3A = arith.subf %get3A_16, %max3A : vector<8x11264xf32>
    %exp3A = math.exp %sub3A : vector<8x11264xf32>
    %mul3A_21 = arith.mulf %get3A_20, %exp3A : vector<8x11264xf32>
    %broadcast_in_dim3A = vector.shape_cast %max3A : vector<8x11264xf32> to vector<1x8x11264xf32>
    %sub3A_22 = vector.broadcast %broadcast_in_dim3A : vector<1x8x11264xf32> to vector<16x8x11264xf32>
    %sub3A_23 = arith.subf %get3A_4, %sub3A_22 : vector<16x8x11264xf32>
    %exp3A_24 = math.exp %sub3A_23 : vector<16x8x11264xf32>
    %reduce_sum3A = arith.constant dense<0.000000e+00> : vector<8x11264xf32>
    %reduce_sum3A_25 = vector.multi_reduction <add>, %exp3A_24, %reduce_sum3A [0] : vector<16x8x11264xf32> to vector<8x11264xf32>
    %add3A_26 = arith.addf %mul3A_21, %reduce_sum3A_25 : vector<8x11264xf32>
    %swap3A = arith.constant 0 : index
    %swap3A_27 = arith.constant 0 : index
    %swap3A_28 = vector.load %arg6[%swap3A, %swap3A_27] : memref<8x11264xf32, #tpu.memory_space<vmem>>, vector<8x11264xf32>
    tpu.vector_store %arg6[%swap3A, %swap3A_27], %add3A_26 {strides = array<i32>} : memref<8x11264xf32, #tpu.memory_space<vmem>>, vector<8x11264xf32>,
    %swap3A_29 = arith.constant 0 : index
    %swap3A_30 = arith.constant 0 : index
    %swap3A_31 = vector.load %arg5[%swap3A_29, %swap3A_30] : memref<8x11264xf32, #tpu.memory_space<vmem>>, vector<8x11264xf32>
    tpu.vector_store %arg5[%swap3A_29, %swap3A_30], %max3A {strides = array<i32>} : memref<8x11264xf32, #tpu.memory_space<vmem>>, vector<8x11264xf32>,
    %get3A_32 = arith.constant 0 : index
    %get3A_33 = arith.constant 0 : index
    %get3A_34 = vector.load %arg7[%get3A_32, %get3A_33] : memref<8x11264xf32, #tpu.memory_space<vmem>>, vector<8x11264xf32>
    %broadcast_in_dim3A_35 = vector.shape_cast %get3A_9 : vector<8x11264xi32> to vector<1x8x11264xi32>
    %eq3A_36 = vector.broadcast %broadcast_in_dim3A_35 : vector<1x8x11264xi32> to vector<16x8x11264xi32>
    %eq3A_37 = arith.cmpi eq, %add3A_13, %eq3A_36 : vector<16x8x11264xi32>
    %jit3A = arith.constant 0.000000e+00 : f32
    %broadcast_in_dim3A_38 = vector.broadcast %jit3A : f32 to vector<16x8x11264xf32>
    %select_n3A = arith.select %eq3A_37, %get3A_4, %broadcast_in_dim3A_38 : vector<16x8x11264xi1>, vector<16x8x11264xf32>
    %reduce_sum3A_39 = arith.constant dense<0.000000e+00> : vector<8x11264xf32>
    %reduce_sum3A_40 = vector.multi_reduction <add>, %select_n3A, %reduce_sum3A_39 [0] : vector<16x8x11264xf32> to vector<8x11264xf32>
    %add3A_41 = arith.addf %get3A_34, %reduce_sum3A_40 : vector<8x11264xf32>
    %swap3A_42 = arith.constant 0 : index
    %swap3A_43 = arith.constant 0 : index
    %swap3A_44 = vector.load %arg7[%swap3A_42, %swap3A_43] : memref<8x11264xf32, #tpu.memory_space<vmem>>, vector<8x11264xf32>
    tpu.vector_store %arg7[%swap3A_42, %swap3A_43], %add3A_41 {strides = array<i32>} : memref<8x11264xf32, #tpu.memory_space<vmem>>, vector<8x11264xf32>,
    %eq3A_45 = arith.constant 0 : i32
    %eq3A_46 = arith.cmpi eq, %arg0, %eq3A_45 : i32
    %eq3A_47 = arith.constant 0 : i32
    %eq3A_48 = arith.cmpi eq, %arg1, %eq3A_47 : i32
    %and3A = arith.andi %eq3A_46, %eq3A_48 : i1
    %convert_element_type3A_49 = arith.extui %and3A : i1 to i32
    %cond3A_50 = arith.constant 0 : i32
    %cond3A_51 = arith.cmpi ne, %convert_element_type3A_49, %cond3A_50 : i32
    scf.if %cond3A_51 {
      %swap3A_57 = arith.constant 0.000000e+00 : f32
      %swap3A_58 = arith.constant 0 : index
      %swap3A_59 = arith.constant 0 : index
      %swap3A_60 = memref.load %arg4[%swap3A_58, %swap3A_59] : memref<1x1xf32, #tpu.memory_space<smem>>
      memref.store %swap3A_57, %arg4[%swap3A_58, %swap3A_59] : memref<1x1xf32, #tpu.memory_space<smem>>
    } else {
    }
    %eq3A_52 = arith.constant 7 : i32
    %eq3A_53 = arith.cmpi eq, %arg1, %eq3A_52 : i32
    %convert_element_type3A_54 = arith.extui %eq3A_53 : i1 to i32
    %cond3A_55 = arith.constant 0 : i32
    %cond3A_56 = arith.cmpi ne, %convert_element_type3A_54, %cond3A_55 : i32
    scf.if %cond3A_56 {
      %get3A_57 = arith.constant 0 : index
      %get3A_58 = arith.constant 0 : index
      %get3A_59 = memref.load %arg4[%get3A_57, %get3A_58] : memref<1x1xf32, #tpu.memory_space<smem>>
      %get3A_60 = arith.constant 0 : index
      %get3A_61 = arith.constant 0 : index
      %get3A_62 = vector.load %arg5[%get3A_60, %get3A_61] : memref<8x11264xf32, #tpu.memory_space<vmem>>, vector<8x11264xf32>
      %get3A_63 = arith.constant 0 : index
      %get3A_64 = arith.constant 0 : index
      %get3A_65 = vector.load %arg6[%get3A_63, %get3A_64] : memref<8x11264xf32, #tpu.memory_space<vmem>>, vector<8x11264xf32>
      %log3A = math.log %get3A_65 : vector<8x11264xf32>
      %add3A_66 = arith.addf %get3A_62, %log3A : vector<8x11264xf32>
      %get3A_67 = arith.constant 0 : index
      %get3A_68 = arith.constant 0 : index
      %get3A_69 = vector.load %arg7[%get3A_67, %get3A_68] : memref<8x11264xf32, #tpu.memory_space<vmem>>, vector<8x11264xf32>
      %sub3A_70 = arith.subf %add3A_66, %get3A_69 : vector<8x11264xf32>
      %reduce_sum3A_71 = vector.shape_cast %sub3A_70 : vector<8x11264xf32> to vector<1x8x11264xf32>
      %reduce_sum3A_72 = arith.constant dense<0.000000e+00> : vector<1xf32>
      %reduce_sum3A_73 = vector.multi_reduction <add>, %reduce_sum3A_71, %reduce_sum3A_72 [1, 2] : vector<1x8x11264xf32> to vector<1xf32>
      %reduce_sum3A_74 = vector.shape_cast %reduce_sum3A_73 : vector<1xf32> to vector<1x1x1xf32>
      %reduce_sum3A_75 = vector.extract %reduce_sum3A_74[0, 0, 0] : f32 from vector<1x1x1xf32>
      %add3A_76 = arith.addf %get3A_59, %reduce_sum3A_75 : f32
      %swap3A_77 = arith.constant 0 : index
      %swap3A_78 = arith.constant 0 : index
      %swap3A_79 = memref.load %arg4[%swap3A_77, %swap3A_78] : memref<1x1xf32, #tpu.memory_space<smem>>
      memref.store %add3A_76, %arg4[%swap3A_77, %swap3A_78] : memref<1x1xf32, #tpu.memory_space<smem>>
    } else {
    }
    return
  }
  func.func @transform_0(%arg0: i32, %arg1: i32) -> (i32, i32, i32, i32) {
    %c0_i32 = arith.constant 0 : i32
    %c0_i32_0 = arith.constant 0 : i32
    %c0_i32_1 = arith.constant 0 : i32
    return %arg0, %arg1, %c0_i32, %c0_i32_0 : i32, i32, i32, i32
  }
  func.func @transform_1(%arg0: i32, %arg1: i32) -> (i32, i32, i32) {
    %c0_i32 = arith.constant 0 : i32
    %c0_i32_0 = arith.constant 0 : i32
    %c0_i32_1 = arith.constant 0 : i32
    return %arg0, %c0_i32, %c0_i32_0 : i32, i32, i32
  }
  func.func @transform_2(%arg0: i32, %arg1: i32) -> (i32, i32) {
    %c0_i32 = arith.constant 0 : i32
    %c0_i32_0 = arith.constant 0 : i32
    %c0_i32_1 = arith.constant 0 : i32
    return %c0_i32, %c0_i32_0 : i32, i32
  }
}

module attributes {stable_mosaic.version = 14 : i64} {
  func.func @_blend_kernel(%arg0: memref<1024x256xf32, #tpu.memory_space<vmem>>, %arg1: memref<1024x256xf32, #tpu.memory_space<vmem>>, %arg2: memref<1024x256xf32, #tpu.memory_space<vmem>>) attributes {dimension_semantics = [], scalar_prefetch = 0 : i64, scratch_operands = 0 : i64, tpu.core_type = #tpu.core_type<tc>} {
    %get3A = arith.constant 0 : index
    %get3A_0 = arith.constant 0 : index
    %get3A_1 = vector.load %arg0[%get3A, %get3A_0] : memref<1024x256xf32, #tpu.memory_space<vmem>>, vector<1024x256xf32>
    %mul3A = arith.constant 1.562500e-02 : f32
    %mul3A_2 = vector.broadcast %mul3A : f32 to vector<1024x256xf32>
    %mul3A_3 = arith.mulf %get3A_1, %mul3A_2 : vector<1024x256xf32>
    %mul3A_4 = arith.mulf %mul3A_3, %mul3A_3 : vector<1024x256xf32>
    %reduce_sum3A = arith.constant dense<0.000000e+00> : vector<1024xf32>
    %reduce_sum3A_5 = vector.multi_reduction <add>, %mul3A_4, %reduce_sum3A [1] : vector<1024x256xf32> to vector<1024xf32>
    %broadcast_in_dim3A = vector.shape_cast %reduce_sum3A_5 : vector<1024xf32> to vector<1024x1xf32>
    %sqrt3A = math.sqrt %broadcast_in_dim3A : vector<1024x1xf32>
    %max3A = arith.constant 9.99999996E-13 : f32
    %max3A_6 = vector.broadcast %max3A : f32 to vector<1024x1xf32>
    %max3A_7 = arith.maximumf %sqrt3A, %max3A_6 : vector<1024x1xf32>
    %div3A = vector.broadcast %max3A_7 : vector<1024x1xf32> to vector<1024x256xf32>
    %div3A_8 = arith.divf %mul3A_3, %div3A : vector<1024x256xf32>
    %mul3A_9 = arith.constant 1.000000e-03 : f32
    %mul3A_10 = vector.broadcast %mul3A_9 : f32 to vector<1024x256xf32>
    %mul3A_11 = arith.mulf %div3A_8, %mul3A_10 : vector<1024x256xf32>
    %get3A_12 = arith.constant 0 : index
    %get3A_13 = arith.constant 0 : index
    %get3A_14 = vector.load %arg1[%get3A_12, %get3A_13] : memref<1024x256xf32, #tpu.memory_space<vmem>>, vector<1024x256xf32>
    %mul3A_15 = arith.constant 9.990000e-01 : f32
    %mul3A_16 = vector.broadcast %mul3A_15 : f32 to vector<1024x256xf32>
    %mul3A_17 = arith.mulf %get3A_14, %mul3A_16 : vector<1024x256xf32>
    %add3A = arith.addf %mul3A_11, %mul3A_17 : vector<1024x256xf32>
    %mul3A_18 = arith.mulf %add3A, %add3A : vector<1024x256xf32>
    %reduce_sum3A_19 = arith.constant dense<0.000000e+00> : vector<1024xf32>
    %reduce_sum3A_20 = vector.multi_reduction <add>, %mul3A_18, %reduce_sum3A_19 [1] : vector<1024x256xf32> to vector<1024xf32>
    %broadcast_in_dim3A_21 = vector.shape_cast %reduce_sum3A_20 : vector<1024xf32> to vector<1024x1xf32>
    %sqrt3A_22 = math.sqrt %broadcast_in_dim3A_21 : vector<1024x1xf32>
    %max3A_23 = arith.constant 9.99999996E-13 : f32
    %max3A_24 = vector.broadcast %max3A_23 : f32 to vector<1024x1xf32>
    %max3A_25 = arith.maximumf %sqrt3A_22, %max3A_24 : vector<1024x1xf32>
    %div3A_26 = vector.broadcast %max3A_25 : vector<1024x1xf32> to vector<1024x256xf32>
    %div3A_27 = arith.divf %add3A, %div3A_26 : vector<1024x256xf32>
    %swap3A = arith.constant 0 : index
    %swap3A_28 = arith.constant 0 : index
    %swap3A_29 = vector.load %arg2[%swap3A, %swap3A_28] : memref<1024x256xf32, #tpu.memory_space<vmem>>, vector<1024x256xf32>
    tpu.vector_store %arg2[%swap3A, %swap3A_28], %div3A_27 {strides = array<i32>} : memref<1024x256xf32, #tpu.memory_space<vmem>>, vector<1024x256xf32>,
    return
  }
}

module attributes {stable_mosaic.version = 14 : i64} {
  func.func @_contrast_kernel(%arg0: i32, %arg1: memref<512x256xf32, #tpu.memory_space<vmem>>, %arg2: memref<1024x256xf32, #tpu.memory_space<vmem>>, %arg3: memref<1x1x512xi32, #tpu.memory_space<vmem>>, %arg4: memref<1x1xf32, #tpu.memory_space<smem>>) attributes {dimension_semantics = [#tpu.dimension_semantics<arbitrary>], iteration_bounds = array<i64: 9>, scalar_prefetch = 0 : i64, scratch_operands = 0 : i64, tpu.core_type = #tpu.core_type<tc>, window_params = [{transform_indices = @transform_0, window_bounds = array<i64: 512, 256>}, {pipeline_mode = #tpu.pipeline_mode<synchronous>, transform_indices = @transform_1, window_bounds = array<i64: 1024, 256>}, {transform_indices = @transform_2, window_bounds = array<i64: 1, 1, 512>}, {transform_indices = @transform_3, window_bounds = array<i64: 1, 1>}]} {
    %get3A = arith.constant 0 : index
    %get3A_0 = arith.constant 0 : index
    %get3A_1 = vector.load %arg1[%get3A, %get3A_0] : memref<512x256xf32, #tpu.memory_space<vmem>>, vector<512x256xf32>
    %get3A_2 = arith.constant 0 : index
    %get3A_3 = arith.constant 0 : index
    %get3A_4 = vector.load %arg2[%get3A_2, %get3A_3] : memref<1024x256xf32, #tpu.memory_space<vmem>>, vector<1024x256xf32>
    %dot_general3A = arith.constant dense<0.000000e+00> : vector<512x1024xf32>
    %dot_general3A_5 = tpu.matmul %get3A_1, %get3A_4, %dot_general3A {dimension_numbers = #tpu.dot_dimension_numbers<[1], [1], [0], [0], [0, 0, 1, 0], [], []>, transpose_lhs_hint = false} : vector<512x256xf32>, vector<1024x256xf32>, vector<512x1024xf32> -> vector<512x1024xf32>
    %get3A_6 = arith.constant 0 : index
    %get3A_7 = arith.constant 0 : index
    %get3A_8 = arith.constant 0 : index
    %get3A_9 = vector.load %arg3[%get3A_6, %get3A_7, %get3A_8] : memref<1x1x512xi32, #tpu.memory_space<vmem>>, vector<1x1x512xi32>
    %get3A_10 = vector.shape_cast %get3A_9 : vector<1x1x512xi32> to vector<512xi32>
    %reduce_max3A = arith.constant dense<0xFF800000> : vector<512xf32>
    %reduce_max3A_11 = vector.multi_reduction <maximumf>, %dot_general3A_5, %reduce_max3A [1] : vector<512x1024xf32> to vector<512xf32>
    %broadcast_in_dim3A = vector.shape_cast %reduce_max3A_11 : vector<512xf32> to vector<512x1xf32>
    %sub3A = vector.broadcast %broadcast_in_dim3A : vector<512x1xf32> to vector<512x1024xf32>
    %sub3A_12 = arith.subf %dot_general3A_5, %sub3A : vector<512x1024xf32>
    %exp3A = math.exp %sub3A_12 : vector<512x1024xf32>
    %reduce_sum3A = arith.constant dense<0.000000e+00> : vector<512xf32>
    %reduce_sum3A_13 = vector.multi_reduction <add>, %exp3A, %reduce_sum3A [1] : vector<512x1024xf32> to vector<512xf32>
    %log3A = math.log %reduce_sum3A_13 : vector<512xf32>
    %add3A = arith.addf %reduce_max3A_11, %log3A : vector<512xf32>
    %iota3A = tpu.iota {dimensions = array<i32: 1>} : vector<512x1024xi32>
    %mul3A = arith.constant 8 : i32
    %mul3A_14 = vector.broadcast %mul3A : i32 to vector<512xi32>
    %mul3A_15 = arith.muli %get3A_10, %mul3A_14 : vector<512xi32>
    %broadcast_in_dim3A_16 = vector.shape_cast %mul3A_15 : vector<512xi32> to vector<512x1xi32>
    %ge3A = vector.broadcast %broadcast_in_dim3A_16 : vector<512x1xi32> to vector<512x1024xi32>
    %ge3A_17 = arith.cmpi sge, %iota3A, %ge3A : vector<512x1024xi32>
    %add3A_18 = arith.constant 8 : i32
    %add3A_19 = vector.broadcast %add3A_18 : i32 to vector<512x1xi32>
    %add3A_20 = arith.addi %broadcast_in_dim3A_16, %add3A_19 : vector<512x1xi32>
    %lt3A = vector.broadcast %add3A_20 : vector<512x1xi32> to vector<512x1024xi32>
    %lt3A_21 = arith.cmpi slt, %iota3A, %lt3A : vector<512x1024xi32>
    %and3A = arith.andi %ge3A_17, %lt3A_21 : vector<512x1024xi1>
    %jit3A = arith.constant 0xFF800000 : f32
    %broadcast_in_dim3A_22 = vector.broadcast %jit3A : f32 to vector<512x1024xf32>
    %select_n3A = arith.select %and3A, %dot_general3A_5, %broadcast_in_dim3A_22 : vector<512x1024xi1>, vector<512x1024xf32>
    %reduce_max3A_23 = arith.constant dense<0xFF800000> : vector<512xf32>
    %reduce_max3A_24 = vector.multi_reduction <maximumf>, %select_n3A, %reduce_max3A_23 [1] : vector<512x1024xf32> to vector<512xf32>
    %sub3A_25 = arith.subf %add3A, %reduce_max3A_24 : vector<512xf32>
    %reduce_sum3A_26 = vector.shape_cast %sub3A_25 : vector<512xf32> to vector<1x512xf32>
    %reduce_sum3A_27 = arith.constant dense<0.000000e+00> : vector<1xf32>
    %reduce_sum3A_28 = vector.multi_reduction <add>, %reduce_sum3A_26, %reduce_sum3A_27 [1] : vector<1x512xf32> to vector<1xf32>
    %reduce_sum3A_29 = vector.shape_cast %reduce_sum3A_28 : vector<1xf32> to vector<1x1xf32>
    %reduce_sum3A_30 = vector.extract %reduce_sum3A_29[0, 0] : f32 from vector<1x1xf32>
    %eq3A = arith.constant 0 : i32
    %eq3A_31 = arith.cmpi eq, %arg0, %eq3A : i32
    %convert_element_type3A = arith.extui %eq3A_31 : i1 to i32
    %cond3A = arith.constant 0 : i32
    %cond3A_32 = arith.cmpi ne, %convert_element_type3A, %cond3A : i32
    scf.if %cond3A_32 {
      %swap3A_39 = arith.constant 0.000000e+00 : f32
      %swap3A_40 = arith.constant 0 : index
      %swap3A_41 = arith.constant 0 : index
      %swap3A_42 = memref.load %arg4[%swap3A_40, %swap3A_41] : memref<1x1xf32, #tpu.memory_space<smem>>
      memref.store %swap3A_39, %arg4[%swap3A_40, %swap3A_41] : memref<1x1xf32, #tpu.memory_space<smem>>
    } else {
    }
    %get3A_33 = arith.constant 0 : index
    %get3A_34 = arith.constant 0 : index
    %get3A_35 = memref.load %arg4[%get3A_33, %get3A_34] : memref<1x1xf32, #tpu.memory_space<smem>>
    %add3A_36 = arith.addf %get3A_35, %reduce_sum3A_30 : f32
    %swap3A = arith.constant 0 : index
    %swap3A_37 = arith.constant 0 : index
    %swap3A_38 = memref.load %arg4[%swap3A, %swap3A_37] : memref<1x1xf32, #tpu.memory_space<smem>>
    memref.store %add3A_36, %arg4[%swap3A, %swap3A_37] : memref<1x1xf32, #tpu.memory_space<smem>>
    return
  }
  func.func @transform_0(%arg0: i32) -> (i32, i32) {
    %c0_i32 = arith.constant 0 : i32
    %c0_i32_0 = arith.constant 0 : i32
    return %arg0, %c0_i32 : i32, i32
  }
  func.func @transform_1(%arg0: i32) -> (i32, i32) {
    %c0_i32 = arith.constant 0 : i32
    %c0_i32_0 = arith.constant 0 : i32
    %c0_i32_1 = arith.constant 0 : i32
    return %c0_i32, %c0_i32_0 : i32, i32
  }
  func.func @transform_2(%arg0: i32) -> (i32, i32, i32) {
    %c0_i32 = arith.constant 0 : i32
    %c0_i32_0 = arith.constant 0 : i32
    %c0_i32_1 = arith.constant 0 : i32
    return %arg0, %c0_i32, %c0_i32_0 : i32, i32, i32
  }
  func.func @transform_3(%arg0: i32) -> (i32, i32) {
    %c0_i32 = arith.constant 0 : i32
    %c0_i32_0 = arith.constant 0 : i32
    %c0_i32_1 = arith.constant 0 : i32
    return %c0_i32, %c0_i32_0 : i32, i32
  }
}

module attributes {stable_mosaic.version = 14 : i64} {
  func.func @_finisher_kernel(%arg0: memref<2x8x7168xf32, #tpu.memory_space<vmem>>, %arg1: memref<2x8x7168xf32, #tpu.memory_space<vmem>>, %arg2: memref<2x8x7168xf32, #tpu.memory_space<vmem>>, %arg3: memref<1x1xf32, #tpu.memory_space<smem>>) attributes {dimension_semantics = [], scalar_prefetch = 0 : i64, scratch_operands = 0 : i64, tpu.core_type = #tpu.core_type<tc>} {
    %get3A = arith.constant 0 : index
    %get3A_0 = arith.constant 0 : index
    %get3A_1 = arith.constant 0 : index
    %get3A_2 = vector.load %arg0[%get3A, %get3A_0, %get3A_1] : memref<2x8x7168xf32, #tpu.memory_space<vmem>>, vector<2x8x7168xf32>
    %get3A_3 = arith.constant 0 : index
    %get3A_4 = arith.constant 0 : index
    %get3A_5 = arith.constant 0 : index
    %get3A_6 = vector.load %arg1[%get3A_3, %get3A_4, %get3A_5] : memref<2x8x7168xf32, #tpu.memory_space<vmem>>, vector<2x8x7168xf32>
    %log3A = math.log %get3A_6 : vector<2x8x7168xf32>
    %add3A = arith.addf %get3A_2, %log3A : vector<2x8x7168xf32>
    %get3A_7 = arith.constant 0 : index
    %get3A_8 = arith.constant 0 : index
    %get3A_9 = arith.constant 0 : index
    %get3A_10 = vector.load %arg2[%get3A_7, %get3A_8, %get3A_9] : memref<2x8x7168xf32, #tpu.memory_space<vmem>>, vector<2x8x7168xf32>
    %sub3A = arith.subf %add3A, %get3A_10 : vector<2x8x7168xf32>
    %reduce_sum3A = vector.shape_cast %sub3A : vector<2x8x7168xf32> to vector<1x2x8x7168xf32>
    %reduce_sum3A_11 = arith.constant dense<0.000000e+00> : vector<1xf32>
    %reduce_sum3A_12 = vector.multi_reduction <add>, %reduce_sum3A, %reduce_sum3A_11 [1, 2, 3] : vector<1x2x8x7168xf32> to vector<1xf32>
    %reduce_sum3A_13 = vector.shape_cast %reduce_sum3A_12 : vector<1xf32> to vector<1x1x1x1xf32>
    %reduce_sum3A_14 = vector.extract %reduce_sum3A_13[0, 0, 0, 0] : f32 from vector<1x1x1x1xf32>
    %swap3A = arith.constant 0 : index
    %swap3A_15 = arith.constant 0 : index
    %swap3A_16 = memref.load %arg3[%swap3A, %swap3A_15] : memref<1x1xf32, #tpu.memory_space<smem>>
    memref.store %reduce_sum3A_14, %arg3[%swap3A, %swap3A_15] : memref<1x1xf32, #tpu.memory_space<smem>>
    return
  }
}

</mosaic_0001>

<sc_bundles>
// kernel: kernel.7.cloned.1.call-start
scs
__scs_entry_jumppad:
0x0: {  	(pc) =	sbr.rel $0x88, $3  }
0x1: {  	(tag) =	ssettag $0x0;
	lr =	simm.s32 $0x1  }
0x2: {  	[smem:$0x3F9C] =	sst lr;
	_ =	strace $0xD0000000  }
0x3: {  	_ = 	snop  }
0x4: {  	_ = 	snop  }
0x5: {  	_ = 	snop  }
0x6: {  	_ = 	snop  }
0x7: {  	_ = 	snop  }
__scs_overlays_trampoline_lowered:
0x8: {  	[smem:$0x3FAB] =	sst s0  }
0x9: {  	[smem:$0x3FAC] =	sst s1  }
0xa: {  	[smem:$0x3FAD] =	sst s2  }
0xb: {  	[smem:$0x3FAE] =	sst s3  }
0xc: {  	[smem:$0x3FAF] =	sst s4  }
0xd: {  	[smem:$0x3FB0] =	sst s5  }
0xe: {  	[smem:$0x3FB1] =	sst s6  }
0xf: {  	[smem:$0x3FB2] =	sst s7  }
0x10: {  	[smem:$0x3FB3] =	sst s8  }
0x11: {  	[smem:$0x3FB4] =	sst s9;
	s0 =	simm.s32 @!p0 $0x0  }
0x12: {  	s1 =	sld [smem:$0x3F9A];
	s0 =	simm.s32 @p0 $0x1  }
0x13: {  	[smem:$0x3FB5] =	sst s0;
	s0 =	simm.s32 @!p1 $0x0  }
0x14: {  	s2 =	sld [smem:$0x3F99];
	s0 =	simm.s32 @p1 $0x1  }
0x15: {  	[smem:$0x3FB6] =	sst s0;
	s0 =	simm.s32 @!p2 $0x0  }
0x16: {  	s3 =	sld [smem:$0x3FDB];
	s0 =	simm.s32 @p2 $0x1  }
0x17: {  	s4 =	simm.s32 $0x1BF5;
	[smem:$0x3FB8] =	sst s0  }
0x18: {  	s0 =	sld [smem:$0x3F9B];
	_ =	swait.ge [sflag:s4], $0x0  }
0x19: {  	s7 =	sld [smem:$0x3F9C]  }
0x1a: {  	s8 =	sadd.s32 $0xFFFFE003, lr  }
0x1b: {  	s9 =	sadd.s32 $0xFFFFFEF7, lr;
	s5 =	simm.s32 $0xFFFFFFFF;
	p2 =	slt.u32 s8, $0xFFFFF086  }
0x1c: {  	p1 =	slt.u32 s9, $0xF7A;
	s5 =	simm.s32 @!p2 $0x0  }
0x1d: {  	s5 =	simm.s32 @p1 $0x1;
	p0 =	seq.s32 s7, s2  }
0x1e: {  	s7 =	smul.u32 @!p0 $0xF7A, s2;
	p2 =	seq.s32 @!p0 s5, $0x0  }
0x1f: {  	s9 =	smul.u32 $0xF7A, s1;
	s8 =	simm.s32 @!p0 $0x1BF5;
	p2 =	por !p2, p0  }
0x20: {  	[sflag:s8] =	ssyncset.s32 @!p0 $0xFFFFF086;
	s6 =	sadd.s32 @!p0 s3, s7;
	s7 =	simm.s32 @!p0 $0x108  }
0x21: {  	s3 =	sadd.s32 s3, s9;
	s6 =	sadd.s32 @!p0 $0x88, s6;
	s7 =	simm.s32 @p2 $0x1082  }
0x22: {  	[simem:s7], [sflag:s8] =	dma.local @!p0 [hbm:s6], $0xF7A  }
0x23: {  	s9 =	sor.u32 $0xD0000000, s2;
	s6 =	simm.s32 $0x108;
	_ =	swait.ge @!p0 [sflag:s8], $0x0  }
0x24: {  	s3 =	sadd.s32 $0x88, s3;
	s6 =	simm.s32 @!p1 $0x1082;
	[sflag:s4] =	ssyncset.s32 $0xFFFFF086  }
0x25: {  	[simem:s6], [sflag:s4] =	dma.local [hbm:s3], $0xF7A  }
0x26: {  	[smem:$0x3F9C] =	sst s1;
	(tag) =	ssettag s2;
	_ =	strace s9  }
0x27: {  	s1 =	sld [smem:$0x3FAC]  }
0x28: {  	s2 =	sld [smem:$0x3FAD]  }
0x29: {  	s4 =	sld [smem:$0x3FAF]  }
0x2a: {  	p0 =	seq.s32 s5, $0x0;
	s5 =	sld [smem:$0x3FB0]  }
0x2b: {  	s6 =	sld [smem:$0x3FB1]  }
0x2c: {  	s7 =	sld [smem:$0x3FB2]  }
0x2d: {  	s3 =	simm.s32 $0x108;
	s8 =	sld [smem:$0x3FB3]  }
0x2e: {  	s3 =	simm.s32 @!p0 $0x1082;
	s9 =	sld [smem:$0x3FB4]  }
0x2f: {  	lr =	sadd.s32 s0, s3;
	s0 =	sld [smem:$0x3FAB]  }
0x30: {  	s3 =	sld [smem:$0x3FAE]  }
0x31: {  	[smem:$0x3FB7] =	sst s10  }
0x32: {  	s10 =	sld [smem:$0x3FB5];
	_ =	sdelay $0x3  }
0x33: {  	p0 =	seq.s32 s10, $0x1;
	s10 =	sld [smem:$0x3FB7];
	_ =	sdelay $0x3  }
0x34: {  	[smem:$0x3FB7] =	sst s10  }
0x35: {  	s10 =	sld [smem:$0x3FB6];
	_ =	sdelay $0x3  }
0x36: {  	p1 =	seq.s32 s10, $0x1;
	s10 =	sld [smem:$0x3FB7];
	_ =	sdelay $0x3  }
0x37: {  	[smem:$0x3FB7] =	sst s10  }
0x38: {  	s10 =	sld [smem:$0x3FB8]  }
0x39: {  	_ = 	snop;
	(pc) =	sbr.ind lr, $3  }
0x3a: {  	_ = 	snop  }
0x3b: {  	_ = 	snop  }
0x3c: {  	p2 =	seq.s32 s10, $0x1;
	s10 =	sld [smem:$0x3FB7]  }
0x3d: {  	_ =	shalt  }
0x3e: {  	_ =	shalt  }
0x3f: {  	_ =	shalt  }
0x40: {  	_ =	shalt  }
0x41: {  	_ =	shalt  }
0x42: {  	_ =	shalt  }
0x43: {  	_ =	shalt  }
0x44: {  	_ =	shalt  }
0x45: {  	_ =	shalt  }
0x46: {  	_ =	shalt  }
0x47: {  	_ =	shalt  }
0x48: {  	_ =	shalt  }
0x49: {  	_ =	shalt  }
0x4a: {  	_ =	shalt  }
0x4b: {  	_ =	shalt  }
0x4c: {  	_ =	shalt  }
0x4d: {  	_ =	shalt  }
0x4e: {  	_ =	shalt  }
0x4f: {  	_ =	shalt  }
0x50: {  	_ =	shalt  }
0x51: {  	_ =	shalt  }
0x52: {  	_ =	shalt  }
0x53: {  	_ =	shalt  }
0x54: {  	_ =	shalt  }
0x55: {  	_ =	shalt  }
0x56: {  	_ =	shalt  }
0x57: {  	_ =	shalt  }
0x58: {  	_ =	shalt  }
0x59: {  	_ =	shalt  }
0x5a: {  	_ =	shalt  }
0x5b: {  	_ =	shalt  }
0x5c: {  	_ =	shalt  }
0x5d: {  	_ =	shalt  }
0x5e: {  	_ =	shalt  }
0x5f: {  	_ =	shalt  }
0x60: {  	_ =	shalt  }
0x61: {  	_ =	shalt  }
0x62: {  	_ =	shalt  }
0x63: {  	_ =	shalt  }
0x64: {  	_ =	shalt  }
0x65: {  	_ =	shalt  }
0x66: {  	_ =	shalt  }
0x67: {  	_ =	shalt  }
0x68: {  	_ =	shalt  }
0x69: {  	_ =	shalt  }
0x6a: {  	_ =	shalt  }
0x6b: {  	_ =	shalt  }
0x6c: {  	_ =	shalt  }
0x6d: {  	_ =	shalt  }
0x6e: {  	_ =	shalt  }
0x6f: {  	_ =	shalt  }
0x70: {  	_ =	shalt  }
0x71: {  	_ =	shalt  }
0x72: {  	_ =	shalt  }
0x73: {  	_ =	shalt  }
0x74: {  	_ =	shalt  }
0x75: {  	_ =	shalt  }
0x76: {  	_ =	shalt  }
0x77: {  	_ =	shalt  }
0x78: {  	_ =	shalt  }
0x79: {  	_ =	shalt  }
0x7a: {  	_ =	shalt  }
0x7b: {  	_ =	shalt  }
0x7c: {  	_ =	shalt  }
0x7d: {  	_ =	shalt  }
0x7e: {  	_ =	shalt  }
0x7f: {  	_ =	shalt  }
0x80: {  	_ =	shalt  }
0x81: {  	_ =	shalt  }
0x82: {  	_ =	shalt  }
0x83: {  	_ =	shalt  }
0x84: {  	_ =	shalt  }
0x85: {  	_ =	shalt  }
0x86: {  	_ =	shalt  }
0x87: {  	_ =	shalt  }
.Lfunc_end0:
.L_simem_size_0:
called_computation_lowered:
.L_overlay_start_0:
0x88: {  	s2 =	sld [smem:$0x3FD9]  }
0x89: {  	s3 =	sld [smem:$0x3FFE];
	_ =	sdelay $0x1  }
0x8a: {  	s1 =	srdreg.scid  }
0x8b: {  	s0 =	sand.u32 $0x1, s1  }
0x8c: {  	s14 =	sshll.u32 s0, $0xA;
	s2 =	sadd.s32 s3, s2  }
0x8d: {  	s2 =	sadd.s32 s2, s14  }
0x8e: {  	[smem:$0x3FC3] =	sst s2  }
0x8f: {  	_ = 	snop  }
0x90: {  	s2 =	sld [smem:$0x3FD0];
	_ =	sdelay $0x2  }
0x91: {  	s4 =	simm.s32 $0xA;
	s5 =	simm.s32 $0x10;
	s15 =	sld [smem:$0x3FC7]  }
0x92: {  	[smem:s5], [sflag:s4] =	dma.local [hbm:s2], $0x1  }
0x93: {  	_ =	swait.eq [sflag:s4], $0x1  }
0x94: {  	[sflag:s4] =	ssyncset.done $0x0  }
0x95: {  	[sflag:s4] =	ssyncadd.s32 $0xFFFFFFFF  }
0x96: {  	s16 =	sld [smem:$0x13];
	(tm) =	ssettm $0x1  }
0x97: {  	s17 =	sld [smem:$0x3FFB];
	_ =	sdelay $0x3  }
0x98: {  	_ =	strace s17  }
0x99: {  	s4 =	sld [smem:$0x3FFC];
	_ =	sdelay $0x3  }
0x9a: {  	_ =	strace s4  }
0x9b: {  	s4 =	sld [smem:$0x3FFD];
	_ =	sdelay $0x3  }
0x9c: {  	_ =	strace s4  }
0x9d: {  	_ =	strace $0x8FFFFFFF  }
0x9e: {  	s18 =	sld [smem:$0x3FDB];
	_ =	sdelay $0x1  }
0x9f: {  	s19 =	simm.s32 $_scs_section_size  }
0xa0: {  	s6 =	simm.s32 $_size__tile_overlayer_lowered;
	s7 =	simm.s32 $_tile_overlayer_lowered  }
0xa1: {  	s22 =	simm.s32 $0x1BFF;
	s21 =	sshll.u32 s7, $0x1;
	s4 =	sadd.s32 s19, s18  }
0xa2: {  	s8 =	simm.s32 $0x0;
	s20 =	sshll.u32 s6, $0x1;
	s6 =	sadd.s32 s21, s4  }
0xa3: {  	[timem:s8], [sflag:s22] =	dma.local [hbm:s6], s20  }
0xa4: {  	_ =	swait.ge [sflag:s22], s20  }
0xa5: {  	s5 =	ssub.s32 $0x0, s20;
	[sflag:s22] =	ssyncset.done $0x0  }
0xa6: {  	[sflag:s22] =	ssyncadd.s32 s5;
	_ =	sdelay $0x1  }
0xa7: {  	s23 =	simm.s32 $0x1B8B  }
0xa8: {  	_ =	swait.ge [sflag:s23], $0x1  }
0xa9: {  	[sflag:s23] =	ssyncset.done $0x0  }
0xaa: {  	s25 =	simm.s32 $0x1B8E;
	s24 =	sld [smem:$0x3FFE];
	[sflag:s23] =	ssyncadd.s32 $0xFFFFFFFF  }
0xab: {  	s26 =	simm.s32 $execute0_lowered;
	[smem:$0x3FD2] =	sst s25  }
0xac: {  	s6 =	sshll.u32 s26, $0x1;
	_ =	strace $0x80000046;
	[dreg:$0x1] =	wrdreg $0xFFFFFFFF  }
0xad: {  	s28 =	simm.s32 $_size_execute0_lowered;
	s4 =	sadd.s32 s4, s6;
	[dreg:$0x0] =	wrdreg $0x0  }
0xae: {  	s6 =	sshll.u32 s28, $0x1;
	[dreg:$0x2] =	wrdreg s4  }
0xaf: {  	[dreg:$0x3] =	wrdreg s6  }
0xb0: {  	[dreg:$0x4] =	wrdreg $0xC0  }
0xb1: {  	_ =	task [dreg:s8], $0x5FFFF  }
0xb2: {  	[dreg:$0x1] =	wrdreg $0xFFFFFFFF  }
0xb3: {  	[dreg:$0x0] =	wrdreg $0x60  }
0xb4: {  	[dreg:$0x2] =	wrdreg s15  }
0xb5: {  	[dreg:$0x3] =	wrdreg s24  }
0xb6: {  	[dreg:$0x4] =	wrdreg s16  }
0xb7: {  	[dreg:$0x5] =	wrdreg $0x9  }
0xb8: {  	_ =	task.clear_ibuf [dreg:s8], $0x6FFFF;
	_ =	strace $0x90000046  }
0xb9: {  	s29 =	simm.s32 $0x9;
	_ =	strace $0x80000048  }
0xba: {  	_ =	swait.ge [sflag:s29], $0x1  }
0xbb: {  	[sflag:s29] =	ssyncadd.s32 $0xFFFFFFFF  }
0xbc: {  	_ =	strace $0x90000048  }
0xbd: {  	_ =	sfence  }
0xbe: {  	s30 =	sld [smem:$0x0];
	_ =	sdelay $0x2  }
0xbf: {  	s31 =	sshll.u32 s1, $0xD;
	s1 =	sshrl.u32 s1, $0x2  }
0xc0: {  	s3 =	sand.u32 $0x4000, s31;
	s1 =	sadd.s32 s1, s30  }
0xc1: {  	s0 =	sor.u32 s3, s0;
	s1 =	sshll.u32 s1, $0x11  }
0xc2: {  	s0 =	sor.u32 s1, s0  }
0xc3: {  	s0 =	sadd.s32 $0x8F2B, s0  }
0xc4: {  	[sflag:s0] =	ssyncadd.remote.s32 $0x1  }
0xc5: {  	_ =	sfence.sel $0xFFFF  }
0xc6: {  	[dreg:$0x0] =	wrdreg $0xFFFFFFFF;
	(pc) =	sbr.abs _section_cstart, $3  }
0xc7: {  	[dreg:$0x1] =	wrdreg $0xFFFFFFFF  }
0xc8: {  	_ =	task.clear_ibuf [dreg:s8], $0x2FFFF;
	_ =	strace $0x9FFFFFFF  }
0xc9: {  	(tm) =	ssettm $0x7FFFFFFF  }
tec
execute0_lowered:
.L_overlay_start_1:
0x0: {  	(tag) =	ssettag $0x1  }
0x1: {  	s16 =	rddreg [dreg:$0x0]  }
0x2: {  	s0 =	rddreg [dreg:$0x1]  }
0x3: {  	s1 =	rddreg [dreg:$0x2]  }
0x4: {  	s2 =	simm.s32 $0x0;
	s22 =	srdreg.scid;
	s10 =	stileid.u32  }
0x5: {  	s28 =	simm.s32 $0x4000;
	s30 =	simm.s32 $0x80;
	s31 =	simm.s32 $0x3  }
0x6: {  	s29 =	simm.s32 $0x4;
	[smem:$0x7FF] =	sst s2;
	s4 =	sadd.s32 $0x1A00, s0  }
0x7: {  	s2 =	sand.u32 $0x1, s22;
	s3 =	sshll.u32 s10, $0x1;
	s5 =	sadd.s32 $0x481A00, s0  }
0x8: {  	s6 =	sadd.s32 $0x48AA00, s0;
	s7 =	sadd.s32 $0x48E200, s0;
	s10 =	sshll.u32 s10, $0x6  }
0x9: {  	s0 =	sadd.s32 $0x491A00, s0;
	_ =	strace $0x80000047;
	s3 =	sor.u32 s2, s3  }
0xa: {  	s2 =	ssub.s32 $0x2, s2;
	s23 =	sand.u32 $0x380, s10;
	s8 =	sand.u32 $0x3, s3  }
0xb: {  	s19 =	sshll.u32 s3, $0x5;
	s24 =	sshll.u32 s3, $0x10;
	s3 =	sshll.u32 s3, $0xA  }
0xc: {  	s8 =	smul.u32 $0x3800, s8;
	s25 =	sadd.s32 s16, s24;
	[dreg:$0x4] =	wrdreg s19  }
0xd: {  	s9 =	sshrl.u32 s2, $0x1;
	s1 =	sadd.s32 s1, s3;
	[dreg:$0x5] =	wrdreg s25  }
0xe: {  	s24 =	sor.u32 $0x2, s19;
	[dreg:$0x8] =	wrdreg s1;
	s8 =	sor.u32 s23, s8  }
0xf: {  	s2 =	ssub.s32 s2, s9;
	[dreg:$0x7] =	wrdreg s24;
	s26 =	sadd.s32 $0x16000, s8  }
0x10: {  	s11 =	sshrl.u32 s8, $0x3;
	s12 =	sadd.s32 $0x256000, s8;
	s15 =	sadd.s32 $0x3A000, s8  }
0x11: {  	s17 =	sadd.s32 $0x1216000, s8;
	s18 =	sadd.s32 $0xE000, s8;
	[dreg:$0x6] =	wrdreg s26  }
0x12: {  	s22 =	sadd.s32 $0x1456000, s8;
	s9 =	sshrl.u32 s26, $0x3;
	[dreg:$0xb] =	wrdreg s12  }
0x13: {  	s13 =	sadd.s32 s6, s11;
	s14 =	sadd.s32 s7, s11;
	[dreg:$0xf] =	wrdreg s17  }
0x14: {  	s3 =	sshrl.u32 s17, $0x3;
	s21 =	sshrl.u32 s18, $0x3;
	[dreg:$0x12] =	wrdreg s22  }
0x15: {  	s26 =	smax.u32 s2, $0x1;
	s2 =	simm.s32 $0x24000;
	[dreg:$0xc] =	wrdreg s13  }
0x16: {  	s17 =	simm.s32 $0xF400;
	s22 =	simm.s32 $0x10800;
	[dreg:$0xd] =	wrdreg s14  }
0x17: {  	s10 =	sadd.s32 s5, s9;
	s1 =	sadd.s32 s4, s9;
	[dreg:$0x16] =	wrdreg s26  }
0x18: {  	s20 =	sadd.s32 s4, s3;
	s23 =	sadd.s32 s6, s21;
	[dreg:$0x9] =	wrdreg s10  }
0x19: {  	s25 =	sadd.s32 s7, s21;
	s26 =	simm.s32 $0x2;
	[dreg:$0xa] =	wrdreg s1  }
0x1a: {  	s6 =	simm.s32 $0xE400;
	s9 =	simm.s32 $0xE800;
	[dreg:$0x11] =	wrdreg s20  }
0x1b: {  	s13 =	simm.s32 $0xEC00;
	s14 =	simm.s32 $0xF800;
	[dreg:$0x13] =	wrdreg s23  }
0x1c: {  	s1 =	sadd.s32 s0, s11;
	[dreg:$0x14] =	wrdreg s25;
	s0 =	sadd.s32 s0, s21  }
0x1d: {  	s25 =	simm.s32 $0x1;
	s10 =	simm.s32 $0xFC00;
	s20 =	simm.s32 $0x10000  }
0x1e: {  	s21 =	simm.s32 $0x10400;
	[dreg:$0xe] =	wrdreg s1;
	s1 =	sshrl.u32 s15, $0x3  }
0x1f: {  	s23 =	simm.s32 $0x10C00;
	[dreg:$0x15] =	wrdreg s0;
	s1 =	sadd.s32 s5, s1  }
0x20: {  	v0 =	vimm.f32 $-Inf;
	v1 =	vimm.f32 $0.0e+00;
	s0 =	simm.s32 $0xF000;
	s5 =	simm.s32 $0x0;
	[dreg:$0x10] =	wrdreg s1  }
.LBB2_1:
0x21: {  	[dreg:$0x17] =	wrdreg s5  }
0x22: {  	s1 =	simm.s32 $0x0;
	s3 =	rddreg [dreg:$0x5];
	s11 =	simm.s32 $0x0  }
0x23: {  	[tilespmem:s1], [sflag:$0x1] =	stream.linear.gather [hbm4b:s3+s1], $0x4000, $0x38;
	[tilespmem:$0x12C00] =	vst v63  }
.LBB2_2:
0x24: {  	s18 =	sshllo.u32 s11, $0x1  }
0x25: {  	s1 =	sadd.s32 s19, s18  }
0x26: {  	s1 =	sshll.u32 s1, $0xB  }
0x27: {  	s1 =	sand.u32 $0x1FFFF800, s1  }
0x28: {  	s5 =	simm.s32 $0x0;
	s1 =	sadd.s32 s16, s1  }
0x29: {  	[tilespmem:s28], [sflag:$0x2] =	stream.linear.gather [hbm4b:s1+s5], $0x4000, $0x38;
	[tilespmem:$0x12C00] =	vst v63  }
0x2a: {  	_ =	swait.ge [sflag:s25], $0x4000  }
0x2b: {  	s15 =	sand.u32 $0x3800, s5;
	s5 =	sand.u32 $0x380, s5;
	[sflag:s25] =	ssyncset.done $0x0  }
0x2c: {  	s1 =	sor.u32 s5, s15;
	[sflag:s25] =	ssyncadd.s32 $0xFFFFC000  }
0x2d: {  	v2 =	vld [tilespmem:s1+$0x470]  }
0x2e: {  	v4 =	vld [tilespmem:s1+$0x0]  }
0x2f: {  	v5 =	vld [tilespmem:s1+$0x10]  }
0x30: {  	v6 =	vld [tilespmem:s1+$0x20]  }
0x31: {  	v7 =	vld [tilespmem:s1+$0x30]  }
0x32: {  	v8 =	vld [tilespmem:s1+$0x40]  }
0x33: {  	v9 =	vld [tilespmem:s1+$0x50]  }
0x34: {  	v12 =	vld [tilespmem:s1+$0x60]  }
0x35: {  	v3 =	vimm.f32 $0.0e+00;
	v14 =	vld [tilespmem:s1+$0x70]  }
0x36: {  	v15 =	vld [tilespmem:s1+$0x400];
	v2 =	vadd.f32 v2, v3  }
0x37: {  	v17 =	vadd.f32 v4, v3;
	v16 =	vadd.f32 v5, v3  }
0x38: {  	v21 =	vld [tilespmem:s1+$0x410];
	v13 =	vadd.f32 v6, v3;
	v10 =	vadd.f32 v7, v3  }
0x39: {  	v19 =	vld [tilespmem:s1+$0x420];
	v11 =	vadd.f32 v8, v3;
	v6 =	vadd.f32 v9, v3  }
0x3a: {  	s8 =	simm.s32 $0x100;
	v18 =	vld [tilespmem:s1+$0x430];
	v7 =	vadd.f32 v12, v3;
	v5 =	vadd.f32 v14, v3  }
0x3b: {  	s7 =	simm.s32 $0x80;
	s12 =	sand.u32 $0x3800, s8;
	v20 =	vld [tilespmem:s1+$0x440];
	v12 =	vadd.f32 v15, v3;
	v14 =	vimm.f32 $0.0e+00;
	v8 =	vimm.f32 $0.0e+00  }
0x3c: {  	s8 =	simm.s32 $0x200;
	s5 =	sshll.u32 s11, $0x1;
	s15 =	sand.u32 $0x380, s7;
	v22 =	vld [tilespmem:s1+$0x450];
	v15 =	vimm.f32 $0.0e+00;
	v9 =	vimm.f32 $0.0e+00;
	v4 =	vimm.f32 $0.0e+00  }
.LBB2_3:
0x3d: {  	p0 =	sne.s32 s8, $0x3F00;
	v3 =	vadd.f32 v21, v3;
	v21 =	vld [tilespmem:s1+$0x460];
	s1 =	sor.u32 s15, s12  }
0x3e: {  	v23 =	vld [tilespmem:s1+$0x470];
	v14 =	vadd.f32 v19, v14  }
0x3f: {  	v19 =	vld [tilespmem:s1+$0x0];
	v8 =	vadd.f32 v18, v8  }
0x40: {  	v18 =	vld [tilespmem:s1+$0x10];
	v15 =	vadd.f32 v20, v15  }
0x41: {  	v20 =	vld [tilespmem:s1+$0x20];
	v9 =	vadd.f32 v22, v9  }
0x42: {  	v22 =	vld [tilespmem:s1+$0x30];
	v4 =	vadd.f32 v21, v4  }
0x43: {  	v21 =	vld [tilespmem:s1+$0x40];
	v2 =	vadd.f32 v23, v2  }
0x44: {  	v17 =	vadd.f32 v19, v17;
	v19 =	vld [tilespmem:s1+$0x50]  }
0x45: {  	v16 =	vadd.f32 v18, v16;
	v18 =	vld [tilespmem:s1+$0x60]  }
0x46: {  	v13 =	vadd.f32 v20, v13;
	v20 =	vld [tilespmem:s1+$0x70]  }
0x47: {  	v10 =	vadd.f32 v22, v10;
	v22 =	vld [tilespmem:s1+$0x400]  }
.Ltmp0:
0x48: {  	v11 =	vadd.f32 v21, v11;
	v21 =	vld [tilespmem:s1+$0x410];
	(pc) =	sbr.rel @p0 .LBB2_3-.Ltmp0, $4  }
0x49: {  	v6 =	vadd.f32 v19, v6;
	v19 =	vld [tilespmem:s1+$0x420]  }
0x4a: {  	v7 =	vadd.f32 v18, v7;
	v18 =	vld [tilespmem:s1+$0x430]  }
0x4b: {  	s7 =	sadd.s32 $0x80, s7;
	v5 =	vadd.f32 v20, v5;
	v20 =	vld [tilespmem:s1+$0x440]  }
0x4c: {  	s12 =	sand.u32 $0x3800, s8;
	s8 =	sadd.s32 $0x100, s8;
	s15 =	sand.u32 $0x380, s7;
	v12 =	vadd.f32 v22, v12;
	v22 =	vld [tilespmem:s1+$0x450]  }
0x4d: {  	s7 =	sor.u32 s15, s12;
	v23 =	vld [tilespmem:s1+$0x460]  }
0x4e: {  	v24 =	vld [tilespmem:s7+$0x470]  }
0x4f: {  	v25 =	vld [tilespmem:s7+$0x0]  }
0x50: {  	v26 =	vld [tilespmem:s7+$0x10]  }
0x51: {  	v27 =	vld [tilespmem:s7+$0x20]  }
0x52: {  	v28 =	vld [tilespmem:s7+$0x30]  }
0x53: {  	v29 =	vld [tilespmem:s7+$0x40]  }
0x54: {  	v30 =	vld [tilespmem:s7+$0x50]  }
0x55: {  	v31 =	vld [tilespmem:s7+$0x60]  }
0x56: {  	v32 =	vld [tilespmem:s7+$0x70]  }
0x57: {  	v33 =	vld [tilespmem:s7+$0x400]  }
0x58: {  	v34 =	vld [tilespmem:s7+$0x410]  }
0x59: {  	s15 =	sshll.u32 s11, $0x9;
	v35 =	vld [tilespmem:s7+$0x420]  }
0x5a: {  	s8 =	sshll.u32 s11, $0x8;
	v36 =	vld [tilespmem:s7+$0x430];
	s1 =	sand.u32 $0x1800, s15  }
0x5b: {  	v37 =	vld [tilespmem:s7+$0x440];
	s8 =	sand.u32 $0x300, s8;
	s1 =	sor.u32 $0x8000, s1;
	v17 =	vadd.f32 v25, v17  }
0x5c: {  	v62 =	vld [tilespmem:s7+$0x450];
	s3 =	sor.u32 s8, s1;
	v16 =	vadd.f32 v26, v16  }
0x5d: {  	v63 =	vld [tilespmem:s7+$0x460];
	v13 =	vadd.f32 v27, v13;
	[tilespmem:s3+$0x0] =	vst v17  }
0x5e: {  	v10 =	vadd.f32 v28, v10;
	[tilespmem:s3+$0x10] =	vst v16  }
0x5f: {  	v11 =	vadd.f32 v29, v11;
	[tilespmem:s3+$0x20] =	vst v13  }
0x60: {  	v6 =	vadd.f32 v30, v6;
	[tilespmem:s3+$0x30] =	vst v10  }
0x61: {  	v3 =	vadd.f32 v21, v3;
	v7 =	vadd.f32 v31, v7;
	[tilespmem:s3+$0x40] =	vst v11  }
0x62: {  	v5 =	vadd.f32 v32, v5;
	[tilespmem:s3+$0x50] =	vst v6  }
0x63: {  	v3 =	vadd.f32 v34, v3;
	[tilespmem:s3+$0x60] =	vst v7  }
0x64: {  	v2 =	vadd.f32 v24, v2;
	v6 =	vadd.f32 v19, v14;
	[tilespmem:s3+$0x70] =	vst v5  }
0x65: {  	v10 =	vadd.f32 v33, v12;
	v7 =	vadd.f32 v18, v8;
	[tilespmem:s3+$0x410] =	vst v3  }
0x66: {  	v5 =	vadd.f32 v20, v15;
	[tilespmem:s3+$0x470] =	vst v2;
	v6 =	vadd.f32 v35, v6  }
0x67: {  	v8 =	vadd.f32 v22, v9;
	[tilespmem:s3+$0x400] =	vst v10;
	v7 =	vadd.f32 v36, v7  }
0x68: {  	p0 =	seq.s32 s11, $0xF;
	v3 =	vadd.f32 v23, v4;
	v4 =	vadd.f32 v37, v5;
	[tilespmem:s3+$0x420] =	vst v6  }
0x69: {  	s5 =	sadd.s32 @!p0 s5, s24;
	v5 =	vadd.f32 v62, v8;
	[tilespmem:s3+$0x430] =	vst v7  }
0x6a: {  	s5 =	sshll.u32 @!p0 s5, $0xB;
	v3 =	vadd.f32 v63, v3;
	[tilespmem:s3+$0x440] =	vst v4  }
0x6b: {  	s5 =	sand.u32 @!p0 $0x1FFFF000, s5;
	[tilespmem:s3+$0x450] =	vst v5  }
0x6c: {  	s7 =	simm.s32 @!p0 $0x0;
	s5 =	sadd.s32 @!p0 s16, s5;
	[tilespmem:s3+$0x460] =	vst v3  }
0x6d: {  	[tilespmem:s7], [sflag:$0x1] =	stream.linear.gather @!p0 [hbm4b:s5+s7], $0x4000, $0x38;
	[tilespmem:$0x12C00] =	vst v63  }
0x6e: {  	s8 =	simm.s32 $0x0;
	_ =	swait.ge [sflag:s26], $0x4000  }
0x6f: {  	s12 =	sand.u32 $0x3800, s8;
	s5 =	sand.u32 $0x380, s8;
	[sflag:s26] =	ssyncset.done $0x0  }
0x70: {  	s5 =	sor.u32 s5, s12;
	[sflag:s26] =	ssyncadd.s32 $0xFFFFC000  }
0x71: {  	v2 =	vld [tilespmem:s5+$0x4470]  }
0x72: {  	v4 =	vld [tilespmem:s5+$0x4000]  }
0x73: {  	v5 =	vld [tilespmem:s5+$0x4010]  }
0x74: {  	v6 =	vld [tilespmem:s5+$0x4020]  }
0x75: {  	v7 =	vld [tilespmem:s5+$0x4030]  }
0x76: {  	v8 =	vld [tilespmem:s5+$0x4040]  }
0x77: {  	v9 =	vld [tilespmem:s5+$0x4050]  }
0x78: {  	v10 =	vld [tilespmem:s5+$0x4060]  }
0x79: {  	v3 =	vimm.f32 $0.0e+00;
	v13 =	vld [tilespmem:s5+$0x4070]  }
0x7a: {  	v14 =	vld [tilespmem:s5+$0x4400];
	v2 =	vadd.f32 v2, v3  }
0x7b: {  	v17 =	vadd.f32 v4, v3;
	v16 =	vadd.f32 v5, v3  }
0x7c: {  	v21 =	vld [tilespmem:s5+$0x4410];
	v15 =	vadd.f32 v6, v3;
	v11 =	vadd.f32 v7, v3  }
0x7d: {  	v20 =	vld [tilespmem:s5+$0x4420];
	v12 =	vadd.f32 v8, v3;
	v8 =	vadd.f32 v9, v3  }
0x7e: {  	v18 =	vld [tilespmem:s5+$0x4430];
	v9 =	vadd.f32 v10, v3;
	v5 =	vadd.f32 v13, v3  }
0x7f: {  	s15 =	simm.s32 $0x100;
	s7 =	simm.s32 $0x80;
	v19 =	vld [tilespmem:s5+$0x4440];
	v10 =	vadd.f32 v14, v3;
	v13 =	vimm.f32 $0.0e+00;
	v6 =	vimm.f32 $0.0e+00  }
0x80: {  	s8 =	simm.s32 $0x200;
	s12 =	sand.u32 $0x3800, s15;
	s15 =	sand.u32 $0x380, s7;
	v22 =	vld [tilespmem:s5+$0x4450];
	v14 =	vimm.f32 $0.0e+00;
	v7 =	vimm.f32 $0.0e+00;
	v4 =	vimm.f32 $0.0e+00  }
.LBB2_5:
0x81: {  	p0 =	sne.s32 s8, $0x3F00;
	v3 =	vadd.f32 v21, v3;
	v21 =	vld [tilespmem:s5+$0x4460];
	s5 =	sor.u32 s15, s12  }
0x82: {  	v23 =	vld [tilespmem:s5+$0x4470];
	v13 =	vadd.f32 v20, v13  }
0x83: {  	v20 =	vld [tilespmem:s5+$0x4000];
	v6 =	vadd.f32 v18, v6  }
0x84: {  	v18 =	vld [tilespmem:s5+$0x4010];
	v14 =	vadd.f32 v19, v14  }
0x85: {  	v19 =	vld [tilespmem:s5+$0x4020];
	v7 =	vadd.f32 v22, v7  }
0x86: {  	v22 =	vld [tilespmem:s5+$0x4030];
	v4 =	vadd.f32 v21, v4  }
0x87: {  	v21 =	vld [tilespmem:s5+$0x4040];
	v2 =	vadd.f32 v23, v2  }
0x88: {  	v17 =	vadd.f32 v20, v17;
	v20 =	vld [tilespmem:s5+$0x4050]  }
0x89: {  	v16 =	vadd.f32 v18, v16;
	v18 =	vld [tilespmem:s5+$0x4060]  }
0x8a: {  	v15 =	vadd.f32 v19, v15;
	v19 =	vld [tilespmem:s5+$0x4070]  }
0x8b: {  	v11 =	vadd.f32 v22, v11;
	v22 =	vld [tilespmem:s5+$0x4400]  }
.Ltmp1:
0x8c: {  	v12 =	vadd.f32 v21, v12;
	v21 =	vld [tilespmem:s5+$0x4410];
	(pc) =	sbr.rel @p0 .LBB2_5-.Ltmp1, $4  }
0x8d: {  	v8 =	vadd.f32 v20, v8;
	v20 =	vld [tilespmem:s5+$0x4420]  }
0x8e: {  	v9 =	vadd.f32 v18, v9;
	v18 =	vld [tilespmem:s5+$0x4430]  }
0x8f: {  	s7 =	sadd.s32 $0x80, s7;
	v5 =	vadd.f32 v19, v5;
	v19 =	vld [tilespmem:s5+$0x4440]  }
0x90: {  	s12 =	sand.u32 $0x3800, s8;
	s8 =	sadd.s32 $0x100, s8;
	s15 =	sand.u32 $0x380, s7;
	v10 =	vadd.f32 v22, v10;
	v22 =	vld [tilespmem:s5+$0x4450]  }
0x91: {  	s7 =	sor.u32 s15, s12;
	v23 =	vld [tilespmem:s5+$0x4460]  }
0x92: {  	v24 =	vld [tilespmem:s7+$0x4470]  }
0x93: {  	v25 =	vld [tilespmem:s7+$0x4000]  }
0x94: {  	v26 =	vld [tilespmem:s7+$0x4010]  }
0x95: {  	v27 =	vld [tilespmem:s7+$0x4020]  }
0x96: {  	v28 =	vld [tilespmem:s7+$0x4030]  }
0x97: {  	v29 =	vld [tilespmem:s7+$0x4040]  }
0x98: {  	v30 =	vld [tilespmem:s7+$0x4050]  }
0x99: {  	v31 =	vld [tilespmem:s7+$0x4060]  }
0x9a: {  	v32 =	vld [tilespmem:s7+$0x4070]  }
0x9b: {  	v33 =	vld [tilespmem:s7+$0x4400]  }
0x9c: {  	v34 =	vld [tilespmem:s7+$0x4410]  }
0x9d: {  	v35 =	vld [tilespmem:s7+$0x4420]  }
0x9e: {  	s18 =	sshll.u32 s18, $0x7;
	v36 =	vld [tilespmem:s7+$0x4430]  }
0x9f: {  	v37 =	vld [tilespmem:s7+$0x4440];
	s5 =	sand.u32 $0x380, s18;
	v17 =	vadd.f32 v25, v17  }
0xa0: {  	v58 =	vld [tilespmem:s7+$0x4450];
	s1 =	sadd.s32 s5, s1;
	v16 =	vadd.f32 v26, v16  }
0xa1: {  	v59 =	vld [tilespmem:s7+$0x4460];
	v15 =	vadd.f32 v27, v15;
	[tilespmem:s1+$0x0] =	vst v17  }
0xa2: {  	v11 =	vadd.f32 v28, v11;
	[tilespmem:s1+$0x10] =	vst v16  }
0xa3: {  	v12 =	vadd.f32 v29, v12;
	[tilespmem:s1+$0x20] =	vst v15  }
0xa4: {  	v8 =	vadd.f32 v30, v8;
	[tilespmem:s1+$0x30] =	vst v11  }
0xa5: {  	v9 =	vadd.f32 v31, v9;
	[tilespmem:s1+$0x40] =	vst v12  }
0xa6: {  	v3 =	vadd.f32 v21, v3;
	v5 =	vadd.f32 v32, v5;
	[tilespmem:s1+$0x50] =	vst v8  }
0xa7: {  	v6 =	vadd.f32 v18, v6;
	v10 =	vadd.f32 v33, v10;
	[tilespmem:s1+$0x60] =	vst v9  }
0xa8: {  	v61 =	vadd.f32 v19, v14;
	v3 =	vadd.f32 v34, v3;
	[tilespmem:s1+$0x70] =	vst v5  }
0xa9: {  	v7 =	vadd.f32 v22, v7;
	v6 =	vadd.f32 v36, v6;
	[tilespmem:s1+$0x400] =	vst v10  }
0xaa: {  	s11 =	sadd.s32 $0x1, s11;
	v62 =	vadd.f32 v37, v61;
	[tilespmem:s1+$0x410] =	vst v3  }
0xab: {  	v60 =	vadd.f32 v20, v13;
	p0 =	sne.s32 s11, $0x10;
	v63 =	vadd.f32 v58, v7;
	[tilespmem:s1+$0x430] =	vst v6  }
.Ltmp2:
0xac: {  	v2 =	vadd.f32 v24, v2;
	v3 =	vadd.f32 v23, v4;
	[tilespmem:s1+$0x440] =	vst v62;
	(pc) =	sbr.rel @p0 .LBB2_2-.Ltmp2, $4  }
0xad: {  	v8 =	vadd.f32 v35, v60;
	[tilespmem:s1+$0x450] =	vst v63  }
0xae: {  	[tilespmem:s1+$0x470] =	vst v2;
	v3 =	vadd.f32 v59, v3  }
0xaf: {  	[tilespmem:s1+$0x420] =	vst v8  }
0xb0: {  	[tilespmem:s1+$0x460] =	vst v3  }
0xb1: {  	s1 =	simm.s32 $0x0  }
0xb2: {  	s3 =	rddreg [dreg:$0x8];
	s5 =	simm.s32 $0x8000;
	s19 =	simm.s32 $0x5  }
0xb3: {  	[hbm4b:s3+s1] =	stream.linear.scatter [tilespmem:s5], [sflag:$0x5], $0x2000, $0x38;
	[tilespmem:$0x12C00] =	vst v63  }
0xb4: {  	_ =	swait.ge [sflag:s19], $0x2000  }
0xb5: {  	s28 =	simm.s32 $0x400;
	[sflag:s19] =	ssyncset.done $0x0  }
0xb6: {  	s7 =	simm.s32 $0x11000;
	s24 =	rddreg [dreg:$0x9];
	[sflag:s19] =	ssyncadd.s32 $0xFFFFE000  }
0xb7: {  	[tilespmem:s7], [sflag:$0x5] =	stream.strided.gather [hbm4b:s24+s30], $0x700, s28, s30, $0x38;
	[tilespmem:$0x12C00] =	vst v63  }
0xb8: {  	_ =	swait.ge [sflag:s19], $0x700  }
0xb9: {  	[sflag:s19] =	ssyncset.done $0x0  }
0xba: {  	s1 =	simm.s32 $0x40;
	s5 =	simm.s32 $0x0;
	[sflag:s19] =	ssyncadd.s32 $0xFFFFF900  }
.LBB2_8:
0xbb: {  	p0 =	sne.s32 s1, $0x1BC0;
	[tilespmem:s5+$0x12500] =	vst v1;
	s7 =	smov.u32 s1;
	s1 =	sadd.s32 $0x40, s1  }
.Ltmp3:
0xbc: {  	[tilespmem:s5+$0x11700] =	vst v0;
	(pc) =	sbr.rel @p0 .LBB2_8-.Ltmp3, $2  }
0xbd: {  	[tilespmem:s5+$0x11E00] =	vst v1;
	_ =	sdelay $0x2  }
0xbe: {  	s5 =	sshra.s32 s7, $0x2  }
0xbf: {  	[tilespmem:s5+$0x12500] =	vst v1  }
0xc0: {  	[tilespmem:s5+$0x11700] =	vst v0  }
0xc1: {  	[tilespmem:s5+$0x11E00] =	vst v1;
	s3 =	rddreg [dreg:$0xa];
	s1 =	simm.s32 $0xA000  }
0xc2: {  	[tilespmem:s1], [sflag:$0x3] =	stream.strided.gather [hbm4b:s3+s30], $0x400, s2, s30, $0x38;
	[tilespmem:$0x12C00] =	vst v63  }
0xc3: {  	s16 =	simm.s32 $0xA400;
	s15 =	sadd.s32 $0x80, s3  }
0xc4: {  	[tilespmem:s16], [sflag:$0x3] =	stream.strided.gather [hbm4b:s15+s30], $0x400, s2, s30, $0x38;
	[tilespmem:$0x12C00] =	vst v63  }
0xc5: {  	s19 =	simm.s32 $0xA800;
	s18 =	sadd.s32 $0x100, s3  }
0xc6: {  	[tilespmem:s19], [sflag:$0x3] =	stream.strided.gather [hbm4b:s18+s30], $0x400, s2, s30, $0x38;
	[tilespmem:$0x12C00] =	vst v63  }
0xc7: {  	s28 =	simm.s32 $0xAC00;
	s24 =	sadd.s32 $0x180, s3  }
0xc8: {  	[tilespmem:s28], [sflag:$0x3] =	stream.strided.gather [hbm4b:s24+s30], $0x400, s2, s30, $0x38;
	[tilespmem:$0x12C00] =	vst v63  }
0xc9: {  	s8 =	simm.s32 $0xB000;
	s7 =	sadd.s32 $0x200, s3  }
0xca: {  	[tilespmem:s8], [sflag:$0x3] =	stream.strided.gather [hbm4b:s7+s30], $0x400, s2, s30, $0x38;
	[tilespmem:$0x12C00] =	vst v63  }
0xcb: {  	s12 =	simm.s32 $0xB400;
	s11 =	sadd.s32 $0x280, s3  }
0xcc: {  	[tilespmem:s12], [sflag:$0x3] =	stream.strided.gather [hbm4b:s11+s30], $0x400, s2, s30, $0x38;
	[tilespmem:$0x12C00] =	vst v63  }
0xcd: {  	s15 =	sadd.s32 $0x300, s3;
	s16 =	simm.s32 $0xB800  }
0xce: {  	[tilespmem:s16], [sflag:$0x3] =	stream.strided.gather [hbm4b:s15+s30], $0x400, s2, s30, $0x38;
	[tilespmem:$0x12C00] =	vst v63  }
0xcf: {  	s18 =	sadd.s32 $0x380, s3;
	s19 =	simm.s32 $0xBC00  }
0xd0: {  	[tilespmem:s19], [sflag:$0x3] =	stream.strided.gather [hbm4b:s18+s30], $0x400, s2, s30, $0x38;
	[tilespmem:$0x12C00] =	vst v63  }
0xd1: {  	s24 =	sadd.s32 $0x400, s3;
	s28 =	simm.s32 $0xC000  }
0xd2: {  	[tilespmem:s28], [sflag:$0x3] =	stream.strided.gather [hbm4b:s24+s30], $0x400, s2, s30, $0x38;
	[tilespmem:$0x12C00] =	vst v63  }
0xd3: {  	s7 =	sadd.s32 $0x480, s3;
	s8 =	simm.s32 $0xC400  }
0xd4: {  	[tilespmem:s8], [sflag:$0x3] =	stream.strided.gather [hbm4b:s7+s30], $0x400, s2, s30, $0x38;
	[tilespmem:$0x12C00] =	vst v63  }
0xd5: {  	s11 =	sadd.s32 $0x500, s3;
	s12 =	simm.s32 $0xC800  }
0xd6: {  	[tilespmem:s12], [sflag:$0x3] =	stream.strided.gather [hbm4b:s11+s30], $0x400, s2, s30, $0x38;
	[tilespmem:$0x12C00] =	vst v63  }
0xd7: {  	s15 =	sadd.s32 $0x580, s3;
	s16 =	simm.s32 $0xCC00  }
0xd8: {  	[tilespmem:s16], [sflag:$0x3] =	stream.strided.gather [hbm4b:s15+s30], $0x400, s2, s30, $0x38;
	[tilespmem:$0x12C00] =	vst v63  }
0xd9: {  	s18 =	sadd.s32 $0x600, s3;
	s19 =	simm.s32 $0xD000;
	s24 =	sadd.s32 $0x680, s3  }
0xda: {  	[tilespmem:s19], [sflag:$0x3] =	stream.strided.gather [hbm4b:s18+s30], $0x400, s2, s30, $0x38;
	[tilespmem:$0x12C00] =	vst v63  }
0xdb: {  	s28 =	simm.s32 $0xD400;
	s11 =	simm.s32 $0x0;
	s18 =	simm.s32 $0x0  }
0xdc: {  	[tilespmem:s28], [sflag:$0x3] =	stream.strided.gather [hbm4b:s24+s30], $0x400, s2, s30, $0x38;
	[tilespmem:$0x12C00] =	vst v63  }
.LBB2_10:
0xdd: {  	s24 =	sshllo.u32 s18, $0x1  }
0xde: {  	s1 =	smul.u32 $0x120000, s24  }
0xdf: {  	s3 =	rddreg [dreg:$0x6]  }
0xe0: {  	s1 =	sadd.s32 s3, s1  }
0xe1: {  	s1 =	sshrl.u32 s1, $0x3  }
0xe2: {  	s15 =	simm.s32 $0xD800;
	s1 =	sadd.s32 s4, s1  }
0xe3: {  	[tilespmem:s15], [sflag:$0x4] =	stream.strided.gather [hbm4b:s1+s30], $0x400, s2, s30, $0x38;
	[tilespmem:$0x12C00] =	vst v63  }
0xe4: {  	s16 =	simm.s32 $0xDC00;
	s5 =	sadd.s32 $0x80, s1  }
0xe5: {  	[tilespmem:s16], [sflag:$0x4] =	stream.strided.gather [hbm4b:s5+s30], $0x400, s2, s30, $0x38;
	[tilespmem:$0x12C00] =	vst v63  }
0xe6: {  	s28 =	simm.s32 $0xE000;
	s19 =	sadd.s32 $0x100, s1  }
0xe7: {  	[tilespmem:s28], [sflag:$0x4] =	stream.strided.gather [hbm4b:s19+s30], $0x400, s2, s30, $0x38;
	[tilespmem:$0x12C00] =	vst v63  }
0xe8: {  	s3 =	sadd.s32 $0x180, s1  }
0xe9: {  	[tilespmem:s6], [sflag:$0x4] =	stream.strided.gather [hbm4b:s3+s30], $0x400, s2, s30, $0x38;
	[tilespmem:$0x12C00] =	vst v63  }
0xea: {  	s7 =	sadd.s32 $0x200, s1  }
0xeb: {  	[tilespmem:s9], [sflag:$0x4] =	stream.strided.gather [hbm4b:s7+s30], $0x400, s2, s30, $0x38;
	[tilespmem:$0x12C00] =	vst v63  }
0xec: {  	s8 =	sadd.s32 $0x280, s1  }
0xed: {  	[tilespmem:s13], [sflag:$0x4] =	stream.strided.gather [hbm4b:s8+s30], $0x400, s2, s30, $0x38;
	[tilespmem:$0x12C00] =	vst v63  }
0xee: {  	s12 =	sadd.s32 $0x300, s1  }
0xef: {  	[tilespmem:s0], [sflag:$0x4] =	stream.strided.gather [hbm4b:s12+s30], $0x400, s2, s30, $0x38;
	[tilespmem:$0x12C00] =	vst v63  }
0xf0: {  	s15 =	sadd.s32 $0x380, s1  }
0xf1: {  	[tilespmem:s17], [sflag:$0x4] =	stream.strided.gather [hbm4b:s15+s30], $0x400, s2, s30, $0x38;
	[tilespmem:$0x12C00] =	vst v63  }
0xf2: {  	s16 =	sadd.s32 $0x400, s1  }
0xf3: {  	[tilespmem:s14], [sflag:$0x4] =	stream.strided.gather [hbm4b:s16+s30], $0x400, s2, s30, $0x38;
	[tilespmem:$0x12C00] =	vst v63  }
0xf4: {  	s19 =	sadd.s32 $0x480, s1  }
0xf5: {  	[tilespmem:s10], [sflag:$0x4] =	stream.strided.gather [hbm4b:s19+s30], $0x400, s2, s30, $0x38;
	[tilespmem:$0x12C00] =	vst v63  }
0xf6: {  	s28 =	sadd.s32 $0x500, s1  }
0xf7: {  	[tilespmem:s20], [sflag:$0x4] =	stream.strided.gather [hbm4b:s28+s30], $0x400, s2, s30, $0x38;
	[tilespmem:$0x12C00] =	vst v63  }
0xf8: {  	s3 =	sadd.s32 $0x580, s1  }
0xf9: {  	[tilespmem:s21], [sflag:$0x4] =	stream.strided.gather [hbm4b:s3+s30], $0x400, s2, s30, $0x38;
	[tilespmem:$0x12C00] =	vst v63  }
0xfa: {  	s7 =	sadd.s32 $0x600, s1  }
0xfb: {  	[tilespmem:s22], [sflag:$0x4] =	stream.strided.gather [hbm4b:s7+s30], $0x400, s2, s30, $0x38;
	[tilespmem:$0x12C00] =	vst v63  }
0xfc: {  	s1 =	sadd.s32 $0x680, s1  }
0xfd: {  	[tilespmem:s23], [sflag:$0x4] =	stream.strided.gather [hbm4b:s1+s30], $0x400, s2, s30, $0x38;
	[tilespmem:$0x12C00] =	vst v63  }
0xfe: {  	_ =	swait.ge [sflag:s31], $0x3800  }
0xff: {  	s8 =	sand.u32 $0x70, s11;
	s12 =	sand.u32 $0x3C00, s11;
	[sflag:s31] =	ssyncset.done $0x0  }
0x100: {  	s5 =	sor.u32 s8, s12;
	[sflag:s31] =	ssyncadd.s32 $0xFFFFC800  }
0x101: {  	v6 =	vld [tilespmem:s5+$0xA000]  }
0x102: {  	v7 =	vld [tilespmem:s5+$0xA080]  }
0x103: {  	v8 =	vld [tilespmem:s5+$0xA100]  }
0x104: {  	v9 =	vld [tilespmem:s5+$0xA180]  }
0x105: {  	v10 =	vld [tilespmem:s5+$0xA200]  }
0x106: {  	v11 =	vld [tilespmem:s5+$0xA280]  }
0x107: {  	v12 =	vld [tilespmem:s5+$0xA300];
	v2 =	vmax.f32 v6, v7  }
0x108: {  	s1 =	simm.s32 $0x11700;
	v13 =	vld [tilespmem:s5+$0xA380];
	v2 =	vmax.f32 v2, v8  }
0x109: {  	v3 =	vld [tilespmem:s1+$0x0];
	v2 =	vmax.f32 v2, v9  }
0x10a: {  	v2 =	vmax.f32 v2, v10  }
0x10b: {  	v2 =	vmax.f32 v2, v11  }
0x10c: {  	v2 =	vmax.f32 v2, v12  }
0x10d: {  	v2 =	vmax.f32 v2, v13  }
0x10e: {  	v14 =	vmax.f32 v3, v2  }
0x10f: {  	v2 =	vsub.f32 v3, v14;
	_ =	sdelay $0x1  }
0x110: {  	v3 =	vsub.f32 v6, v14;
	v2 =	vmul.f32 $1.442695020e+00, v2;
	_ =	sdelay $0x1  }
0x111: {  	v4 =	vsub.f32 v7, v14;
	v3 =	vmul.f32 $1.442695020e+00, v3;
	(erf) = vpow2.f32 v2;
	_ =	sdelay $0x1  }
0x112: {  	v4 =	vmul.f32 $1.442695020e+00, v4;
	v2 =	vsub.f32 v8, v14;
	(erf) = vpow2.f32 v3  }
0x113: {  	s8 =	simm.s32 $0x11000  }
0x114: {  	s5 =	simm.s32 $0x11E00;
	v16 =	vld [tilespmem:s8+$0x0];
	v3 =	vsub.f32 v9, v14;
	v5 =	vmul.f32 $1.442695020e+00, v2;
	(erf) = vpow2.f32 v4  }
0x115: {  	v15 =	vld [tilespmem:s5+$0x0];
	v17 =	vsub.f32 v10, v14;
	v19 =	vsub.f32 v11, v14  }
0x116: {  	s8 =	simm.s32 $0x12500;
	v54 =	vsub.f32 v12, v14;
	v18 =	vmul.f32 $1.442695020e+00, v3;
	(erf) = vpow2.f32 v5  }
0x117: {  	s7 =	sshll.u32 s18, $0x4;
	v20 =	vld [tilespmem:s8+$0x0];
	v21 =	vsub.f32 v13, v14;
	v17 =	vmul.f32 $1.442695020e+00, v17;
	v19 =	vmul.f32 $1.442695020e+00, v19  }
0x118: {  	s12 =	sor.u32 $0x1, s7;
	v55 =	vmul.f32 $1.442695020e+00, v54;
	(erf) = vpow2.f32 v18  }
0x119: {  	v57 =	vmul.f32 $1.442695020e+00, v21;
	v2 =	vmov s7;
	v3 =	vmov s12;
	v22 =	vpop (erf)  }
0x11a: {  	s15 =	sor.u32 $0x2, s7;
	vm0 =	veq.s32 v16, v2;
	(erf) = vpow2.f32 v17;
	v15 =	vmul.f32 v22, v15  }
0x11b: {  	v4 =	vmov s15;
	vm1 =	veq.s32 v16, v3;
	v6 =	vnsel vm0, $0x0, v6;
	v56 =	vpop (erf)  }
0x11c: {  	s15 =	sor.u32 $0x3, s7;
	v6 =	vadd.f32 v6, v20;
	(erf) = vpow2.f32 v19;
	v15 =	vadd.f32 v15, v56  }
0x11d: {  	vm10 =	veq.s32 v16, v4;
	v5 =	vmov s15;
	v7 =	vnsel vm1, $0x0, v7;
	v58 =	vpop (erf)  }
0x11e: {  	v6 =	vadd.f32 v6, v7;
	(erf) = vpow2.f32 v55;
	v15 =	vadd.f32 v15, v58  }
0x11f: {  	vm11 =	veq.s32 v16, v5;
	v7 =	vnsel vm10, $0x0, v8;
	v8 =	vpop (erf)  }
0x120: {  	s16 =	sor.u32 $0x4, s7;
	v7 =	vadd.f32 v6, v7;
	(erf) = vpow2.f32 v57;
	v8 =	vadd.f32 v15, v8  }
0x121: {  	v9 =	vnsel vm11, $0x0, v9;
	v6 =	vmov s16;
	v59 =	vpop (erf)  }
0x122: {  	s19 =	sor.u32 $0x5, s7;
	vm12 =	veq.s32 v16, v6;
	v9 =	vadd.f32 v7, v9;
	v8 =	vadd.f32 v8, v59  }
0x123: {  	v7 =	vmov s19;
	v10 =	vnsel vm12, $0x0, v10;
	v60 =	vpop (erf)  }
0x124: {  	s28 =	sor.u32 $0x6, s7;
	vm13 =	veq.s32 v16, v7;
	v9 =	vadd.f32 v9, v10;
	v15 =	vadd.f32 v8, v60  }
0x125: {  	v10 =	vnsel vm13, $0x0, v11;
	v11 =	vpop (erf);
	v8 =	vmov s28  }
0x126: {  	s7 =	sor.u32 $0x7, s7;
	v10 =	vadd.f32 v9, v10;
	vm14 =	veq.s32 v16, v8;
	v11 =	vadd.f32 v15, v11  }
0x127: {  	v9 =	vmov s7;
	v61 =	vpop (erf);
	v12 =	vnsel vm14, $0x0, v12  }
0x128: {  	vm15 =	veq.s32 v16, v9;
	v10 =	vadd.f32 v10, v12;
	v11 =	vadd.f32 v11, v61  }
0x129: {  	s12 =	simm.s32 $0x11010;
	s15 =	simm.s32 $0x11E00;
	v62 =	vnsel vm15, $0x0, v13;
	v63 =	vpop (erf)  }
0x12a: {  	[tilespmem:s1+$0x0] =	vst v14;
	s16 =	simm.s32 $0x12510;
	s19 =	simm.s32 $0x0;
	s7 =	simm.s32 $0x10;
	v10 =	vadd.f32 v10, v62;
	v11 =	vadd.f32 v11, v63  }
.LBB2_11:
0x12b: {  	s19 =	sadd.s32 $0x80, s19;
	s1 =	sadd.s32 $0x10, s1;
	s5 =	sadd.s32 $0x10, s5  }
0x12c: {  	s28 =	sand.u32 $0x70, s7;
	p0 =	sne.s32 s7, $0x6F0;
	s3 =	sand.u32 $0x3C00, s19;
	[tilespmem:s15+$0x0] =	vst v11  }
0x12d: {  	s7 =	sadd.s32 $0x10, s7;
	s15 =	smov.u32 s5;
	s3 =	sor.u32 s28, s3;
	[tilespmem:s8+$0x0] =	vst v10  }
0x12e: {  	s8 =	smov.u32 s16;
	v10 =	vld [tilespmem:s3+$0xA100]  }
0x12f: {  	v11 =	vld [tilespmem:s3+$0xA000]  }
0x130: {  	v12 =	vld [tilespmem:s3+$0xA080]  }
0x131: {  	v13 =	vld [tilespmem:s3+$0xA180]  }
0x132: {  	v14 =	vld [tilespmem:s3+$0xA200]  }
0x133: {  	v15 =	vld [tilespmem:s3+$0xA280]  }
0x134: {  	v16 =	vld [tilespmem:s3+$0xA300]  }
0x135: {  	v17 =	vld [tilespmem:s3+$0xA380];
	v18 =	vmax.f32 v11, v12  }
0x136: {  	v18 =	vmax.f32 v18, v10;
	v19 =	vld [tilespmem:s1+$0x0]  }
0x137: {  	v18 =	vmax.f32 v18, v13  }
0x138: {  	v18 =	vmax.f32 v18, v14  }
0x139: {  	v18 =	vmax.f32 v18, v15  }
0x13a: {  	v18 =	vmax.f32 v18, v16  }
0x13b: {  	v18 =	vmax.f32 v18, v17  }
0x13c: {  	v18 =	vmax.f32 v19, v18  }
0x13d: {  	v19 =	vsub.f32 v19, v18;
	v20 =	vsub.f32 v11, v18  }
0x13e: {  	v21 =	vsub.f32 v12, v18;
	v22 =	vsub.f32 v10, v18  }
0x13f: {  	v23 =	vsub.f32 v13, v18;
	v19 =	vmul.f32 $1.442695020e+00, v19;
	v20 =	vmul.f32 $1.442695020e+00, v20  }
0x140: {  	v24 =	vsub.f32 v14, v18;
	v21 =	vmul.f32 $1.442695020e+00, v21;
	v22 =	vmul.f32 $1.442695020e+00, v22  }
0x141: {  	v25 =	vsub.f32 v15, v18;
	v23 =	vmul.f32 $1.442695020e+00, v23;
	(erf) = vpow2.f32 v19  }
0x142: {  	v19 =	vmul.f32 $1.442695020e+00, v24;
	v24 =	vsub.f32 v16, v18;
	(erf) = vpow2.f32 v20  }
0x143: {  	v20 =	vmul.f32 $1.442695020e+00, v25;
	v25 =	vsub.f32 v17, v18  }
0x144: {  	v24 =	vmul.f32 $1.442695020e+00, v24;
	v26 =	vld [tilespmem:s16+$0x0];
	(erf) = vpow2.f32 v21  }
0x145: {  	v25 =	vmul.f32 $1.442695020e+00, v25;
	v21 =	vld [tilespmem:s5+$0x0]  }
0x146: {  	v27 =	vld [tilespmem:s12+$0x0];
	(erf) = vpow2.f32 v22  }
0x147: {  	[tilespmem:s1+$0x0] =	vst v18  }
0x148: {  	(erf) = vpow2.f32 v23;
	_ =	sdelay $0x1  }
0x149: {  	v18 =	vpop (erf);
	(erf) = vpow2.f32 v19  }
0x14a: {  	v18 =	vmul.f32 v18, v21;
	vm0 =	veq.s32 v27, v2;
	vm1 =	veq.s32 v27, v3;
	v19 =	vpop (erf)  }
0x14b: {  	v11 =	vnsel vm0, $0x0, v11;
	v12 =	vnsel vm1, $0x0, v12;
	(erf) = vpow2.f32 v20  }
0x14c: {  	vm0 =	veq.s32 v27, v4;
	v18 =	vadd.f32 v18, v19;
	v11 =	vadd.f32 v11, v26;
	v19 =	vpop (erf)  }
0x14d: {  	v10 =	vnsel vm0, $0x0, v10;
	vm0 =	veq.s32 v27, v5;
	(erf) = vpow2.f32 v24  }
0x14e: {  	v18 =	vadd.f32 v18, v19;
	v11 =	vadd.f32 v11, v12;
	v12 =	vnsel vm0, $0x0, v13;
	v13 =	vpop (erf)  }
0x14f: {  	vm1 =	veq.s32 v27, v7;
	vm0 =	veq.s32 v27, v6;
	(erf) = vpow2.f32 v25  }
0x150: {  	v13 =	vadd.f32 v18, v13;
	v10 =	vadd.f32 v11, v10;
	v11 =	vnsel vm0, $0x0, v14;
	v14 =	vpop (erf)  }
0x151: {  	v15 =	vnsel vm1, $0x0, v15;
	vm1 =	veq.s32 v27, v9;
	vm0 =	veq.s32 v27, v8  }
0x152: {  	v13 =	vadd.f32 v13, v14;
	v10 =	vadd.f32 v10, v12;
	v12 =	vnsel vm0, $0x0, v16;
	v14 =	vpop (erf)  }
0x153: {  	v16 =	vnsel vm1, $0x0, v17  }
0x154: {  	v14 =	vadd.f32 v13, v14;
	v10 =	vadd.f32 v10, v11;
	v11 =	vpop (erf);
	_ =	sdelay $0x1  }
.Ltmp4:
0x155: {  	v11 =	vadd.f32 v14, v11;
	v10 =	vadd.f32 v10, v15;
	v13 =	vpop (erf);
	(pc) =	sbr.rel @p0 .LBB2_11-.Ltmp4, $3  }
0x156: {  	_ = 	snop  }
0x157: {  	v11 =	vadd.f32 v11, v13;
	v10 =	vadd.f32 v10, v12;
	v12 =	vpop (erf);
	_ =	sdelay $0x1  }
0x158: {  	s16 =	sadd.s32 $0x10, s16;
	s12 =	sadd.s32 $0x10, s12;
	v11 =	vadd.f32 v11, v12;
	v10 =	vadd.f32 v10, v16  }
0x159: {  	p0 =	seq.s32 s18, $0x7  }
0x15a: {  	s1 =	smul.u32 @!p0 $0x240000, s18  }
0x15b: {  	s3 =	rddreg [dreg:$0xb]  }
0x15c: {  	s1 =	sadd.s32 @!p0 s3, s1  }
0x15d: {  	[tilespmem:s15+$0x0] =	vst v11;
	s5 =	simm.s32 @!p0 $0x24000;
	s1 =	sshrl.u32 @!p0 s1, $0x3  }
0x15e: {  	s7 =	simm.s32 @!p0 $0xA000;
	[tilespmem:s8+$0x0] =	vst v10;
	s3 =	simm.s32 @!p0 $0x80;
	s1 =	sadd.s32 @!p0 s4, s1  }
0x15f: {  	[tilespmem:s7], [sflag:$0x3] =	stream.strided.gather @!p0 [hbm4b:s1+s3], $0x400, s5, s3, $0x38;
	[tilespmem:$0x12C00] =	vst v63  }
0x160: {  	s8 =	simm.s32 @!p0 $0xA400;
	s7 =	sadd.s32 @!p0 $0x80, s1  }
0x161: {  	[tilespmem:s8], [sflag:$0x3] =	stream.strided.gather @!p0 [hbm4b:s7+s3], $0x400, s5, s3, $0x38;
	[tilespmem:$0x12C00] =	vst v63  }
0x162: {  	s7 =	sadd.s32 @!p0 $0x100, s1;
	s8 =	simm.s32 @!p0 $0xA800  }
0x163: {  	[tilespmem:s8], [sflag:$0x3] =	stream.strided.gather @!p0 [hbm4b:s7+s3], $0x400, s5, s3, $0x38;
	[tilespmem:$0x12C00] =	vst v63  }
0x164: {  	s7 =	sadd.s32 @!p0 $0x180, s1;
	s8 =	simm.s32 @!p0 $0xAC00  }
0x165: {  	[tilespmem:s8], [sflag:$0x3] =	stream.strided.gather @!p0 [hbm4b:s7+s3], $0x400, s5, s3, $0x38;
	[tilespmem:$0x12C00] =	vst v63  }
0x166: {  	s7 =	sadd.s32 @!p0 $0x200, s1;
	s8 =	simm.s32 @!p0 $0xB000  }
0x167: {  	[tilespmem:s8], [sflag:$0x3] =	stream.strided.gather @!p0 [hbm4b:s7+s3], $0x400, s5, s3, $0x38;
	[tilespmem:$0x12C00] =	vst v63  }
0x168: {  	s7 =	sadd.s32 @!p0 $0x280, s1;
	s8 =	simm.s32 @!p0 $0xB400  }
0x169: {  	[tilespmem:s8], [sflag:$0x3] =	stream.strided.gather @!p0 [hbm4b:s7+s3], $0x400, s5, s3, $0x38;
	[tilespmem:$0x12C00] =	vst v63  }
0x16a: {  	s7 =	sadd.s32 @!p0 $0x300, s1;
	s8 =	simm.s32 @!p0 $0xB800  }
0x16b: {  	[tilespmem:s8], [sflag:$0x3] =	stream.strided.gather @!p0 [hbm4b:s7+s3], $0x400, s5, s3, $0x38;
	[tilespmem:$0x12C00] =	vst v63  }
0x16c: {  	s7 =	sadd.s32 @!p0 $0x380, s1;
	s8 =	simm.s32 @!p0 $0xBC00  }
0x16d: {  	[tilespmem:s8], [sflag:$0x3] =	stream.strided.gather @!p0 [hbm4b:s7+s3], $0x400, s5, s3, $0x38;
	[tilespmem:$0x12C00] =	vst v63  }
0x16e: {  	s7 =	sadd.s32 @!p0 $0x400, s1;
	s8 =	simm.s32 @!p0 $0xC000  }
0x16f: {  	[tilespmem:s8], [sflag:$0x3] =	stream.strided.gather @!p0 [hbm4b:s7+s3], $0x400, s5, s3, $0x38;
	[tilespmem:$0x12C00] =	vst v63  }
0x170: {  	s7 =	sadd.s32 @!p0 $0x480, s1;
	s8 =	simm.s32 @!p0 $0xC400  }
0x171: {  	[tilespmem:s8], [sflag:$0x3] =	stream.strided.gather @!p0 [hbm4b:s7+s3], $0x400, s5, s3, $0x38;
	[tilespmem:$0x12C00] =	vst v63  }
0x172: {  	s7 =	sadd.s32 @!p0 $0x500, s1;
	s8 =	simm.s32 @!p0 $0xC800  }
0x173: {  	[tilespmem:s8], [sflag:$0x3] =	stream.strided.gather @!p0 [hbm4b:s7+s3], $0x400, s5, s3, $0x38;
	[tilespmem:$0x12C00] =	vst v63  }
0x174: {  	s7 =	sadd.s32 @!p0 $0x580, s1;
	s8 =	simm.s32 @!p0 $0xCC00  }
0x175: {  	[tilespmem:s8], [sflag:$0x3] =	stream.strided.gather @!p0 [hbm4b:s7+s3], $0x400, s5, s3, $0x38;
	[tilespmem:$0x12C00] =	vst v63  }
0x176: {  	s7 =	sadd.s32 @!p0 $0x600, s1;
	s8 =	simm.s32 @!p0 $0xD000  }
0x177: {  	[tilespmem:s8], [sflag:$0x3] =	stream.strided.gather @!p0 [hbm4b:s7+s3], $0x400, s5, s3, $0x38;
	[tilespmem:$0x12C00] =	vst v63  }
0x178: {  	s1 =	sadd.s32 @!p0 $0x680, s1;
	s7 =	simm.s32 @!p0 $0xD400  }
0x179: {  	[tilespmem:s7], [sflag:$0x3] =	stream.strided.gather @!p0 [hbm4b:s1+s3], $0x400, s5, s3, $0x38;
	[tilespmem:$0x12C00] =	vst v63  }
0x17a: {  	s1 =	simm.s32 $0x0;
	_ =	swait.ge [sflag:s29], $0x3800  }
0x17b: {  	s15 =	sand.u32 $0x70, s1;
	s16 =	sand.u32 $0x3C00, s1;
	[sflag:s29] =	ssyncset.done $0x0  }
0x17c: {  	s3 =	sor.u32 s15, s16;
	[sflag:s29] =	ssyncadd.s32 $0xFFFFC800  }
0x17d: {  	v6 =	vld [tilespmem:s3+$0xD800]  }
0x17e: {  	v7 =	vld [tilespmem:s3+$0xD880]  }
0x17f: {  	v8 =	vld [tilespmem:s3+$0xD900]  }
0x180: {  	v9 =	vld [tilespmem:s3+$0xD980]  }
0x181: {  	v10 =	vld [tilespmem:s3+$0xDA00]  }
0x182: {  	v11 =	vld [tilespmem:s3+$0xDA80]  }
0x183: {  	v12 =	vld [tilespmem:s3+$0xDB00];
	v2 =	vmax.f32 v6, v7  }
0x184: {  	s5 =	simm.s32 $0x11700;
	v13 =	vld [tilespmem:s3+$0xDB80];
	v2 =	vmax.f32 v2, v8  }
0x185: {  	v3 =	vld [tilespmem:s5+$0x0];
	v2 =	vmax.f32 v2, v9  }
0x186: {  	v2 =	vmax.f32 v2, v10  }
0x187: {  	v2 =	vmax.f32 v2, v11  }
0x188: {  	v2 =	vmax.f32 v2, v12  }
0x189: {  	v2 =	vmax.f32 v2, v13  }
0x18a: {  	v14 =	vmax.f32 v3, v2  }
0x18b: {  	v2 =	vsub.f32 v3, v14;
	_ =	sdelay $0x1  }
0x18c: {  	v3 =	vsub.f32 v6, v14;
	v2 =	vmul.f32 $1.442695020e+00, v2;
	_ =	sdelay $0x1  }
0x18d: {  	v4 =	vsub.f32 v7, v14;
	v3 =	vmul.f32 $1.442695020e+00, v3;
	(erf) = vpow2.f32 v2;
	_ =	sdelay $0x1  }
0x18e: {  	v4 =	vmul.f32 $1.442695020e+00, v4;
	v2 =	vsub.f32 v8, v14;
	(erf) = vpow2.f32 v3  }
0x18f: {  	s8 =	simm.s32 $0x11E00  }
0x190: {  	s19 =	simm.s32 $0x11000;
	v15 =	vld [tilespmem:s8+$0x0];
	v3 =	vsub.f32 v9, v14;
	v5 =	vmul.f32 $1.442695020e+00, v2;
	(erf) = vpow2.f32 v4  }
0x191: {  	v16 =	vld [tilespmem:s19+$0x0];
	v17 =	vsub.f32 v10, v14;
	v19 =	vsub.f32 v11, v14  }
0x192: {  	s7 =	simm.s32 $0x12500;
	v54 =	vsub.f32 v12, v14;
	v18 =	vmul.f32 $1.442695020e+00, v3;
	(erf) = vpow2.f32 v5  }
0x193: {  	s3 =	sshll.u32 s24, $0x3;
	v20 =	vld [tilespmem:s7+$0x0];
	v21 =	vsub.f32 v13, v14;
	v17 =	vmul.f32 $1.442695020e+00, v17;
	v19 =	vmul.f32 $1.442695020e+00, v19  }
0x194: {  	s12 =	sor.u32 $0x1, s3;
	v55 =	vmul.f32 $1.442695020e+00, v54;
	(erf) = vpow2.f32 v18  }
0x195: {  	v57 =	vmul.f32 $1.442695020e+00, v21;
	v2 =	vmov s3;
	v3 =	vmov s12;
	v22 =	vpop (erf)  }
0x196: {  	s28 =	sor.u32 $0x2, s3;
	vm0 =	veq.s32 v16, v2;
	(erf) = vpow2.f32 v17;
	v15 =	vmul.f32 v22, v15  }
0x197: {  	v4 =	vmov s28;
	vm1 =	veq.s32 v16, v3;
	v6 =	vnsel vm0, $0x0, v6;
	v56 =	vpop (erf)  }
0x198: {  	s15 =	sor.u32 $0x3, s3;
	v6 =	vadd.f32 v6, v20;
	(erf) = vpow2.f32 v19;
	v15 =	vadd.f32 v15, v56  }
0x199: {  	vm10 =	veq.s32 v16, v4;
	v5 =	vmov s15;
	v7 =	vnsel vm1, $0x0, v7;
	v58 =	vpop (erf)  }
0x19a: {  	v6 =	vadd.f32 v6, v7;
	(erf) = vpow2.f32 v55;
	v15 =	vadd.f32 v15, v58  }
0x19b: {  	vm11 =	veq.s32 v16, v5;
	v7 =	vnsel vm10, $0x0, v8;
	v8 =	vpop (erf)  }
0x19c: {  	s16 =	sor.u32 $0x4, s3;
	v7 =	vadd.f32 v6, v7;
	(erf) = vpow2.f32 v57;
	v8 =	vadd.f32 v15, v8  }
0x19d: {  	v9 =	vnsel vm11, $0x0, v9;
	v6 =	vmov s16;
	v59 =	vpop (erf)  }
0x19e: {  	s19 =	sor.u32 $0x5, s3;
	vm12 =	veq.s32 v16, v6;
	v9 =	vadd.f32 v7, v9;
	v8 =	vadd.f32 v8, v59  }
0x19f: {  	v7 =	vmov s19;
	v10 =	vnsel vm12, $0x0, v10;
	v60 =	vpop (erf)  }
0x1a0: {  	s3 =	sor.u32 $0x6, s3;
	vm13 =	veq.s32 v16, v7;
	v9 =	vadd.f32 v9, v10;
	v15 =	vadd.f32 v8, v60  }
0x1a1: {  	v10 =	vnsel vm13, $0x0, v11;
	v11 =	vpop (erf);
	v8 =	vmov s3  }
0x1a2: {  	s28 =	sshllo.u32 s24, $0x3;
	v10 =	vadd.f32 v9, v10;
	vm14 =	veq.s32 v16, v8;
	v11 =	vadd.f32 v15, v11  }
0x1a3: {  	v9 =	vmov s28;
	v61 =	vpop (erf);
	v12 =	vnsel vm14, $0x0, v12  }
0x1a4: {  	vm15 =	veq.s32 v16, v9;
	v10 =	vadd.f32 v10, v12;
	v11 =	vadd.f32 v11, v61  }
0x1a5: {  	s24 =	simm.s32 $0x10;
	v62 =	vnsel vm15, $0x0, v13;
	v63 =	vpop (erf)  }
0x1a6: {  	[tilespmem:s5+$0x0] =	vst v14;
	s12 =	simm.s32 $0x11010;
	s15 =	simm.s32 $0x11E00;
	s16 =	simm.s32 $0x12510;
	v10 =	vadd.f32 v10, v62;
	v11 =	vadd.f32 v11, v63  }
.LBB2_13:
0x1a7: {  	s1 =	sadd.s32 $0x80, s1;
	s5 =	sadd.s32 $0x10, s5;
	s8 =	sadd.s32 $0x10, s8  }
0x1a8: {  	s3 =	sand.u32 $0x70, s24;
	p0 =	sne.s32 s24, $0x6F0;
	s19 =	sand.u32 $0x3C00, s1;
	[tilespmem:s15+$0x0] =	vst v11  }
0x1a9: {  	s24 =	sadd.s32 $0x10, s24;
	s15 =	smov.u32 s8;
	s3 =	sor.u32 s3, s19;
	[tilespmem:s7+$0x0] =	vst v10  }
0x1aa: {  	s7 =	smov.u32 s16;
	v10 =	vld [tilespmem:s3+$0xD900]  }
0x1ab: {  	v11 =	vld [tilespmem:s3+$0xD800]  }
0x1ac: {  	v12 =	vld [tilespmem:s3+$0xD880]  }
0x1ad: {  	v13 =	vld [tilespmem:s3+$0xD980]  }
0x1ae: {  	v14 =	vld [tilespmem:s3+$0xDA00]  }
0x1af: {  	v15 =	vld [tilespmem:s3+$0xDA80]  }
0x1b0: {  	v16 =	vld [tilespmem:s3+$0xDB00]  }
0x1b1: {  	v17 =	vld [tilespmem:s3+$0xDB80];
	v18 =	vmax.f32 v11, v12  }
0x1b2: {  	v18 =	vmax.f32 v18, v10;
	v19 =	vld [tilespmem:s5+$0x0]  }
0x1b3: {  	v18 =	vmax.f32 v18, v13  }
0x1b4: {  	v18 =	vmax.f32 v18, v14  }
0x1b5: {  	v18 =	vmax.f32 v18, v15  }
0x1b6: {  	v18 =	vmax.f32 v18, v16  }
0x1b7: {  	v18 =	vmax.f32 v18, v17  }
0x1b8: {  	v18 =	vmax.f32 v19, v18  }
0x1b9: {  	v19 =	vsub.f32 v19, v18;
	v20 =	vsub.f32 v11, v18  }
0x1ba: {  	v21 =	vsub.f32 v12, v18;
	v22 =	vsub.f32 v10, v18  }
0x1bb: {  	v23 =	vsub.f32 v13, v18;
	v19 =	vmul.f32 $1.442695020e+00, v19;
	v20 =	vmul.f32 $1.442695020e+00, v20  }
0x1bc: {  	v24 =	vsub.f32 v14, v18;
	v21 =	vmul.f32 $1.442695020e+00, v21;
	v22 =	vmul.f32 $1.442695020e+00, v22  }
0x1bd: {  	v25 =	vsub.f32 v15, v18;
	v23 =	vmul.f32 $1.442695020e+00, v23;
	(erf) = vpow2.f32 v19  }
0x1be: {  	v19 =	vmul.f32 $1.442695020e+00, v24;
	v24 =	vsub.f32 v16, v18;
	(erf) = vpow2.f32 v20  }
0x1bf: {  	v20 =	vmul.f32 $1.442695020e+00, v25;
	v25 =	vsub.f32 v17, v18  }
0x1c0: {  	v24 =	vmul.f32 $1.442695020e+00, v24;
	v26 =	vld [tilespmem:s16+$0x0];
	(erf) = vpow2.f32 v21  }
0x1c1: {  	v25 =	vmul.f32 $1.442695020e+00, v25;
	v21 =	vld [tilespmem:s8+$0x0]  }
0x1c2: {  	v27 =	vld [tilespmem:s12+$0x0];
	(erf) = vpow2.f32 v22  }
0x1c3: {  	[tilespmem:s5+$0x0] =	vst v18  }
0x1c4: {  	(erf) = vpow2.f32 v23;
	_ =	sdelay $0x1  }
0x1c5: {  	v18 =	vpop (erf);
	(erf) = vpow2.f32 v19  }
0x1c6: {  	v18 =	vmul.f32 v18, v21;
	vm0 =	veq.s32 v27, v2;
	vm1 =	veq.s32 v27, v3;
	v19 =	vpop (erf)  }
0x1c7: {  	v11 =	vnsel vm0, $0x0, v11;
	v12 =	vnsel vm1, $0x0, v12;
	(erf) = vpow2.f32 v20  }
0x1c8: {  	vm0 =	veq.s32 v27, v4;
	v18 =	vadd.f32 v18, v19;
	v11 =	vadd.f32 v11, v26;
	v19 =	vpop (erf)  }
0x1c9: {  	v10 =	vnsel vm0, $0x0, v10;
	vm0 =	veq.s32 v27, v5;
	(erf) = vpow2.f32 v24  }
0x1ca: {  	v18 =	vadd.f32 v18, v19;
	v11 =	vadd.f32 v11, v12;
	v12 =	vnsel vm0, $0x0, v13;
	v13 =	vpop (erf)  }
0x1cb: {  	vm1 =	veq.s32 v27, v7;
	vm0 =	veq.s32 v27, v6;
	(erf) = vpow2.f32 v25  }
0x1cc: {  	v13 =	vadd.f32 v18, v13;
	v10 =	vadd.f32 v11, v10;
	v11 =	vnsel vm0, $0x0, v14;
	v14 =	vpop (erf)  }
0x1cd: {  	v15 =	vnsel vm1, $0x0, v15;
	vm1 =	veq.s32 v27, v9;
	vm0 =	veq.s32 v27, v8  }
0x1ce: {  	v13 =	vadd.f32 v13, v14;
	v10 =	vadd.f32 v10, v12;
	v12 =	vnsel vm0, $0x0, v16;
	v14 =	vpop (erf)  }
0x1cf: {  	v16 =	vnsel vm1, $0x0, v17  }
0x1d0: {  	v14 =	vadd.f32 v13, v14;
	v10 =	vadd.f32 v10, v11;
	v11 =	vpop (erf);
	_ =	sdelay $0x1  }
.Ltmp5:
0x1d1: {  	v11 =	vadd.f32 v14, v11;
	v10 =	vadd.f32 v10, v15;
	v13 =	vpop (erf);
	(pc) =	sbr.rel @p0 .LBB2_13-.Ltmp5, $3  }
0x1d2: {  	_ = 	snop  }
0x1d3: {  	v11 =	vadd.f32 v11, v13;
	v10 =	vadd.f32 v10, v12;
	v12 =	vpop (erf);
	_ =	sdelay $0x1  }
0x1d4: {  	s16 =	sadd.s32 $0x10, s16;
	s12 =	sadd.s32 $0x10, s12;
	v11 =	vadd.f32 v11, v12;
	v10 =	vadd.f32 v10, v16  }
0x1d5: {  	s18 =	sadd.s32 $0x1, s18  }
0x1d6: {  	p0 =	sne.s32 s18, $0x8  }
.Ltmp6:
0x1d7: {  	_ = 	snop;
	(pc) =	sbr.rel @p0 .LBB2_10-.Ltmp6, $3  }
0x1d8: {  	_ =	sdelay $0x1  }
0x1d9: {  	[tilespmem:s15+$0x0] =	vst v11  }
0x1da: {  	[tilespmem:s7+$0x0] =	vst v10  }
0x1db: {  	s1 =	rddreg [dreg:$0xc]  }
0x1dc: {  	s5 =	simm.s32 $0x400;
	s3 =	simm.s32 $0x11700;
	s15 =	simm.s32 $0x5  }
0x1dd: {  	[hbm4b:s1+s30] =	stream.strided.scatter [tilespmem:s3], [sflag:$0x5], $0x700, s5, s30, $0x38;
	[tilespmem:$0x12C00] =	vst v63  }
0x1de: {  	_ =	swait.ge [sflag:s15], $0x700  }
0x1df: {  	[sflag:s15] =	ssyncset.done $0x0  }
0x1e0: {  	s7 =	simm.s32 $0x11E00;
	s16 =	rddreg [dreg:$0xd];
	[sflag:s15] =	ssyncadd.s32 $0xFFFFF900  }
0x1e1: {  	[hbm4b:s16+s30] =	stream.strided.scatter [tilespmem:s7], [sflag:$0x5], $0x700, s5, s30, $0x38;
	[tilespmem:$0x12C00] =	vst v63  }
0x1e2: {  	_ =	swait.ge [sflag:s15], $0x700  }
0x1e3: {  	[sflag:s15] =	ssyncset.done $0x0  }
0x1e4: {  	s19 =	simm.s32 $0x12500;
	s18 =	rddreg [dreg:$0xe];
	[sflag:s15] =	ssyncadd.s32 $0xFFFFF900  }
0x1e5: {  	[hbm4b:s18+s30] =	stream.strided.scatter [tilespmem:s19], [sflag:$0x5], $0x700, s5, s30, $0x38;
	[tilespmem:$0x12C00] =	vst v63  }
0x1e6: {  	_ =	swait.ge [sflag:s15], $0x700  }
0x1e7: {  	[sflag:s15] =	ssyncset.done $0x0  }
0x1e8: {  	s28 =	simm.s32 $0x11000;
	s24 =	rddreg [dreg:$0x10];
	[sflag:s15] =	ssyncadd.s32 $0xFFFFF900  }
0x1e9: {  	[tilespmem:s28], [sflag:$0x5] =	stream.strided.gather [hbm4b:s24+s30], $0x700, s5, s30, $0x38;
	[tilespmem:$0x12C00] =	vst v63  }
0x1ea: {  	_ =	swait.ge [sflag:s15], $0x700  }
0x1eb: {  	[sflag:s15] =	ssyncset.done $0x0  }
0x1ec: {  	s1 =	simm.s32 $0x40;
	s5 =	simm.s32 $0x0;
	[sflag:s15] =	ssyncadd.s32 $0xFFFFF900  }
.LBB2_16:
0x1ed: {  	p0 =	sne.s32 s1, $0x1BC0;
	[tilespmem:s5+$0x12500] =	vst v1;
	s3 =	smov.u32 s1;
	s1 =	sadd.s32 $0x40, s1  }
.Ltmp7:
0x1ee: {  	[tilespmem:s5+$0x11700] =	vst v0;
	(pc) =	sbr.rel @p0 .LBB2_16-.Ltmp7, $2  }
0x1ef: {  	[tilespmem:s5+$0x11E00] =	vst v1;
	_ =	sdelay $0x2  }
0x1f0: {  	s5 =	sshra.s32 s3, $0x2  }
0x1f1: {  	[tilespmem:s5+$0x12500] =	vst v1  }
0x1f2: {  	[tilespmem:s5+$0x11700] =	vst v0  }
0x1f3: {  	[tilespmem:s5+$0x11E00] =	vst v1;
	s3 =	rddreg [dreg:$0x11];
	s1 =	simm.s32 $0xA000  }
0x1f4: {  	[tilespmem:s1], [sflag:$0x3] =	stream.strided.gather [hbm4b:s3+s30], $0x400, s2, s30, $0x38;
	[tilespmem:$0x12C00] =	vst v63  }
0x1f5: {  	s16 =	simm.s32 $0xA400;
	s15 =	sadd.s32 $0x80, s3  }
0x1f6: {  	[tilespmem:s16], [sflag:$0x3] =	stream.strided.gather [hbm4b:s15+s30], $0x400, s2, s30, $0x38;
	[tilespmem:$0x12C00] =	vst v63  }
0x1f7: {  	s19 =	simm.s32 $0xA800;
	s18 =	sadd.s32 $0x100, s3  }
0x1f8: {  	[tilespmem:s19], [sflag:$0x3] =	stream.strided.gather [hbm4b:s18+s30], $0x400, s2, s30, $0x38;
	[tilespmem:$0x12C00] =	vst v63  }
0x1f9: {  	s28 =	simm.s32 $0xAC00;
	s24 =	sadd.s32 $0x180, s3  }
0x1fa: {  	[tilespmem:s28], [sflag:$0x3] =	stream.strided.gather [hbm4b:s24+s30], $0x400, s2, s30, $0x38;
	[tilespmem:$0x12C00] =	vst v63  }
0x1fb: {  	s8 =	simm.s32 $0xB000;
	s7 =	sadd.s32 $0x200, s3  }
0x1fc: {  	[tilespmem:s8], [sflag:$0x3] =	stream.strided.gather [hbm4b:s7+s30], $0x400, s2, s30, $0x38;
	[tilespmem:$0x12C00] =	vst v63  }
0x1fd: {  	s12 =	simm.s32 $0xB400;
	s11 =	sadd.s32 $0x280, s3  }
0x1fe: {  	[tilespmem:s12], [sflag:$0x3] =	stream.strided.gather [hbm4b:s11+s30], $0x400, s2, s30, $0x38;
	[tilespmem:$0x12C00] =	vst v63  }
0x1ff: {  	s15 =	sadd.s32 $0x300, s3;
	s16 =	simm.s32 $0xB800  }
0x200: {  	[tilespmem:s16], [sflag:$0x3] =	stream.strided.gather [hbm4b:s15+s30], $0x400, s2, s30, $0x38;
	[tilespmem:$0x12C00] =	vst v63  }
0x201: {  	s18 =	sadd.s32 $0x380, s3;
	s19 =	simm.s32 $0xBC00  }
0x202: {  	[tilespmem:s19], [sflag:$0x3] =	stream.strided.gather [hbm4b:s18+s30], $0x400, s2, s30, $0x38;
	[tilespmem:$0x12C00] =	vst v63  }
0x203: {  	s24 =	sadd.s32 $0x400, s3;
	s28 =	simm.s32 $0xC000  }
0x204: {  	[tilespmem:s28], [sflag:$0x3] =	stream.strided.gather [hbm4b:s24+s30], $0x400, s2, s30, $0x38;
	[tilespmem:$0x12C00] =	vst v63  }
0x205: {  	s7 =	sadd.s32 $0x480, s3;
	s8 =	simm.s32 $0xC400  }
0x206: {  	[tilespmem:s8], [sflag:$0x3] =	stream.strided.gather [hbm4b:s7+s30], $0x400, s2, s30, $0x38;
	[tilespmem:$0x12C00] =	vst v63  }
0x207: {  	s11 =	sadd.s32 $0x500, s3;
	s12 =	simm.s32 $0xC800  }
0x208: {  	[tilespmem:s12], [sflag:$0x3] =	stream.strided.gather [hbm4b:s11+s30], $0x400, s2, s30, $0x38;
	[tilespmem:$0x12C00] =	vst v63  }
0x209: {  	s15 =	sadd.s32 $0x580, s3;
	s16 =	simm.s32 $0xCC00  }
0x20a: {  	[tilespmem:s16], [sflag:$0x3] =	stream.strided.gather [hbm4b:s15+s30], $0x400, s2, s30, $0x38;
	[tilespmem:$0x12C00] =	vst v63  }
0x20b: {  	s18 =	sadd.s32 $0x600, s3;
	s19 =	simm.s32 $0xD000;
	s24 =	sadd.s32 $0x680, s3  }
0x20c: {  	[tilespmem:s19], [sflag:$0x3] =	stream.strided.gather [hbm4b:s18+s30], $0x400, s2, s30, $0x38;
	[tilespmem:$0x12C00] =	vst v63  }
0x20d: {  	s28 =	simm.s32 $0xD400;
	s11 =	simm.s32 $0x0;
	s18 =	simm.s32 $0x0  }
0x20e: {  	[tilespmem:s28], [sflag:$0x3] =	stream.strided.gather [hbm4b:s24+s30], $0x400, s2, s30, $0x38;
	[tilespmem:$0x12C00] =	vst v63  }
.LBB2_18:
0x20f: {  	s24 =	sshllo.u32 s18, $0x1  }
0x210: {  	s1 =	smul.u32 $0x120000, s24  }
0x211: {  	s3 =	rddreg [dreg:$0xf]  }
0x212: {  	s1 =	sadd.s32 s1, s3  }
0x213: {  	s1 =	sshrl.u32 s1, $0x3  }
0x214: {  	s19 =	simm.s32 $0xD800;
	s1 =	sadd.s32 s4, s1  }
0x215: {  	[tilespmem:s19], [sflag:$0x4] =	stream.strided.gather [hbm4b:s1+s30], $0x400, s2, s30, $0x38;
	[tilespmem:$0x12C00] =	vst v63  }
0x216: {  	s5 =	simm.s32 $0xDC00;
	s28 =	sadd.s32 $0x80, s1  }
0x217: {  	[tilespmem:s5], [sflag:$0x4] =	stream.strided.gather [hbm4b:s28+s30], $0x400, s2, s30, $0x38;
	[tilespmem:$0x12C00] =	vst v63  }
0x218: {  	s7 =	simm.s32 $0xE000;
	s5 =	sadd.s32 $0x100, s1  }
0x219: {  	[tilespmem:s7], [sflag:$0x4] =	stream.strided.gather [hbm4b:s5+s30], $0x400, s2, s30, $0x38;
	[tilespmem:$0x12C00] =	vst v63  }
0x21a: {  	s8 =	sadd.s32 $0x180, s1  }
0x21b: {  	[tilespmem:s6], [sflag:$0x4] =	stream.strided.gather [hbm4b:s8+s30], $0x400, s2, s30, $0x38;
	[tilespmem:$0x12C00] =	vst v63  }
0x21c: {  	s12 =	sadd.s32 $0x200, s1  }
0x21d: {  	[tilespmem:s9], [sflag:$0x4] =	stream.strided.gather [hbm4b:s12+s30], $0x400, s2, s30, $0x38;
	[tilespmem:$0x12C00] =	vst v63  }
0x21e: {  	s15 =	sadd.s32 $0x280, s1  }
0x21f: {  	[tilespmem:s13], [sflag:$0x4] =	stream.strided.gather [hbm4b:s15+s30], $0x400, s2, s30, $0x38;
	[tilespmem:$0x12C00] =	vst v63  }
0x220: {  	s16 =	sadd.s32 $0x300, s1  }
0x221: {  	[tilespmem:s0], [sflag:$0x4] =	stream.strided.gather [hbm4b:s16+s30], $0x400, s2, s30, $0x38;
	[tilespmem:$0x12C00] =	vst v63  }
0x222: {  	s19 =	sadd.s32 $0x380, s1  }
0x223: {  	[tilespmem:s17], [sflag:$0x4] =	stream.strided.gather [hbm4b:s19+s30], $0x400, s2, s30, $0x38;
	[tilespmem:$0x12C00] =	vst v63  }
0x224: {  	s28 =	sadd.s32 $0x400, s1  }
0x225: {  	[tilespmem:s14], [sflag:$0x4] =	stream.strided.gather [hbm4b:s28+s30], $0x400, s2, s30, $0x38;
	[tilespmem:$0x12C00] =	vst v63  }
0x226: {  	s5 =	sadd.s32 $0x480, s1  }
0x227: {  	[tilespmem:s10], [sflag:$0x4] =	stream.strided.gather [hbm4b:s5+s30], $0x400, s2, s30, $0x38;
	[tilespmem:$0x12C00] =	vst v63  }
0x228: {  	s7 =	sadd.s32 $0x500, s1  }
0x229: {  	[tilespmem:s20], [sflag:$0x4] =	stream.strided.gather [hbm4b:s7+s30], $0x400, s2, s30, $0x38;
	[tilespmem:$0x12C00] =	vst v63  }
0x22a: {  	s8 =	sadd.s32 $0x580, s1  }
0x22b: {  	[tilespmem:s21], [sflag:$0x4] =	stream.strided.gather [hbm4b:s8+s30], $0x400, s2, s30, $0x38;
	[tilespmem:$0x12C00] =	vst v63  }
0x22c: {  	s12 =	sadd.s32 $0x600, s1  }
0x22d: {  	[tilespmem:s22], [sflag:$0x4] =	stream.strided.gather [hbm4b:s12+s30], $0x400, s2, s30, $0x38;
	[tilespmem:$0x12C00] =	vst v63  }
0x22e: {  	s1 =	sadd.s32 $0x680, s1  }
0x22f: {  	[tilespmem:s23], [sflag:$0x4] =	stream.strided.gather [hbm4b:s1+s30], $0x400, s2, s30, $0x38;
	[tilespmem:$0x12C00] =	vst v63  }
0x230: {  	_ =	swait.ge [sflag:s31], $0x3800  }
0x231: {  	s15 =	sand.u32 $0x70, s11;
	s16 =	sand.u32 $0x3C00, s11;
	[sflag:s31] =	ssyncset.done $0x0  }
0x232: {  	s3 =	sor.u32 s15, s16;
	[sflag:s31] =	ssyncadd.s32 $0xFFFFC800  }
0x233: {  	v6 =	vld [tilespmem:s3+$0xA000]  }
0x234: {  	v7 =	vld [tilespmem:s3+$0xA080]  }
0x235: {  	v8 =	vld [tilespmem:s3+$0xA100]  }
0x236: {  	v9 =	vld [tilespmem:s3+$0xA180]  }
0x237: {  	v10 =	vld [tilespmem:s3+$0xA200]  }
0x238: {  	v11 =	vld [tilespmem:s3+$0xA280]  }
0x239: {  	v12 =	vld [tilespmem:s3+$0xA300];
	v2 =	vmax.f32 v6, v7  }
0x23a: {  	s1 =	simm.s32 $0x11700;
	v13 =	vld [tilespmem:s3+$0xA380];
	v2 =	vmax.f32 v2, v8  }
0x23b: {  	v3 =	vld [tilespmem:s1+$0x0];
	v2 =	vmax.f32 v2, v9  }
0x23c: {  	v2 =	vmax.f32 v2, v10  }
0x23d: {  	v2 =	vmax.f32 v2, v11  }
0x23e: {  	v2 =	vmax.f32 v2, v12  }
0x23f: {  	v2 =	vmax.f32 v2, v13  }
0x240: {  	v14 =	vmax.f32 v3, v2  }
0x241: {  	v2 =	vsub.f32 v3, v14;
	_ =	sdelay $0x1  }
0x242: {  	v3 =	vsub.f32 v6, v14;
	v2 =	vmul.f32 $1.442695020e+00, v2;
	_ =	sdelay $0x1  }
0x243: {  	v4 =	vsub.f32 v7, v14;
	v3 =	vmul.f32 $1.442695020e+00, v3;
	(erf) = vpow2.f32 v2;
	_ =	sdelay $0x1  }
0x244: {  	v4 =	vmul.f32 $1.442695020e+00, v4;
	v2 =	vsub.f32 v8, v14;
	(erf) = vpow2.f32 v3  }
0x245: {  	s5 =	simm.s32 $0x11E00  }
0x246: {  	s19 =	simm.s32 $0x11000;
	v15 =	vld [tilespmem:s5+$0x0];
	v3 =	vsub.f32 v9, v14;
	v5 =	vmul.f32 $1.442695020e+00, v2;
	(erf) = vpow2.f32 v4  }
0x247: {  	v16 =	vld [tilespmem:s19+$0x0];
	v17 =	vsub.f32 v10, v14;
	v19 =	vsub.f32 v11, v14  }
0x248: {  	s8 =	simm.s32 $0x12500;
	v54 =	vsub.f32 v12, v14;
	v18 =	vmul.f32 $1.442695020e+00, v3;
	(erf) = vpow2.f32 v5  }
0x249: {  	s7 =	sshll.u32 s18, $0x4;
	v20 =	vld [tilespmem:s8+$0x0];
	v21 =	vsub.f32 v13, v14;
	v17 =	vmul.f32 $1.442695020e+00, v17;
	v19 =	vmul.f32 $1.442695020e+00, v19  }
0x24a: {  	s28 =	sor.u32 $0x1, s7;
	v55 =	vmul.f32 $1.442695020e+00, v54;
	(erf) = vpow2.f32 v18  }
0x24b: {  	v57 =	vmul.f32 $1.442695020e+00, v21;
	v2 =	vmov s7;
	v3 =	vmov s28;
	v22 =	vpop (erf)  }
0x24c: {  	s12 =	sor.u32 $0x2, s7;
	vm0 =	veq.s32 v16, v2;
	(erf) = vpow2.f32 v17;
	v15 =	vmul.f32 v22, v15  }
0x24d: {  	v4 =	vmov s12;
	vm1 =	veq.s32 v16, v3;
	v6 =	vnsel vm0, $0x0, v6;
	v56 =	vpop (erf)  }
0x24e: {  	s12 =	sor.u32 $0x3, s7;
	v6 =	vadd.f32 v6, v20;
	(erf) = vpow2.f32 v19;
	v15 =	vadd.f32 v15, v56  }
0x24f: {  	vm10 =	veq.s32 v16, v4;
	v5 =	vmov s12;
	v7 =	vnsel vm1, $0x0, v7;
	v58 =	vpop (erf)  }
0x250: {  	v6 =	vadd.f32 v6, v7;
	(erf) = vpow2.f32 v55;
	v15 =	vadd.f32 v15, v58  }
0x251: {  	vm11 =	veq.s32 v16, v5;
	v7 =	vnsel vm10, $0x0, v8;
	v8 =	vpop (erf)  }
0x252: {  	s15 =	sor.u32 $0x4, s7;
	v7 =	vadd.f32 v6, v7;
	(erf) = vpow2.f32 v57;
	v8 =	vadd.f32 v15, v8  }
0x253: {  	v9 =	vnsel vm11, $0x0, v9;
	v6 =	vmov s15;
	v59 =	vpop (erf)  }
0x254: {  	s16 =	sor.u32 $0x5, s7;
	vm12 =	veq.s32 v16, v6;
	v9 =	vadd.f32 v7, v9;
	v8 =	vadd.f32 v8, v59  }
0x255: {  	v7 =	vmov s16;
	v10 =	vnsel vm12, $0x0, v10;
	v60 =	vpop (erf)  }
0x256: {  	s19 =	sor.u32 $0x6, s7;
	vm13 =	veq.s32 v16, v7;
	v9 =	vadd.f32 v9, v10;
	v15 =	vadd.f32 v8, v60  }
0x257: {  	v10 =	vnsel vm13, $0x0, v11;
	v11 =	vpop (erf);
	v8 =	vmov s19  }
0x258: {  	s28 =	sor.u32 $0x7, s7;
	v10 =	vadd.f32 v9, v10;
	vm14 =	veq.s32 v16, v8;
	v11 =	vadd.f32 v15, v11  }
0x259: {  	v9 =	vmov s28;
	v61 =	vpop (erf);
	v12 =	vnsel vm14, $0x0, v12  }
0x25a: {  	vm15 =	veq.s32 v16, v9;
	v10 =	vadd.f32 v10, v12;
	v11 =	vadd.f32 v11, v61  }
0x25b: {  	s7 =	simm.s32 $0x10;
	s12 =	simm.s32 $0x11010;
	v62 =	vnsel vm15, $0x0, v13;
	v63 =	vpop (erf)  }
0x25c: {  	[tilespmem:s1+$0x0] =	vst v14;
	s15 =	simm.s32 $0x11E00;
	s16 =	simm.s32 $0x12510;
	s19 =	simm.s32 $0x0;
	v10 =	vadd.f32 v10, v62;
	v11 =	vadd.f32 v11, v63  }
.LBB2_19:
0x25d: {  	s19 =	sadd.s32 $0x80, s19;
	s1 =	sadd.s32 $0x10, s1;
	s5 =	sadd.s32 $0x10, s5  }
0x25e: {  	s3 =	sand.u32 $0x70, s7;
	p0 =	sne.s32 s7, $0x6F0;
	s28 =	sand.u32 $0x3C00, s19;
	[tilespmem:s15+$0x0] =	vst v11  }
0x25f: {  	s7 =	sadd.s32 $0x10, s7;
	s15 =	smov.u32 s5;
	s3 =	sor.u32 s3, s28;
	[tilespmem:s8+$0x0] =	vst v10  }
0x260: {  	s8 =	smov.u32 s16;
	v10 =	vld [tilespmem:s3+$0xA100]  }
0x261: {  	v11 =	vld [tilespmem:s3+$0xA000]  }
0x262: {  	v12 =	vld [tilespmem:s3+$0xA080]  }
0x263: {  	v13 =	vld [tilespmem:s3+$0xA180]  }
0x264: {  	v14 =	vld [tilespmem:s3+$0xA200]  }
0x265: {  	v15 =	vld [tilespmem:s3+$0xA280]  }
0x266: {  	v16 =	vld [tilespmem:s3+$0xA300]  }
0x267: {  	v17 =	vld [tilespmem:s3+$0xA380];
	v18 =	vmax.f32 v11, v12  }
0x268: {  	v18 =	vmax.f32 v18, v10;
	v19 =	vld [tilespmem:s1+$0x0]  }
0x269: {  	v18 =	vmax.f32 v18, v13  }
0x26a: {  	v18 =	vmax.f32 v18, v14  }
0x26b: {  	v18 =	vmax.f32 v18, v15  }
0x26c: {  	v18 =	vmax.f32 v18, v16  }
0x26d: {  	v18 =	vmax.f32 v18, v17  }
0x26e: {  	v18 =	vmax.f32 v19, v18  }
0x26f: {  	v19 =	vsub.f32 v19, v18;
	v20 =	vsub.f32 v11, v18  }
0x270: {  	v21 =	vsub.f32 v12, v18;
	v22 =	vsub.f32 v10, v18  }
0x271: {  	v23 =	vsub.f32 v13, v18;
	v19 =	vmul.f32 $1.442695020e+00, v19;
	v20 =	vmul.f32 $1.442695020e+00, v20  }
0x272: {  	v24 =	vsub.f32 v14, v18;
	v21 =	vmul.f32 $1.442695020e+00, v21;
	v22 =	vmul.f32 $1.442695020e+00, v22  }
0x273: {  	v25 =	vsub.f32 v15, v18;
	v23 =	vmul.f32 $1.442695020e+00, v23;
	(erf) = vpow2.f32 v19  }
0x274: {  	v19 =	vmul.f32 $1.442695020e+00, v24;
	v24 =	vsub.f32 v16, v18;
	(erf) = vpow2.f32 v20  }
0x275: {  	v20 =	vmul.f32 $1.442695020e+00, v25;
	v25 =	vsub.f32 v17, v18  }
0x276: {  	v24 =	vmul.f32 $1.442695020e+00, v24;
	v26 =	vld [tilespmem:s16+$0x0];
	(erf) = vpow2.f32 v21  }
0x277: {  	v25 =	vmul.f32 $1.442695020e+00, v25;
	v21 =	vld [tilespmem:s5+$0x0]  }
0x278: {  	v27 =	vld [tilespmem:s12+$0x0];
	(erf) = vpow2.f32 v22  }
0x279: {  	[tilespmem:s1+$0x0] =	vst v18  }
0x27a: {  	(erf) = vpow2.f32 v23;
	_ =	sdelay $0x1  }
0x27b: {  	v18 =	vpop (erf);
	(erf) = vpow2.f32 v19  }
0x27c: {  	v18 =	vmul.f32 v18, v21;
	vm0 =	veq.s32 v27, v2;
	vm1 =	veq.s32 v27, v3;
	v19 =	vpop (erf)  }
0x27d: {  	v11 =	vnsel vm0, $0x0, v11;
	v12 =	vnsel vm1, $0x0, v12;
	(erf) = vpow2.f32 v20  }
0x27e: {  	vm0 =	veq.s32 v27, v4;
	v18 =	vadd.f32 v18, v19;
	v11 =	vadd.f32 v11, v26;
	v19 =	vpop (erf)  }
0x27f: {  	v10 =	vnsel vm0, $0x0, v10;
	vm0 =	veq.s32 v27, v5;
	(erf) = vpow2.f32 v24  }
0x280: {  	v18 =	vadd.f32 v18, v19;
	v11 =	vadd.f32 v11, v12;
	v12 =	vnsel vm0, $0x0, v13;
	v13 =	vpop (erf)  }
0x281: {  	vm1 =	veq.s32 v27, v7;
	vm0 =	veq.s32 v27, v6;
	(erf) = vpow2.f32 v25  }
0x282: {  	v13 =	vadd.f32 v18, v13;
	v10 =	vadd.f32 v11, v10;
	v11 =	vnsel vm0, $0x0, v14;
	v14 =	vpop (erf)  }
0x283: {  	v15 =	vnsel vm1, $0x0, v15;
	vm1 =	veq.s32 v27, v9;
	vm0 =	veq.s32 v27, v8  }
0x284: {  	v13 =	vadd.f32 v13, v14;
	v10 =	vadd.f32 v10, v12;
	v12 =	vnsel vm0, $0x0, v16;
	v14 =	vpop (erf)  }
0x285: {  	v16 =	vnsel vm1, $0x0, v17  }
0x286: {  	v14 =	vadd.f32 v13, v14;
	v10 =	vadd.f32 v10, v11;
	v11 =	vpop (erf);
	_ =	sdelay $0x1  }
.Ltmp8:
0x287: {  	v11 =	vadd.f32 v14, v11;
	v10 =	vadd.f32 v10, v15;
	v13 =	vpop (erf);
	(pc) =	sbr.rel @p0 .LBB2_19-.Ltmp8, $3  }
0x288: {  	_ = 	snop  }
0x289: {  	v11 =	vadd.f32 v11, v13;
	v10 =	vadd.f32 v10, v12;
	v12 =	vpop (erf);
	_ =	sdelay $0x1  }
0x28a: {  	s16 =	sadd.s32 $0x10, s16;
	s12 =	sadd.s32 $0x10, s12;
	v11 =	vadd.f32 v11, v12;
	v10 =	vadd.f32 v10, v16  }
0x28b: {  	p0 =	seq.s32 s18, $0x7  }
0x28c: {  	s1 =	smul.u32 @!p0 $0x240000, s18  }
0x28d: {  	s3 =	rddreg [dreg:$0x12]  }
0x28e: {  	s1 =	sadd.s32 @!p0 s3, s1  }
0x28f: {  	[tilespmem:s15+$0x0] =	vst v11;
	s5 =	simm.s32 @!p0 $0x24000;
	s1 =	sshrl.u32 @!p0 s1, $0x3  }
0x290: {  	s7 =	simm.s32 @!p0 $0xA000;
	[tilespmem:s8+$0x0] =	vst v10;
	s3 =	simm.s32 @!p0 $0x80;
	s1 =	sadd.s32 @!p0 s4, s1  }
0x291: {  	[tilespmem:s7], [sflag:$0x3] =	stream.strided.gather @!p0 [hbm4b:s1+s3], $0x400, s5, s3, $0x38;
	[tilespmem:$0x12C00] =	vst v63  }
0x292: {  	s8 =	simm.s32 @!p0 $0xA400;
	s7 =	sadd.s32 @!p0 $0x80, s1  }
0x293: {  	[tilespmem:s8], [sflag:$0x3] =	stream.strided.gather @!p0 [hbm4b:s7+s3], $0x400, s5, s3, $0x38;
	[tilespmem:$0x12C00] =	vst v63  }
0x294: {  	s7 =	sadd.s32 @!p0 $0x100, s1;
	s8 =	simm.s32 @!p0 $0xA800  }
0x295: {  	[tilespmem:s8], [sflag:$0x3] =	stream.strided.gather @!p0 [hbm4b:s7+s3], $0x400, s5, s3, $0x38;
	[tilespmem:$0x12C00] =	vst v63  }
0x296: {  	s7 =	sadd.s32 @!p0 $0x180, s1;
	s8 =	simm.s32 @!p0 $0xAC00  }
0x297: {  	[tilespmem:s8], [sflag:$0x3] =	stream.strided.gather @!p0 [hbm4b:s7+s3], $0x400, s5, s3, $0x38;
	[tilespmem:$0x12C00] =	vst v63  }
0x298: {  	s7 =	sadd.s32 @!p0 $0x200, s1;
	s8 =	simm.s32 @!p0 $0xB000  }
0x299: {  	[tilespmem:s8], [sflag:$0x3] =	stream.strided.gather @!p0 [hbm4b:s7+s3], $0x400, s5, s3, $0x38;
	[tilespmem:$0x12C00] =	vst v63  }
0x29a: {  	s7 =	sadd.s32 @!p0 $0x280, s1;
	s8 =	simm.s32 @!p0 $0xB400  }
0x29b: {  	[tilespmem:s8], [sflag:$0x3] =	stream.strided.gather @!p0 [hbm4b:s7+s3], $0x400, s5, s3, $0x38;
	[tilespmem:$0x12C00] =	vst v63  }
0x29c: {  	s7 =	sadd.s32 @!p0 $0x300, s1;
	s8 =	simm.s32 @!p0 $0xB800  }
0x29d: {  	[tilespmem:s8], [sflag:$0x3] =	stream.strided.gather @!p0 [hbm4b:s7+s3], $0x400, s5, s3, $0x38;
	[tilespmem:$0x12C00] =	vst v63  }
0x29e: {  	s7 =	sadd.s32 @!p0 $0x380, s1;
	s8 =	simm.s32 @!p0 $0xBC00  }
0x29f: {  	[tilespmem:s8], [sflag:$0x3] =	stream.strided.gather @!p0 [hbm4b:s7+s3], $0x400, s5, s3, $0x38;
	[tilespmem:$0x12C00] =	vst v63  }
0x2a0: {  	s7 =	sadd.s32 @!p0 $0x400, s1;
	s8 =	simm.s32 @!p0 $0xC000  }
0x2a1: {  	[tilespmem:s8], [sflag:$0x3] =	stream.strided.gather @!p0 [hbm4b:s7+s3], $0x400, s5, s3, $0x38;
	[tilespmem:$0x12C00] =	vst v63  }
0x2a2: {  	s7 =	sadd.s32 @!p0 $0x480, s1;
	s8 =	simm.s32 @!p0 $0xC400  }
0x2a3: {  	[tilespmem:s8], [sflag:$0x3] =	stream.strided.gather @!p0 [hbm4b:s7+s3], $0x400, s5, s3, $0x38;
	[tilespmem:$0x12C00] =	vst v63  }
0x2a4: {  	s7 =	sadd.s32 @!p0 $0x500, s1;
	s8 =	simm.s32 @!p0 $0xC800  }
0x2a5: {  	[tilespmem:s8], [sflag:$0x3] =	stream.strided.gather @!p0 [hbm4b:s7+s3], $0x400, s5, s3, $0x38;
	[tilespmem:$0x12C00] =	vst v63  }
0x2a6: {  	s7 =	sadd.s32 @!p0 $0x580, s1;
	s8 =	simm.s32 @!p0 $0xCC00  }
0x2a7: {  	[tilespmem:s8], [sflag:$0x3] =	stream.strided.gather @!p0 [hbm4b:s7+s3], $0x400, s5, s3, $0x38;
	[tilespmem:$0x12C00] =	vst v63  }
0x2a8: {  	s7 =	sadd.s32 @!p0 $0x600, s1;
	s8 =	simm.s32 @!p0 $0xD000  }
0x2a9: {  	[tilespmem:s8], [sflag:$0x3] =	stream.strided.gather @!p0 [hbm4b:s7+s3], $0x400, s5, s3, $0x38;
	[tilespmem:$0x12C00] =	vst v63  }
0x2aa: {  	s1 =	sadd.s32 @!p0 $0x680, s1;
	s7 =	simm.s32 @!p0 $0xD400  }
0x2ab: {  	[tilespmem:s7], [sflag:$0x3] =	stream.strided.gather @!p0 [hbm4b:s1+s3], $0x400, s5, s3, $0x38;
	[tilespmem:$0x12C00] =	vst v63  }
0x2ac: {  	s1 =	simm.s32 $0x0;
	_ =	swait.ge [sflag:s29], $0x3800  }
0x2ad: {  	s15 =	sand.u32 $0x70, s1;
	s16 =	sand.u32 $0x3C00, s1;
	[sflag:s29] =	ssyncset.done $0x0  }
0x2ae: {  	s3 =	sor.u32 s15, s16;
	[sflag:s29] =	ssyncadd.s32 $0xFFFFC800  }
0x2af: {  	v6 =	vld [tilespmem:s3+$0xD800]  }
0x2b0: {  	v7 =	vld [tilespmem:s3+$0xD880]  }
0x2b1: {  	v8 =	vld [tilespmem:s3+$0xD900]  }
0x2b2: {  	v9 =	vld [tilespmem:s3+$0xD980]  }
0x2b3: {  	v10 =	vld [tilespmem:s3+$0xDA00]  }
0x2b4: {  	v11 =	vld [tilespmem:s3+$0xDA80]  }
0x2b5: {  	v12 =	vld [tilespmem:s3+$0xDB00];
	v2 =	vmax.f32 v6, v7  }
0x2b6: {  	s5 =	simm.s32 $0x11700;
	v13 =	vld [tilespmem:s3+$0xDB80];
	v2 =	vmax.f32 v2, v8  }
0x2b7: {  	v3 =	vld [tilespmem:s5+$0x0];
	v2 =	vmax.f32 v2, v9  }
0x2b8: {  	v2 =	vmax.f32 v2, v10  }
0x2b9: {  	v2 =	vmax.f32 v2, v11  }
0x2ba: {  	v2 =	vmax.f32 v2, v12  }
0x2bb: {  	v2 =	vmax.f32 v2, v13  }
0x2bc: {  	v14 =	vmax.f32 v3, v2  }
0x2bd: {  	v2 =	vsub.f32 v3, v14;
	_ =	sdelay $0x1  }
0x2be: {  	v3 =	vsub.f32 v6, v14;
	v2 =	vmul.f32 $1.442695020e+00, v2;
	_ =	sdelay $0x1  }
0x2bf: {  	v4 =	vsub.f32 v7, v14;
	v3 =	vmul.f32 $1.442695020e+00, v3;
	(erf) = vpow2.f32 v2;
	_ =	sdelay $0x1  }
0x2c0: {  	v4 =	vmul.f32 $1.442695020e+00, v4;
	v2 =	vsub.f32 v8, v14;
	(erf) = vpow2.f32 v3  }
0x2c1: {  	s8 =	simm.s32 $0x11E00  }
0x2c2: {  	s19 =	simm.s32 $0x11000;
	v15 =	vld [tilespmem:s8+$0x0];
	v3 =	vsub.f32 v9, v14;
	v5 =	vmul.f32 $1.442695020e+00, v2;
	(erf) = vpow2.f32 v4  }
0x2c3: {  	v16 =	vld [tilespmem:s19+$0x0];
	v17 =	vsub.f32 v10, v14;
	v19 =	vsub.f32 v11, v14  }
0x2c4: {  	s7 =	simm.s32 $0x12500;
	v54 =	vsub.f32 v12, v14;
	v18 =	vmul.f32 $1.442695020e+00, v3;
	(erf) = vpow2.f32 v5  }
0x2c5: {  	s3 =	sshll.u32 s24, $0x3;
	v20 =	vld [tilespmem:s7+$0x0];
	v21 =	vsub.f32 v13, v14;
	v17 =	vmul.f32 $1.442695020e+00, v17;
	v19 =	vmul.f32 $1.442695020e+00, v19  }
0x2c6: {  	s12 =	sor.u32 $0x1, s3;
	v55 =	vmul.f32 $1.442695020e+00, v54;
	(erf) = vpow2.f32 v18  }
0x2c7: {  	v57 =	vmul.f32 $1.442695020e+00, v21;
	v2 =	vmov s3;
	v3 =	vmov s12;
	v22 =	vpop (erf)  }
0x2c8: {  	s28 =	sor.u32 $0x2, s3;
	vm0 =	veq.s32 v16, v2;
	(erf) = vpow2.f32 v17;
	v15 =	vmul.f32 v22, v15  }
0x2c9: {  	v4 =	vmov s28;
	vm1 =	veq.s32 v16, v3;
	v6 =	vnsel vm0, $0x0, v6;
	v56 =	vpop (erf)  }
0x2ca: {  	s15 =	sor.u32 $0x3, s3;
	v6 =	vadd.f32 v6, v20;
	(erf) = vpow2.f32 v19;
	v15 =	vadd.f32 v15, v56  }
0x2cb: {  	vm10 =	veq.s32 v16, v4;
	v5 =	vmov s15;
	v7 =	vnsel vm1, $0x0, v7;
	v58 =	vpop (erf)  }
0x2cc: {  	v6 =	vadd.f32 v6, v7;
	(erf) = vpow2.f32 v55;
	v15 =	vadd.f32 v15, v58  }
0x2cd: {  	vm11 =	veq.s32 v16, v5;
	v7 =	vnsel vm10, $0x0, v8;
	v8 =	vpop (erf)  }
0x2ce: {  	s16 =	sor.u32 $0x4, s3;
	v7 =	vadd.f32 v6, v7;
	(erf) = vpow2.f32 v57;
	v8 =	vadd.f32 v15, v8  }
0x2cf: {  	v9 =	vnsel vm11, $0x0, v9;
	v6 =	vmov s16;
	v59 =	vpop (erf)  }
0x2d0: {  	s19 =	sor.u32 $0x5, s3;
	vm12 =	veq.s32 v16, v6;
	v9 =	vadd.f32 v7, v9;
	v8 =	vadd.f32 v8, v59  }
0x2d1: {  	v7 =	vmov s19;
	v10 =	vnsel vm12, $0x0, v10;
	v60 =	vpop (erf)  }
0x2d2: {  	s3 =	sor.u32 $0x6, s3;
	vm13 =	veq.s32 v16, v7;
	v9 =	vadd.f32 v9, v10;
	v15 =	vadd.f32 v8, v60  }
0x2d3: {  	v10 =	vnsel vm13, $0x0, v11;
	v11 =	vpop (erf);
	v8 =	vmov s3  }
0x2d4: {  	s28 =	sshllo.u32 s24, $0x3;
	v10 =	vadd.f32 v9, v10;
	vm14 =	veq.s32 v16, v8;
	v11 =	vadd.f32 v15, v11  }
0x2d5: {  	v9 =	vmov s28;
	v61 =	vpop (erf);
	v12 =	vnsel vm14, $0x0, v12  }
0x2d6: {  	vm15 =	veq.s32 v16, v9;
	v10 =	vadd.f32 v10, v12;
	v11 =	vadd.f32 v11, v61  }
0x2d7: {  	s24 =	simm.s32 $0x10;
	v62 =	vnsel vm15, $0x0, v13;
	v63 =	vpop (erf)  }
0x2d8: {  	[tilespmem:s5+$0x0] =	vst v14;
	s12 =	simm.s32 $0x11010;
	s15 =	simm.s32 $0x11E00;
	s16 =	simm.s32 $0x12510;
	v10 =	vadd.f32 v10, v62;
	v11 =	vadd.f32 v11, v63  }
.LBB2_21:
0x2d9: {  	s1 =	sadd.s32 $0x80, s1;
	s5 =	sadd.s32 $0x10, s5;
	s8 =	sadd.s32 $0x10, s8  }
0x2da: {  	s3 =	sand.u32 $0x70, s24;
	p0 =	sne.s32 s24, $0x6F0;
	s19 =	sand.u32 $0x3C00, s1;
	[tilespmem:s15+$0x0] =	vst v11  }
0x2db: {  	s24 =	sadd.s32 $0x10, s24;
	s15 =	smov.u32 s8;
	s3 =	sor.u32 s3, s19;
	[tilespmem:s7+$0x0] =	vst v10  }
0x2dc: {  	s7 =	smov.u32 s16;
	v10 =	vld [tilespmem:s3+$0xD900]  }
0x2dd: {  	v11 =	vld [tilespmem:s3+$0xD800]  }
0x2de: {  	v12 =	vld [tilespmem:s3+$0xD880]  }
0x2df: {  	v13 =	vld [tilespmem:s3+$0xD980]  }
0x2e0: {  	v14 =	vld [tilespmem:s3+$0xDA00]  }
0x2e1: {  	v15 =	vld [tilespmem:s3+$0xDA80]  }
0x2e2: {  	v16 =	vld [tilespmem:s3+$0xDB00]  }
0x2e3: {  	v17 =	vld [tilespmem:s3+$0xDB80];
	v18 =	vmax.f32 v11, v12  }
0x2e4: {  	v18 =	vmax.f32 v18, v10;
	v19 =	vld [tilespmem:s5+$0x0]  }
0x2e5: {  	v18 =	vmax.f32 v18, v13  }
0x2e6: {  	v18 =	vmax.f32 v18, v14  }
0x2e7: {  	v18 =	vmax.f32 v18, v15  }
0x2e8: {  	v18 =	vmax.f32 v18, v16  }
0x2e9: {  	v18 =	vmax.f32 v18, v17  }
0x2ea: {  	v18 =	vmax.f32 v19, v18  }
0x2eb: {  	v19 =	vsub.f32 v19, v18;
	v20 =	vsub.f32 v11, v18  }
0x2ec: {  	v21 =	vsub.f32 v12, v18;
	v22 =	vsub.f32 v10, v18  }
0x2ed: {  	v23 =	vsub.f32 v13, v18;
	v19 =	vmul.f32 $1.442695020e+00, v19;
	v20 =	vmul.f32 $1.442695020e+00, v20  }
0x2ee: {  	v24 =	vsub.f32 v14, v18;
	v21 =	vmul.f32 $1.442695020e+00, v21;
	v22 =	vmul.f32 $1.442695020e+00, v22  }
0x2ef: {  	v25 =	vsub.f32 v15, v18;
	v23 =	vmul.f32 $1.442695020e+00, v23;
	(erf) = vpow2.f32 v19  }
0x2f0: {  	v19 =	vmul.f32 $1.442695020e+00, v24;
	v24 =	vsub.f32 v16, v18;
	(erf) = vpow2.f32 v20  }
0x2f1: {  	v20 =	vmul.f32 $1.442695020e+00, v25;
	v25 =	vsub.f32 v17, v18  }
0x2f2: {  	v24 =	vmul.f32 $1.442695020e+00, v24;
	v26 =	vld [tilespmem:s16+$0x0];
	(erf) = vpow2.f32 v21  }
0x2f3: {  	v25 =	vmul.f32 $1.442695020e+00, v25;
	v21 =	vld [tilespmem:s8+$0x0]  }
0x2f4: {  	v27 =	vld [tilespmem:s12+$0x0];
	(erf) = vpow2.f32 v22  }
0x2f5: {  	[tilespmem:s5+$0x0] =	vst v18  }
0x2f6: {  	(erf) = vpow2.f32 v23;
	_ =	sdelay $0x1  }
0x2f7: {  	v18 =	vpop (erf);
	(erf) = vpow2.f32 v19  }
0x2f8: {  	v18 =	vmul.f32 v18, v21;
	vm0 =	veq.s32 v27, v2;
	vm1 =	veq.s32 v27, v3;
	v19 =	vpop (erf)  }
0x2f9: {  	v11 =	vnsel vm0, $0x0, v11;
	v12 =	vnsel vm1, $0x0, v12;
	(erf) = vpow2.f32 v20  }
0x2fa: {  	vm0 =	veq.s32 v27, v4;
	v18 =	vadd.f32 v18, v19;
	v11 =	vadd.f32 v11, v26;
	v19 =	vpop (erf)  }
0x2fb: {  	v10 =	vnsel vm0, $0x0, v10;
	vm0 =	veq.s32 v27, v5;
	(erf) = vpow2.f32 v24  }
0x2fc: {  	v18 =	vadd.f32 v18, v19;
	v11 =	vadd.f32 v11, v12;
	v12 =	vnsel vm0, $0x0, v13;
	v13 =	vpop (erf)  }
0x2fd: {  	vm1 =	veq.s32 v27, v7;
	vm0 =	veq.s32 v27, v6;
	(erf) = vpow2.f32 v25  }
0x2fe: {  	v13 =	vadd.f32 v18, v13;
	v10 =	vadd.f32 v11, v10;
	v11 =	vnsel vm0, $0x0, v14;
	v14 =	vpop (erf)  }
0x2ff: {  	v15 =	vnsel vm1, $0x0, v15;
	vm1 =	veq.s32 v27, v9;
	vm0 =	veq.s32 v27, v8  }
0x300: {  	v13 =	vadd.f32 v13, v14;
	v10 =	vadd.f32 v10, v12;
	v12 =	vnsel vm0, $0x0, v16;
	v14 =	vpop (erf)  }
0x301: {  	v16 =	vnsel vm1, $0x0, v17  }
0x302: {  	v14 =	vadd.f32 v13, v14;
	v10 =	vadd.f32 v10, v11;
	v11 =	vpop (erf);
	_ =	sdelay $0x1  }
.Ltmp9:
0x303: {  	v11 =	vadd.f32 v14, v11;
	v10 =	vadd.f32 v10, v15;
	v13 =	vpop (erf);
	(pc) =	sbr.rel @p0 .LBB2_21-.Ltmp9, $3  }
0x304: {  	_ = 	snop  }
0x305: {  	v11 =	vadd.f32 v11, v13;
	v10 =	vadd.f32 v10, v12;
	v12 =	vpop (erf);
	_ =	sdelay $0x1  }
0x306: {  	s16 =	sadd.s32 $0x10, s16;
	s12 =	sadd.s32 $0x10, s12;
	v11 =	vadd.f32 v11, v12;
	v10 =	vadd.f32 v10, v16  }
0x307: {  	s18 =	sadd.s32 $0x1, s18  }
0x308: {  	p0 =	sne.s32 s18, $0x8  }
.Ltmp10:
0x309: {  	_ = 	snop;
	(pc) =	sbr.rel @p0 .LBB2_18-.Ltmp10, $3  }
0x30a: {  	_ =	sdelay $0x1  }
0x30b: {  	[tilespmem:s15+$0x0] =	vst v11  }
0x30c: {  	[tilespmem:s7+$0x0] =	vst v10  }
0x30d: {  	s1 =	rddreg [dreg:$0x13]  }
0x30e: {  	s5 =	simm.s32 $0x400;
	s3 =	simm.s32 $0x11700;
	s12 =	simm.s32 $0x5  }
0x30f: {  	[hbm4b:s1+s30] =	stream.strided.scatter [tilespmem:s3], [sflag:$0x5], $0x700, s5, s30, $0x38;
	[tilespmem:$0x12C00] =	vst v63  }
0x310: {  	_ =	swait.ge [sflag:s12], $0x700  }
0x311: {  	[sflag:s12] =	ssyncset.done $0x0  }
0x312: {  	s7 =	simm.s32 $0x11E00;
	s15 =	rddreg [dreg:$0x14];
	[sflag:s12] =	ssyncadd.s32 $0xFFFFF900  }
0x313: {  	[hbm4b:s15+s30] =	stream.strided.scatter [tilespmem:s7], [sflag:$0x5], $0x700, s5, s30, $0x38;
	[tilespmem:$0x12C00] =	vst v63  }
0x314: {  	_ =	swait.ge [sflag:s12], $0x700  }
0x315: {  	[sflag:s12] =	ssyncset.done $0x0  }
0x316: {  	s18 =	simm.s32 $0x12500;
	s16 =	rddreg [dreg:$0x15];
	[sflag:s12] =	ssyncadd.s32 $0xFFFFF900  }
0x317: {  	[hbm4b:s16+s30] =	stream.strided.scatter [tilespmem:s18], [sflag:$0x5], $0x700, s5, s30, $0x38;
	[tilespmem:$0x12C00] =	vst v63  }
0x318: {  	_ =	swait.ge [sflag:s12], $0x700  }
0x319: {  	s19 =	rddreg [dreg:$0x17]  }
0x31a: {  	s24 =	rddreg [dreg:$0x16];
	s5 =	sadd.s32 $0x1, s19  }
0x31b: {  	p0 =	sne.s32 s5, s24  }
.Ltmp11:
0x31c: {  	_ = 	snop;
	(pc) =	sbr.rel @p0 .LBB2_1-.Ltmp11, $4  }
0x31d: {  	[sflag:s12] =	ssyncset.done $0x0  }
0x31e: {  	[sflag:s12] =	ssyncadd.s32 $0xFFFFF900;
	s19 =	rddreg [dreg:$0x4]  }
0x31f: {  	s16 =	rddreg [dreg:$0x0]  }
0x320: {  	s28 =	simm.s32 $0x4000;
	s24 =	rddreg [dreg:$0x7]  }
0x321: {  	_ =	sfence.sel $0x180000  }
0x322: {  	[bflag:$0x0] =	sbarrier.arrive $0xFFFF  }
0x323: {  	_ =	strace $0x90000047  }
0x324: {  	s0 =	stileid.u32;
	[bflag:$0x2] =	sbarrier.arrive $0xFFFF  }
0x325: {  	p0 =	sne.s32 s0, $0x0;
	s0 =	rddreg [dreg:$0x3]  }
0x326: {  	s0 =	sadd.s32 @!p0 $0x100000, s0  }
0x327: {  	[sflag:s0] =	ssyncadd.tile.s32 @!p0 $0x1;
	_ =	shalt  }
.Lfunc_end2:
_tile_overlayer_lowered:
.L_overlay_start_2:
0x328: {  	(tag) =	ssettag $0x2  }
0x329: {  	s0 =	rddreg [dreg:$0x0];
	s2 =	stileid.u32  }
0x32a: {  	s1 =	rddreg [dreg:$0x1];
	p0 =	sne.s32 s2, $0x0  }
0x32b: {  	s3 =	rddreg [dreg:$0x2];
	[bflag:$0x3] =	sbarrier.arrive $0xFFFF;
	s2 =	simm.s32 @!p0 $0x1C05  }
0x32c: {  	[timem:s3], [sflag:s2] =	dma.local @!p0 [hbm:s0], s1  }
0x32d: {  	s0 =	simm.s32 @!p0 $0x5  }
0x32e: {  	_ =	swait.ge @!p0 [sflag:s0], s1  }
0x32f: {  	s1 =	ssub.s32 @!p0 $0x0, s1;
	[sflag:s0] =	ssyncset.done @!p0 $0x0  }
0x330: {  	[sflag:s0] =	ssyncadd.s32 @!p0 s1  }
0x331: {  	[bflag:$0x3] =	sbarrier.arrive $0xFFFF  }
0x332: {  	_ =	shalt  }

</sc_bundles>
